<compile_context>
chip_gen: v7x
topology: tpu7x:2x2x1
jax: 0.10.2.dev20260603
libtpu: 0.0.44.dev20260713+nightly
codegen_flags: <defaults>
</compile_context>

<pallas_src>
import jax
import jax.numpy as jnp
from jax import lax
from jax.experimental import pallas as pl
from jax.experimental.pallas import tpu as pltpu
from jax.experimental.pallas import tpu_sc as plsc

N = 10000
E = 320000
DN = 128
DE = 16
HID = 128

NC, NS = 2, 16
NW = NC * NS

F32 = jnp.float32

H0 = 166400
H1 = E - H0
BE = 3200

_MESH = plsc.VectorSubcoreMesh(
    core_axis_name="c", subcore_axis_name="s", num_cores=NC, num_subcores=NS)

GROUP = 80
GCHUNK = 5
GB = GROUP * GCHUNK


def _make_gather(e_lo, e_cnt):
    edges_t = e_cnt // NW
    iters = edges_t // GB

    def body(ps_hbm, pr_hbm, sidx_hbm, ridx_hbm, gs_hbm, gr_hbm,
             idx_v, buf_v, sem):
        cid = lax.axis_index("c")
        sid = lax.axis_index("s")
        wid = sid * NC + cid
        e0 = wid * edges_t

        def chunk(c, carry):
            src = e_lo + e0 + c * GB
            dst = e0 + c * GB
            pltpu.sync_copy(sidx_hbm.at[pl.ds(src, GB)], idx_v)
            descs = [
                pltpu.async_copy(ps_hbm.at[idx_v.at[pl.ds(j * GROUP, GROUP)]],
                                 buf_v.at[pl.ds(j * GROUP, GROUP)], sem)
                for j in range(GCHUNK)
            ]
            for d in descs:
                d.wait()
            pltpu.sync_copy(buf_v, gs_hbm.at[pl.ds(dst, GB)])

            pltpu.sync_copy(ridx_hbm.at[pl.ds(src, GB)], idx_v)
            descs = [
                pltpu.async_copy(pr_hbm.at[idx_v.at[pl.ds(j * GROUP, GROUP)]],
                                 buf_v.at[pl.ds(j * GROUP, GROUP)], sem)
                for j in range(GCHUNK)
            ]
            for d in descs:
                d.wait()
            pltpu.sync_copy(buf_v, gr_hbm.at[pl.ds(dst, GB)])
            return carry

        lax.fori_loop(0, iters, chunk, 0)

    return pl.kernel(
        body,
        out_type=(jax.ShapeDtypeStruct((e_cnt, DN), F32),
                  jax.ShapeDtypeStruct((e_cnt, DN), F32)),
        mesh=_MESH,
        scratch_types=[
            pltpu.VMEM((GB,), jnp.int32),
            pltpu.VMEM((GB, DN), F32),
            pltpu.SemaphoreType.DMA,
        ],
    )


_gather0 = _make_gather(0, H0)
_gather1 = _make_gather(H0, H1)

VW = 32
SROW = 128
ASTRIPE = 2 * N // NS


def _make_scatter(g_lo, v_cnt):
    n_groups = v_cnt // SROW
    s_base = n_groups // NW
    s_xtra = n_groups - s_base * NW

    def body(v_hbm, ii_hbm, out_hbm, idx_v, val_v, stripe_v, a_sh, sem):
        cid = lax.axis_index("c")
        sid = lax.axis_index("s")
        wid = sid * NC + cid

        z = jnp.zeros((16,), F32)

        def zrow(i, carry):
            stripe_v[i, pl.ds(0, 16)] = z
            stripe_v[i, pl.ds(16, 16)] = z
            return carry

        lax.fori_loop(0, ASTRIPE, zrow, 0)
        pltpu.sync_copy(stripe_v, a_sh.at[pl.ds(sid * ASTRIPE, ASTRIPE)])
        plsc.subcore_barrier()

        row0 = s_base * wid + jnp.minimum(wid, s_xtra)
        nrows = s_base + (wid < s_xtra).astype(jnp.int32)

        def chunk(c, carry):
            slot = lax.rem(c, 2)
            g = row0 + c
            pltpu.sync_copy(ii_hbm.at[pl.ds((g_lo + g) * SROW, SROW)],
                            idx_v.at[slot])
            pltpu.sync_copy(v_hbm.at[pl.ds(g * SROW, SROW)], val_v.at[slot])

            @pl.when(c > 0)
            def _():
                pltpu.make_async_copy(val_v.at[slot],
                                      a_sh.at[idx_v.at[slot]], sem).wait()

            pltpu.async_copy(val_v.at[slot], a_sh.at[idx_v.at[slot]], sem,
                             add=True)
            return carry

        lax.fori_loop(0, nrows, chunk, 0)

        @pl.when(nrows > 0)
        def _():
            pltpu.make_async_copy(val_v.at[0], a_sh.at[idx_v.at[0]],
                                  sem).wait()

        plsc.subcore_barrier()

        pltpu.sync_copy(a_sh.at[pl.ds(sid * ASTRIPE, ASTRIPE)], stripe_v)
        pltpu.sync_copy(stripe_v, out_hbm.at[cid, pl.ds(sid * ASTRIPE, ASTRIPE)])

    return pl.kernel(
        body,
        out_type=jax.ShapeDtypeStruct((NC, 2 * N, VW), F32),
        mesh=_MESH,
        scratch_types=[
            pltpu.VMEM((2, SROW), jnp.int32),
            pltpu.VMEM((2, SROW, VW), F32),
            pltpu.VMEM((ASTRIPE, VW), F32),
            pltpu.VMEM_SHARED((2 * N, VW), F32),
            pltpu.SemaphoreType.DMA,
        ],
        compiler_params=pltpu.CompilerParams(use_tc_tiling_on_sc=False),
    )


_scatter0 = _make_scatter(0, 2 * H0)
_scatter1 = _make_scatter(2 * H0 // SROW, 2 * H1)

BN1 = 2000


def _proj_body(nodes_ref, ws_ref, wr_ref, ps_ref, pr_ref):
    x = nodes_ref[...]
    ps_ref[...] = jnp.dot(x, ws_ref[...], preferred_element_type=F32)
    pr_ref[...] = jnp.dot(x, wr_ref[...], preferred_element_type=F32)


_proj = pl.pallas_call(
    _proj_body,
    grid=(N // BN1,),
    in_specs=[
        pl.BlockSpec((BN1, DN), lambda i: (i, 0)),
        pl.BlockSpec((DN, DN), lambda i: (0, 0)),
        pl.BlockSpec((DN, DN), lambda i: (0, 0)),
    ],
    out_specs=(pl.BlockSpec((BN1, DN), lambda i: (i, 0)),
               pl.BlockSpec((BN1, DN), lambda i: (i, 0))),
    out_shape=(jax.ShapeDtypeStruct((N, DN), F32),
               jax.ShapeDtypeStruct((N, DN), F32)),
)


def _edge_body(edges_ref, gs_ref, gr_ref, we_ref, eb1_ref, ew2_ref, eb2_ref,
               eg_ref, ebeta_ref, wsr_ref, bsr_ref, eo_ref, v_ref):
    ed = edges_ref[...]
    h = (jnp.dot(ed, we_ref[...], preferred_element_type=F32)
         + gs_ref[...] + gr_ref[...] + eb1_ref[...])
    h = jnp.maximum(h, 0.0)
    o = jnp.dot(h, ew2_ref[...], preferred_element_type=F32) + eb2_ref[...]
    mu = jnp.mean(o, axis=-1, keepdims=True)
    var = jnp.mean((o - mu) ** 2, axis=-1, keepdims=True)
    u = (o - mu) * lax.rsqrt(var + 1e-5) * eg_ref[...] + ebeta_ref[...]
    eo_ref[...] = ed + u
    lg = jnp.dot(ed, wsr_ref[...], preferred_element_type=F32) + bsr_ref[...]
    ee = jnp.exp(lg)
    es = ee[:, 0:1]
    er = ee[:, 1:2]
    pad = jnp.zeros((BE, VW - DE - 1), F32)
    v_ref[...] = jnp.concatenate([u * es, es, pad, u * er, er, pad], axis=1)


def _make_edge(b_lo, e_cnt):
    return pl.pallas_call(
        _edge_body,
        grid=(e_cnt // BE,),
        in_specs=[
            pl.BlockSpec((BE, DE), lambda i: (i + b_lo, 0)),
            pl.BlockSpec((BE, DN), lambda i: (i, 0)),
            pl.BlockSpec((BE, DN), lambda i: (i, 0)),
            pl.BlockSpec((DE, DN), lambda i: (0, 0)),
            pl.BlockSpec((1, DN), lambda i: (0, 0)),
            pl.BlockSpec((DN, DE), lambda i: (0, 0)),
            pl.BlockSpec((1, DE), lambda i: (0, 0)),
            pl.BlockSpec((1, DE), lambda i: (0, 0)),
            pl.BlockSpec((1, DE), lambda i: (0, 0)),
            pl.BlockSpec((DE, 2), lambda i: (0, 0)),
            pl.BlockSpec((1, 2), lambda i: (0, 0)),
        ],
        out_specs=(pl.BlockSpec((BE, DE), lambda i: (i, 0)),
                   pl.BlockSpec((BE, 2 * VW), lambda i: (i, 0))),
        out_shape=(jax.ShapeDtypeStruct((e_cnt, DE), F32),
                   jax.ShapeDtypeStruct((e_cnt, 2 * VW), F32)),
    )


_edge0 = _make_edge(0, H0)
_edge1 = _make_edge(H0 // BE, H1)

BN = 2000


def _node_body(nodes_ref, as0_ref, ar0_ref, as1_ref, ar1_ref,
               w1n_ref, w1r_ref, w1s_ref, nb1_ref,
               nw2_ref, nb2_ref, ng_ref, nbeta_ref, out_ref):
    x = nodes_ref[...]
    a_s = as0_ref[0] + as0_ref[1] + as1_ref[0] + as1_ref[1]
    a_r = ar0_ref[0] + ar0_ref[1] + ar1_ref[0] + ar1_ref[1]
    ss = a_s[:, DE:DE + 1]
    sr = a_r[:, DE:DE + 1]
    sent = jnp.where(ss > 0, a_s[:, :DE] / jnp.where(ss > 0, ss, 1.0), 0.0)
    recv = jnp.where(sr > 0, a_r[:, :DE] / jnp.where(sr > 0, sr, 1.0), 0.0)
    h = (jnp.dot(x, w1n_ref[...], preferred_element_type=F32)
         + jnp.dot(recv, w1r_ref[...], preferred_element_type=F32)
         + jnp.dot(sent, w1s_ref[...], preferred_element_type=F32)
         + nb1_ref[...])
    h = jnp.maximum(h, 0.0)
    o = jnp.dot(h, nw2_ref[...], preferred_element_type=F32) + nb2_ref[...]
    mu = jnp.mean(o, axis=-1, keepdims=True)
    var = jnp.mean((o - mu) ** 2, axis=-1, keepdims=True)
    out_ref[...] = x + ((o - mu) * lax.rsqrt(var + 1e-5) * ng_ref[...]
                        + nbeta_ref[...])


_A_SPEC_S = pl.BlockSpec((NC, BN, VW), lambda i: (0, i, 0))
_A_SPEC_R = pl.BlockSpec((NC, BN, VW), lambda i: (0, i + N // BN, 0))

_node = pl.pallas_call(
    _node_body,
    grid=(N // BN,),
    in_specs=[
        pl.BlockSpec((BN, DN), lambda i: (i, 0)),
        _A_SPEC_S,
        _A_SPEC_R,
        _A_SPEC_S,
        _A_SPEC_R,
        pl.BlockSpec((DN, DN), lambda i: (0, 0)),
        pl.BlockSpec((DE, DN), lambda i: (0, 0)),
        pl.BlockSpec((DE, DN), lambda i: (0, 0)),
        pl.BlockSpec((1, DN), lambda i: (0, 0)),
        pl.BlockSpec((DN, DN), lambda i: (0, 0)),
        pl.BlockSpec((1, DN), lambda i: (0, 0)),
        pl.BlockSpec((1, DN), lambda i: (0, 0)),
        pl.BlockSpec((1, DN), lambda i: (0, 0)),
    ],
    out_specs=pl.BlockSpec((BN, DN), lambda i: (i, 0)),
    out_shape=jax.ShapeDtypeStruct((N, DN), F32),
)


def kernel(nodes, edges, senders, receivers,
           eW1, eb1, eW2, eb2, eg, ebeta,
           nW1, nb1, nW2, nb2, ng, nbeta,
           rW, rb, sW, sb):
    we = eW1[:DE]
    ws = eW1[DE:DE + DN]
    wr = eW1[DE + DN:]

    ps, pr = _proj(nodes, ws, wr)

    gs0, gr0 = _gather0(ps, pr, senders, receivers)
    gs1, gr1 = _gather1(ps, pr, senders, receivers)

    wsr = jnp.concatenate([sW, rW], axis=1)
    bsr = jnp.concatenate([sb, rb]).reshape(1, 2)
    ew = (we, eb1.reshape(1, HID), eW2, eb2.reshape(1, DE),
          eg.reshape(1, DE), ebeta.reshape(1, DE), wsr, bsr)
    eo0, v0 = _edge0(edges, gs0, gr0, *ew)
    eo1, v1 = _edge1(edges, gs1, gr1, *ew)

    ii = jnp.stack([senders, receivers + N], axis=1).reshape(2 * E)
    a0 = _scatter0(v0.reshape(2 * H0, VW), ii)
    a1 = _scatter1(v1.reshape(2 * H1, VW), ii)

    nodes_out = _node(nodes, a0, a0, a1, a1,
                      nW1[:DN], nW1[DN:DN + DE], nW1[DN + DE:],
                      nb1.reshape(1, HID), nW2, nb2.reshape(1, DN),
                      ng.reshape(1, DN), nbeta.reshape(1, DN))
    edges_out = jnp.concatenate([eo0, eo1])
    return nodes_out, edges_out

# --- scband reference (transcript-rebuilt; emitter-appended) ---
"""Pipeline reference for scband-attention-interaction-network-40604620816455 (READ-ONLY COPY).

The authoritative reference and input builder live on the scoring server;
editing this copy changes nothing except your own understanding.
"""

import jax, jax.numpy as jnp
import numpy as np

N = 10000
E = 320000
D_NODE = 128
D_EDGE = 16
HID = 128
EDGE_IN = D_NODE + D_NODE + D_EDGE  # 272
NODE_IN = D_NODE + D_EDGE + D_EDGE  # 160


def setup_inputs(seed: int = 0) -> dict:
    key = jax.random.key(seed)
    ks = jax.random.split(key, 20)
    nodes = jax.random.normal(ks[0], (N, D_NODE), dtype=jnp.float32)
    edges = jax.random.normal(ks[1], (E, D_EDGE), dtype=jnp.float32)
    senders = jax.random.randint(ks[2], (E,), 0, N, dtype=jnp.int32)
    receivers = jax.random.randint(ks[3], (E,), 0, N, dtype=jnp.int32)
    s = 0.05
    return {
        'nodes': nodes,
        'edges': edges,
        'senders': senders,
        'receivers': receivers,
        # edge MLP (in=272 -> hid=128 -> out=16) + LayerNorm
        'eW1': jax.random.normal(ks[4], (EDGE_IN, HID), jnp.float32) * s,
        'eb1': jnp.zeros((HID,), jnp.float32),
        'eW2': jax.random.normal(ks[5], (HID, D_EDGE), jnp.float32) * s,
        'eb2': jnp.zeros((D_EDGE,), jnp.float32),
        'eg': jnp.ones((D_EDGE,), jnp.float32),
        'ebeta': jnp.zeros((D_EDGE,), jnp.float32),
        # node MLP (in=160 -> hid=128 -> out=128) + LayerNorm
        'nW1': jax.random.normal(ks[6], (NODE_IN, HID), jnp.float32) * s,
        'nb1': jnp.zeros((HID,), jnp.float32),
        'nW2': jax.random.normal(ks[7], (HID, D_NODE), jnp.float32) * s,
        'nb2': jnp.zeros((D_NODE,), jnp.float32),
        'ng': jnp.ones((D_NODE,), jnp.float32),
        'nbeta': jnp.zeros((D_NODE,), jnp.float32),
        # attention linears (edge_in=16 -> 1)
        'rW': jax.random.normal(ks[8], (D_EDGE, 1), jnp.float32) * s,
        'rb': jnp.zeros((1,), jnp.float32),
        'sW': jax.random.normal(ks[9], (D_EDGE, 1), jnp.float32) * s,
        'sb': jnp.zeros((1,), jnp.float32),
    }


def _mlp_ln(x, W1, b1, W2, b2, g, beta):
    h = jax.nn.relu(x @ W1 + b1)
    o = h @ W2 + b2
    mu = jnp.mean(o, axis=-1, keepdims=True)
    var = jnp.var(o, axis=-1, keepdims=True)
    return (o - mu) / jnp.sqrt(var + 1e-5) * g + beta


def _segment_softmax(logits, seg, num_segments):
    m = jax.ops.segment_max(logits, seg, num_segments=num_segments)
    m = jnp.where(jnp.isfinite(m), m, 0.0)
    e = jnp.exp(logits - m[seg])
    ssum = jax.ops.segment_sum(e, seg, num_segments=num_segments)
    return e / ssum[seg]


def reference(nodes, edges, senders, receivers,
              eW1, eb1, eW2, eb2, eg, ebeta,
              nW1, nb1, nW2, nb2, ng, nbeta,
              rW, rb, sW, sb):
    num_segments = nodes.shape[0]
    sent_attributes = nodes[senders]
    received_attributes = nodes[receivers]
    receive_attn = _segment_softmax(edges @ rW + rb, receivers, num_segments)
    send_attn = _segment_softmax(edges @ sW + sb, senders, num_segments)
    edge_features = jnp.concatenate([edges, sent_attributes, received_attributes], axis=1)
    updated_edges = _mlp_ln(edge_features, eW1, eb1, eW2, eb2, eg, ebeta)
    sent_agg = jax.ops.segment_sum(updated_edges * send_attn, senders, num_segments=num_segments)
    recv_agg = jax.ops.segment_sum(updated_edges * receive_attn, receivers, num_segments=num_segments)
    node_features = jnp.concatenate([nodes, recv_agg, sent_agg], axis=1)
    updated_nodes = _mlp_ln(node_features, nW1, nb1, nW2, nb2, ng, nbeta)
    nodes_out = nodes + updated_nodes
    edges_out = edges + updated_edges
    return nodes_out, edges_out

if __name__ == "__main__":
    import jax
    _d = setup_inputs()
    print(jax.jit(kernel)(*tuple(_d.values())))

</pallas_src>

<mosaic_0001>
#map = affine_map<(d0, d1) -> (0, 0)>
#map1 = affine_map<(d0, d1) -> (0)>
#map2 = affine_map<(d0, d1) -> (0, 0, 0)>
module attributes {stable_mosaic.version = 14 : i64} {
  func.func @body(%arg0: i32, %arg1: i32, %arg2: memref<307200x32xf32, #tpu.memory_space<hbm>>, %arg3: memref<640000xi32, #tpu.memory_space<hbm>>, %arg4: memref<2x20000x32xf32, #tpu.memory_space<hbm>>, %arg5: memref<2x128xi32, #tpu.memory_space<vmem>>, %arg6: memref<2x128x32xf32, #tpu.memory_space<vmem>>, %arg7: memref<1250x32xf32, #tpu.memory_space<vmem>>, %arg8: memref<20000x32xf32, #tpu.memory_space<vmem_shared>>, %arg9: memref<!tpu.dma_semaphore, #tpu.memory_space<semaphore_mem>>) attributes {dimension_semantics = [#tpu.dimension_semantics<core_parallel>, #tpu.dimension_semantics<subcore_parallel>], iteration_bounds = array<i64: 2, 16>, scalar_prefetch = 0 : i64, scratch_operands = 5 : i64, tpu.core_type = #tpu.core_type<sc_vector_subcore>, window_params = [{transform_indices = #map}, {transform_indices = #map1}, {transform_indices = #map2}]} {
    %mul3A = arith.constant 2 : i32
    %mul3A_0 = arith.muli %arg1, %mul3A : i32
    %add3A = arith.addi %mul3A_0, %arg0 : i32
    %broadcast_in_dim3A = arith.constant 0.000000e+00 : f32
    %broadcast_in_dim3A_1 = vector.broadcast %broadcast_in_dim3A : f32 to vector<16xf32>
    %scan3A = arith.constant 0 : i32
    %scan3A_2 = arith.constant 0 : i32
    %scan3A_3 = arith.constant 1250 : i32
    %scan3A_4 = arith.addi %scan3A_2, %scan3A_3 : i32
    %scan3A_5 = arith.constant 1 : i32
    scf.for %scan3A_33 = %scan3A_2 to %scan3A_4 step %scan3A_5  : i32 {
      %swap3A = arith.index_cast %scan3A_33 : i32 to index
      %swap3A_34 = arith.constant 0 : index
      %swap3A_35 = tpu.vector_load %arg7[%swap3A, %swap3A_34] {strides = array<i32>} : memref<1250x32xf32, #tpu.memory_space<vmem>>, vector<1x16xf32>,
      %swap3A_36 = vector.shape_cast %swap3A_35 : vector<1x16xf32> to vector<16xf32>
      %swap3A_37 = vector.shape_cast %broadcast_in_dim3A_1 : vector<16xf32> to vector<1x16xf32>
      tpu.vector_store %arg7[%swap3A, %swap3A_34], %swap3A_37 {strides = array<i32>} : memref<1250x32xf32, #tpu.memory_space<vmem>>, vector<1x16xf32>,
      %swap3A_38 = arith.index_cast %scan3A_33 : i32 to index
      %swap3A_39 = arith.constant 16 : index
      %swap3A_40 = tpu.vector_load %arg7[%swap3A_38, %swap3A_39] {strides = array<i32>} : memref<1250x32xf32, #tpu.memory_space<vmem>>, vector<1x16xf32>,
      %swap3A_41 = vector.shape_cast %swap3A_40 : vector<1x16xf32> to vector<16xf32>
      %swap3A_42 = vector.shape_cast %broadcast_in_dim3A_1 : vector<16xf32> to vector<1x16xf32>
      tpu.vector_store %arg7[%swap3A_38, %swap3A_39], %swap3A_42 {strides = array<i32>} : memref<1250x32xf32, #tpu.memory_space<vmem>>, vector<1x16xf32>,
    }
    %scan3A_6 = arith.constant 1250 : i32
    %mul3A_7 = arith.constant 1250 : i32
    %mul3A_8 = arith.muli %arg1, %mul3A_7 : i32
    "tpu.region"() ({
      %run_scoped3A = tpu.sem_alloc : memref<!tpu.dma_semaphore, #tpu.memory_space<semaphore_mem>>
      %dma_start3A = arith.constant 0 : i32
      %dma_start3A_33 = tpu.memref_slice %arg8[%mul3A_8, %dma_start3A] : memref<20000x32xf32, #tpu.memory_space<vmem_shared>> -> memref<1250x32xf32, #tpu.memory_space<vmem_shared>>
      %dma_start3A_34 = arith.constant 0 : i32
      %dma_start3A_35 = tpu.memref_slice %arg8[%mul3A_8, %dma_start3A_34] : memref<20000x32xf32, #tpu.memory_space<vmem_shared>> -> memref<1250x32xf32, #tpu.memory_space<vmem_shared>>
      tpu.enqueue_dma source(%arg7 : memref<1250x32xf32, #tpu.memory_space<vmem>>) target(%dma_start3A_35 : memref<1250x32xf32, #tpu.memory_space<vmem_shared>>) target_semaphore(%run_scoped3A : memref<!tpu.dma_semaphore, #tpu.memory_space<semaphore_mem>>)
      %dma_wait3A = arith.constant 0 : i32
      %dma_wait3A_36 = tpu.memref_slice %arg8[%mul3A_8, %dma_wait3A] : memref<20000x32xf32, #tpu.memory_space<vmem_shared>> -> memref<1250x32xf32, #tpu.memory_space<vmem_shared>>
      %dma_wait3A_37 = arith.constant 0 : i32
      %dma_wait3A_38 = tpu.memref_slice %arg8[%mul3A_8, %dma_wait3A_37] : memref<20000x32xf32, #tpu.memory_space<vmem_shared>> -> memref<1250x32xf32, #tpu.memory_space<vmem_shared>>
      tpu.wait_dma2 semaphore(%run_scoped3A : memref<!tpu.dma_semaphore, #tpu.memory_space<semaphore_mem>>) src(%arg7 : memref<1250x32xf32, #tpu.memory_space<vmem>>) dst(%dma_wait3A_38 : memref<1250x32xf32, #tpu.memory_space<vmem_shared>>)
      tpu.yield
    }) : () -> ()
    %barrier3A = arith.constant 0 : index
    tpu.barrier barrier_id(%barrier3A)
    %mul3A_9 = arith.constant 75 : i32
    %mul3A_10 = arith.muli %mul3A_9, %add3A : i32
    %min3A = arith.constant 0 : i32
    %min3A_11 = arith.minsi %add3A, %min3A : i32
    %add3A_12 = arith.addi %mul3A_10, %min3A_11 : i32
    %lt3A = arith.constant 0 : i32
    %lt3A_13 = arith.cmpi slt, %add3A, %lt3A : i32
    %convert_element_type3A = arith.extui %lt3A_13 : i1 to i32
    %add3A_14 = arith.constant 75 : i32
    %add3A_15 = arith.addi %add3A_14, %convert_element_type3A : i32
    %while3A = arith.constant 0 : i32
    %while3A_16 = arith.constant 0 : i32
    %while3A_17 = arith.subi %add3A_15, %while3A_16 : i32
    %while3A_18 = arith.addi %while3A_16, %while3A_17 : i32
    %while3A_19 = arith.constant 1 : i32
    %while3A_20 = arith.divsi %while3A_17, %while3A_19 : i32
    %while3A_21 = arith.muli %while3A_20, %while3A_19 : i32
    %while3A_22 = arith.addi %while3A_16, %while3A_21 : i32
    %while3A_23 = arith.constant 1 : i32
    scf.for %while3A_33 = %while3A_16 to %while3A_22 step %while3A_23  : i32 {
      %rem3A = arith.constant 2 : i32
      %rem3A_34 = arith.remsi %while3A_33, %rem3A : i32
      %add3A_35 = arith.addi %add3A_12, %while3A_33 : i32
      %add3A_36 = arith.constant 2600 : i32
      %add3A_37 = arith.addi %add3A_36, %add3A_35 : i32
      %mul3A_38 = arith.constant 128 : i32
      %mul3A_39 = arith.muli %add3A_37, %mul3A_38 : i32
      "tpu.region"() ({
        %run_scoped3A = tpu.sem_alloc : memref<!tpu.dma_semaphore, #tpu.memory_space<semaphore_mem>>
        %dma_start3A_56 = arith.constant 0 : i32
        %dma_start3A_57 = tpu.memref_slice %arg5[%rem3A_34, %dma_start3A_56] : memref<2x128xi32, #tpu.memory_space<vmem>> -> memref<1x128xi32, #tpu.memory_space<vmem>>
        %dma_start3A_58 = tpu.memref_squeeze %dma_start3A_57 : memref<1x128xi32, #tpu.memory_space<vmem>> -> memref<128xi32, #tpu.memory_space<vmem>>
        %dma_start3A_59 = tpu.memref_slice %arg3[%mul3A_39] : memref<640000xi32, #tpu.memory_space<hbm>> -> memref<128xi32, #tpu.memory_space<hbm>>
        %dma_start3A_60 = arith.constant 0 : i32
        %dma_start3A_61 = tpu.memref_slice %arg5[%rem3A_34, %dma_start3A_60] : memref<2x128xi32, #tpu.memory_space<vmem>> -> memref<1x128xi32, #tpu.memory_space<vmem>>
        %dma_start3A_62 = tpu.memref_squeeze %dma_start3A_61 : memref<1x128xi32, #tpu.memory_space<vmem>> -> memref<128xi32, #tpu.memory_space<vmem>>
        %dma_start3A_63 = tpu.memref_slice %arg3[%mul3A_39] : memref<640000xi32, #tpu.memory_space<hbm>> -> memref<128xi32, #tpu.memory_space<hbm>>
        tpu.enqueue_dma source(%dma_start3A_63 : memref<128xi32, #tpu.memory_space<hbm>>) target(%dma_start3A_62 : memref<128xi32, #tpu.memory_space<vmem>>) target_semaphore(%run_scoped3A : memref<!tpu.dma_semaphore, #tpu.memory_space<semaphore_mem>>)
        %dma_wait3A = arith.constant 0 : i32
        %dma_wait3A_64 = tpu.memref_slice %arg5[%rem3A_34, %dma_wait3A] : memref<2x128xi32, #tpu.memory_space<vmem>> -> memref<1x128xi32, #tpu.memory_space<vmem>>
        %dma_wait3A_65 = tpu.memref_squeeze %dma_wait3A_64 : memref<1x128xi32, #tpu.memory_space<vmem>> -> memref<128xi32, #tpu.memory_space<vmem>>
        %dma_wait3A_66 = tpu.memref_slice %arg3[%mul3A_39] : memref<640000xi32, #tpu.memory_space<hbm>> -> memref<128xi32, #tpu.memory_space<hbm>>
        %dma_wait3A_67 = arith.constant 0 : i32
        %dma_wait3A_68 = tpu.memref_slice %arg5[%rem3A_34, %dma_wait3A_67] : memref<2x128xi32, #tpu.memory_space<vmem>> -> memref<1x128xi32, #tpu.memory_space<vmem>>
        %dma_wait3A_69 = tpu.memref_squeeze %dma_wait3A_68 : memref<1x128xi32, #tpu.memory_space<vmem>> -> memref<128xi32, #tpu.memory_space<vmem>>
        %dma_wait3A_70 = tpu.memref_slice %arg3[%mul3A_39] : memref<640000xi32, #tpu.memory_space<hbm>> -> memref<128xi32, #tpu.memory_space<hbm>>
        tpu.wait_dma2 semaphore(%run_scoped3A : memref<!tpu.dma_semaphore, #tpu.memory_space<semaphore_mem>>) src(%dma_wait3A_70 : memref<128xi32, #tpu.memory_space<hbm>>) dst(%dma_wait3A_69 : memref<128xi32, #tpu.memory_space<vmem>>)
        tpu.yield
      }) : () -> ()
      %mul3A_40 = arith.constant 128 : i32
      %mul3A_41 = arith.muli %add3A_35, %mul3A_40 : i32
      "tpu.region"() ({
        %run_scoped3A = tpu.sem_alloc : memref<!tpu.dma_semaphore, #tpu.memory_space<semaphore_mem>>
        %dma_start3A_56 = arith.constant 0 : i32
        %dma_start3A_57 = arith.constant 0 : i32
        %dma_start3A_58 = tpu.memref_slice %arg6[%rem3A_34, %dma_start3A_56, %dma_start3A_57] : memref<2x128x32xf32, #tpu.memory_space<vmem>> -> memref<1x128x32xf32, #tpu.memory_space<vmem>>
        %dma_start3A_59 = tpu.memref_squeeze %dma_start3A_58 : memref<1x128x32xf32, #tpu.memory_space<vmem>> -> memref<128x32xf32, #tpu.memory_space<vmem>>
        %dma_start3A_60 = arith.constant 0 : i32
        %dma_start3A_61 = tpu.memref_slice %arg2[%mul3A_41, %dma_start3A_60] : memref<307200x32xf32, #tpu.memory_space<hbm>> -> memref<128x32xf32, #tpu.memory_space<hbm>>
        %dma_start3A_62 = arith.constant 0 : i32
        %dma_start3A_63 = arith.constant 0 : i32
        %dma_start3A_64 = tpu.memref_slice %arg6[%rem3A_34, %dma_start3A_62, %dma_start3A_63] : memref<2x128x32xf32, #tpu.memory_space<vmem>> -> memref<1x128x32xf32, #tpu.memory_space<vmem>>
        %dma_start3A_65 = tpu.memref_squeeze %dma_start3A_64 : memref<1x128x32xf32, #tpu.memory_space<vmem>> -> memref<128x32xf32, #tpu.memory_space<vmem>>
        %dma_start3A_66 = arith.constant 0 : i32
        %dma_start3A_67 = tpu.memref_slice %arg2[%mul3A_41, %dma_start3A_66] : memref<307200x32xf32, #tpu.memory_space<hbm>> -> memref<128x32xf32, #tpu.memory_space<hbm>>
        tpu.enqueue_dma source(%dma_start3A_67 : memref<128x32xf32, #tpu.memory_space<hbm>>) target(%dma_start3A_65 : memref<128x32xf32, #tpu.memory_space<vmem>>) target_semaphore(%run_scoped3A : memref<!tpu.dma_semaphore, #tpu.memory_space<semaphore_mem>>)
        %dma_wait3A = arith.constant 0 : i32
        %dma_wait3A_68 = arith.constant 0 : i32
        %dma_wait3A_69 = tpu.memref_slice %arg6[%rem3A_34, %dma_wait3A, %dma_wait3A_68] : memref<2x128x32xf32, #tpu.memory_space<vmem>> -> memref<1x128x32xf32, #tpu.memory_space<vmem>>
        %dma_wait3A_70 = tpu.memref_squeeze %dma_wait3A_69 : memref<1x128x32xf32, #tpu.memory_space<vmem>> -> memref<128x32xf32, #tpu.memory_space<vmem>>
        %dma_wait3A_71 = arith.constant 0 : i32
        %dma_wait3A_72 = tpu.memref_slice %arg2[%mul3A_41, %dma_wait3A_71] : memref<307200x32xf32, #tpu.memory_space<hbm>> -> memref<128x32xf32, #tpu.memory_space<hbm>>
        %dma_wait3A_73 = arith.constant 0 : i32
        %dma_wait3A_74 = arith.constant 0 : i32
        %dma_wait3A_75 = tpu.memref_slice %arg6[%rem3A_34, %dma_wait3A_73, %dma_wait3A_74] : memref<2x128x32xf32, #tpu.memory_space<vmem>> -> memref<1x128x32xf32, #tpu.memory_space<vmem>>
        %dma_wait3A_76 = tpu.memref_squeeze %dma_wait3A_75 : memref<1x128x32xf32, #tpu.memory_space<vmem>> -> memref<128x32xf32, #tpu.memory_space<vmem>>
        %dma_wait3A_77 = arith.constant 0 : i32
        %dma_wait3A_78 = tpu.memref_slice %arg2[%mul3A_41, %dma_wait3A_77] : memref<307200x32xf32, #tpu.memory_space<hbm>> -> memref<128x32xf32, #tpu.memory_space<hbm>>
        tpu.wait_dma2 semaphore(%run_scoped3A : memref<!tpu.dma_semaphore, #tpu.memory_space<semaphore_mem>>) src(%dma_wait3A_78 : memref<128x32xf32, #tpu.memory_space<hbm>>) dst(%dma_wait3A_76 : memref<128x32xf32, #tpu.memory_space<vmem>>)
        tpu.yield
      }) : () -> ()
      %gt3A_42 = arith.constant 0 : i32
      %gt3A_43 = arith.cmpi sgt, %while3A_33, %gt3A_42 : i32
      %convert_element_type3A_44 = arith.extui %gt3A_43 : i1 to i32
      %cond3A_45 = arith.constant 0 : i32
      %cond3A_46 = arith.cmpi ne, %convert_element_type3A_44, %cond3A_45 : i32
      scf.if %cond3A_46 {
        %dma_wait3A = arith.constant 0 : i32
        %dma_wait3A_56 = arith.constant 0 : i32
        %dma_wait3A_57 = tpu.memref_slice %arg6[%rem3A_34, %dma_wait3A, %dma_wait3A_56] : memref<2x128x32xf32, #tpu.memory_space<vmem>> -> memref<1x128x32xf32, #tpu.memory_space<vmem>>
        %dma_wait3A_58 = tpu.memref_squeeze %dma_wait3A_57 : memref<1x128x32xf32, #tpu.memory_space<vmem>> -> memref<128x32xf32, #tpu.memory_space<vmem>>
        %dma_wait3A_59 = arith.constant 0 : i32
        %dma_wait3A_60 = tpu.memref_slice %arg5[%rem3A_34, %dma_wait3A_59] : memref<2x128xi32, #tpu.memory_space<vmem>> -> memref<1x128xi32, #tpu.memory_space<vmem>>
        %dma_wait3A_61 = tpu.memref_squeeze %dma_wait3A_60 : memref<1x128xi32, #tpu.memory_space<vmem>> -> memref<128xi32, #tpu.memory_space<vmem>>
        %dma_wait3A_62 = arith.constant 0 : i32
        %dma_wait3A_63 = arith.constant 0 : i32
        %dma_wait3A_64 = tpu.memref_slice %arg8[%dma_wait3A_62, %dma_wait3A_63] : memref<20000x32xf32, #tpu.memory_space<vmem_shared>> -> memref<20000x32xf32, #tpu.memory_space<vmem_shared>>
        tpu.wait_indirect_dma semaphore(%arg9 : memref<!tpu.dma_semaphore, #tpu.memory_space<semaphore_mem>>) src(%dma_wait3A_58 : memref<128x32xf32, #tpu.memory_space<vmem>>) dst(%dma_wait3A_64 : memref<20000x32xf32, #tpu.memory_space<vmem_shared>>)
      } else {
      }
      %dma_start3A = arith.constant 0 : i32
      %dma_start3A_47 = arith.constant 0 : i32
      %dma_start3A_48 = tpu.memref_slice %arg6[%rem3A_34, %dma_start3A, %dma_start3A_47] : memref<2x128x32xf32, #tpu.memory_space<vmem>> -> memref<1x128x32xf32, #tpu.memory_space<vmem>>
      %dma_start3A_49 = tpu.memref_squeeze %dma_start3A_48 : memref<1x128x32xf32, #tpu.memory_space<vmem>> -> memref<128x32xf32, #tpu.memory_space<vmem>>
      %dma_start3A_50 = arith.constant 0 : i32
      %dma_start3A_51 = tpu.memref_slice %arg5[%rem3A_34, %dma_start3A_50] : memref<2x128xi32, #tpu.memory_space<vmem>> -> memref<1x128xi32, #tpu.memory_space<vmem>>
      %dma_start3A_52 = tpu.memref_squeeze %dma_start3A_51 : memref<1x128xi32, #tpu.memory_space<vmem>> -> memref<128xi32, #tpu.memory_space<vmem>>
      %dma_start3A_53 = arith.constant 0 : i32
      %dma_start3A_54 = arith.constant 0 : i32
      %dma_start3A_55 = tpu.memref_slice %arg8[%dma_start3A_53, %dma_start3A_54] : memref<20000x32xf32, #tpu.memory_space<vmem_shared>> -> memref<20000x32xf32, #tpu.memory_space<vmem_shared>>
      tpu.enqueue_indirect_dma source(%dma_start3A_49 : memref<128x32xf32, #tpu.memory_space<vmem>>) target(%dma_start3A_55 : memref<20000x32xf32, #tpu.memory_space<vmem_shared>>) offsets(%dma_start3A_52 : memref<128xi32, #tpu.memory_space<vmem>>) semaphore(%arg9 : memref<!tpu.dma_semaphore, #tpu.memory_space<semaphore_mem>>) {add = true}
    }
    %while3A_24 = arith.constant 1 : i32
    scf.for %while3A_33 = %while3A_22 to %while3A_18 step %while3A_24  : i32 {
      %rem3A = arith.constant 2 : i32
      %rem3A_34 = arith.remsi %while3A_33, %rem3A : i32
      %add3A_35 = arith.addi %add3A_12, %while3A_33 : i32
      %add3A_36 = arith.constant 2600 : i32
      %add3A_37 = arith.addi %add3A_36, %add3A_35 : i32
      %mul3A_38 = arith.constant 128 : i32
      %mul3A_39 = arith.muli %add3A_37, %mul3A_38 : i32
      "tpu.region"() ({
        %run_scoped3A = tpu.sem_alloc : memref<!tpu.dma_semaphore, #tpu.memory_space<semaphore_mem>>
        %dma_start3A_56 = arith.constant 0 : i32
        %dma_start3A_57 = tpu.memref_slice %arg5[%rem3A_34, %dma_start3A_56] : memref<2x128xi32, #tpu.memory_space<vmem>> -> memref<1x128xi32, #tpu.memory_space<vmem>>
        %dma_start3A_58 = tpu.memref_squeeze %dma_start3A_57 : memref<1x128xi32, #tpu.memory_space<vmem>> -> memref<128xi32, #tpu.memory_space<vmem>>
        %dma_start3A_59 = tpu.memref_slice %arg3[%mul3A_39] : memref<640000xi32, #tpu.memory_space<hbm>> -> memref<128xi32, #tpu.memory_space<hbm>>
        %dma_start3A_60 = arith.constant 0 : i32
        %dma_start3A_61 = tpu.memref_slice %arg5[%rem3A_34, %dma_start3A_60] : memref<2x128xi32, #tpu.memory_space<vmem>> -> memref<1x128xi32, #tpu.memory_space<vmem>>
        %dma_start3A_62 = tpu.memref_squeeze %dma_start3A_61 : memref<1x128xi32, #tpu.memory_space<vmem>> -> memref<128xi32, #tpu.memory_space<vmem>>
        %dma_start3A_63 = tpu.memref_slice %arg3[%mul3A_39] : memref<640000xi32, #tpu.memory_space<hbm>> -> memref<128xi32, #tpu.memory_space<hbm>>
        tpu.enqueue_dma source(%dma_start3A_63 : memref<128xi32, #tpu.memory_space<hbm>>) target(%dma_start3A_62 : memref<128xi32, #tpu.memory_space<vmem>>) target_semaphore(%run_scoped3A : memref<!tpu.dma_semaphore, #tpu.memory_space<semaphore_mem>>)
        %dma_wait3A = arith.constant 0 : i32
        %dma_wait3A_64 = tpu.memref_slice %arg5[%rem3A_34, %dma_wait3A] : memref<2x128xi32, #tpu.memory_space<vmem>> -> memref<1x128xi32, #tpu.memory_space<vmem>>
        %dma_wait3A_65 = tpu.memref_squeeze %dma_wait3A_64 : memref<1x128xi32, #tpu.memory_space<vmem>> -> memref<128xi32, #tpu.memory_space<vmem>>
        %dma_wait3A_66 = tpu.memref_slice %arg3[%mul3A_39] : memref<640000xi32, #tpu.memory_space<hbm>> -> memref<128xi32, #tpu.memory_space<hbm>>
        %dma_wait3A_67 = arith.constant 0 : i32
        %dma_wait3A_68 = tpu.memref_slice %arg5[%rem3A_34, %dma_wait3A_67] : memref<2x128xi32, #tpu.memory_space<vmem>> -> memref<1x128xi32, #tpu.memory_space<vmem>>
        %dma_wait3A_69 = tpu.memref_squeeze %dma_wait3A_68 : memref<1x128xi32, #tpu.memory_space<vmem>> -> memref<128xi32, #tpu.memory_space<vmem>>
        %dma_wait3A_70 = tpu.memref_slice %arg3[%mul3A_39] : memref<640000xi32, #tpu.memory_space<hbm>> -> memref<128xi32, #tpu.memory_space<hbm>>
        tpu.wait_dma2 semaphore(%run_scoped3A : memref<!tpu.dma_semaphore, #tpu.memory_space<semaphore_mem>>) src(%dma_wait3A_70 : memref<128xi32, #tpu.memory_space<hbm>>) dst(%dma_wait3A_69 : memref<128xi32, #tpu.memory_space<vmem>>)
        tpu.yield
      }) : () -> ()
      %mul3A_40 = arith.constant 128 : i32
      %mul3A_41 = arith.muli %add3A_35, %mul3A_40 : i32
      "tpu.region"() ({
        %run_scoped3A = tpu.sem_alloc : memref<!tpu.dma_semaphore, #tpu.memory_space<semaphore_mem>>
        %dma_start3A_56 = arith.constant 0 : i32
        %dma_start3A_57 = arith.constant 0 : i32
        %dma_start3A_58 = tpu.memref_slice %arg6[%rem3A_34, %dma_start3A_56, %dma_start3A_57] : memref<2x128x32xf32, #tpu.memory_space<vmem>> -> memref<1x128x32xf32, #tpu.memory_space<vmem>>
        %dma_start3A_59 = tpu.memref_squeeze %dma_start3A_58 : memref<1x128x32xf32, #tpu.memory_space<vmem>> -> memref<128x32xf32, #tpu.memory_space<vmem>>
        %dma_start3A_60 = arith.constant 0 : i32
        %dma_start3A_61 = tpu.memref_slice %arg2[%mul3A_41, %dma_start3A_60] : memref<307200x32xf32, #tpu.memory_space<hbm>> -> memref<128x32xf32, #tpu.memory_space<hbm>>
        %dma_start3A_62 = arith.constant 0 : i32
        %dma_start3A_63 = arith.constant 0 : i32
        %dma_start3A_64 = tpu.memref_slice %arg6[%rem3A_34, %dma_start3A_62, %dma_start3A_63] : memref<2x128x32xf32, #tpu.memory_space<vmem>> -> memref<1x128x32xf32, #tpu.memory_space<vmem>>
        %dma_start3A_65 = tpu.memref_squeeze %dma_start3A_64 : memref<1x128x32xf32, #tpu.memory_space<vmem>> -> memref<128x32xf32, #tpu.memory_space<vmem>>
        %dma_start3A_66 = arith.constant 0 : i32
        %dma_start3A_67 = tpu.memref_slice %arg2[%mul3A_41, %dma_start3A_66] : memref<307200x32xf32, #tpu.memory_space<hbm>> -> memref<128x32xf32, #tpu.memory_space<hbm>>
        tpu.enqueue_dma source(%dma_start3A_67 : memref<128x32xf32, #tpu.memory_space<hbm>>) target(%dma_start3A_65 : memref<128x32xf32, #tpu.memory_space<vmem>>) target_semaphore(%run_scoped3A : memref<!tpu.dma_semaphore, #tpu.memory_space<semaphore_mem>>)
        %dma_wait3A = arith.constant 0 : i32
        %dma_wait3A_68 = arith.constant 0 : i32
        %dma_wait3A_69 = tpu.memref_slice %arg6[%rem3A_34, %dma_wait3A, %dma_wait3A_68] : memref<2x128x32xf32, #tpu.memory_space<vmem>> -> memref<1x128x32xf32, #tpu.memory_space<vmem>>
        %dma_wait3A_70 = tpu.memref_squeeze %dma_wait3A_69 : memref<1x128x32xf32, #tpu.memory_space<vmem>> -> memref<128x32xf32, #tpu.memory_space<vmem>>
        %dma_wait3A_71 = arith.constant 0 : i32
        %dma_wait3A_72 = tpu.memref_slice %arg2[%mul3A_41, %dma_wait3A_71] : memref<307200x32xf32, #tpu.memory_space<hbm>> -> memref<128x32xf32, #tpu.memory_space<hbm>>
        %dma_wait3A_73 = arith.constant 0 : i32
        %dma_wait3A_74 = arith.constant 0 : i32
        %dma_wait3A_75 = tpu.memref_slice %arg6[%rem3A_34, %dma_wait3A_73, %dma_wait3A_74] : memref<2x128x32xf32, #tpu.memory_space<vmem>> -> memref<1x128x32xf32, #tpu.memory_space<vmem>>
        %dma_wait3A_76 = tpu.memref_squeeze %dma_wait3A_75 : memref<1x128x32xf32, #tpu.memory_space<vmem>> -> memref<128x32xf32, #tpu.memory_space<vmem>>
        %dma_wait3A_77 = arith.constant 0 : i32
        %dma_wait3A_78 = tpu.memref_slice %arg2[%mul3A_41, %dma_wait3A_77] : memref<307200x32xf32, #tpu.memory_space<hbm>> -> memref<128x32xf32, #tpu.memory_space<hbm>>
        tpu.wait_dma2 semaphore(%run_scoped3A : memref<!tpu.dma_semaphore, #tpu.memory_space<semaphore_mem>>) src(%dma_wait3A_78 : memref<128x32xf32, #tpu.memory_space<hbm>>) dst(%dma_wait3A_76 : memref<128x32xf32, #tpu.memory_space<vmem>>)
        tpu.yield
      }) : () -> ()
      %gt3A_42 = arith.constant 0 : i32
      %gt3A_43 = arith.cmpi sgt, %while3A_33, %gt3A_42 : i32
      %convert_element_type3A_44 = arith.extui %gt3A_43 : i1 to i32
      %cond3A_45 = arith.constant 0 : i32
      %cond3A_46 = arith.cmpi ne, %convert_element_type3A_44, %cond3A_45 : i32
      scf.if %cond3A_46 {
        %dma_wait3A = arith.constant 0 : i32
        %dma_wait3A_56 = arith.constant 0 : i32
        %dma_wait3A_57 = tpu.memref_slice %arg6[%rem3A_34, %dma_wait3A, %dma_wait3A_56] : memref<2x128x32xf32, #tpu.memory_space<vmem>> -> memref<1x128x32xf32, #tpu.memory_space<vmem>>
        %dma_wait3A_58 = tpu.memref_squeeze %dma_wait3A_57 : memref<1x128x32xf32, #tpu.memory_space<vmem>> -> memref<128x32xf32, #tpu.memory_space<vmem>>
        %dma_wait3A_59 = arith.constant 0 : i32
        %dma_wait3A_60 = tpu.memref_slice %arg5[%rem3A_34, %dma_wait3A_59] : memref<2x128xi32, #tpu.memory_space<vmem>> -> memref<1x128xi32, #tpu.memory_space<vmem>>
        %dma_wait3A_61 = tpu.memref_squeeze %dma_wait3A_60 : memref<1x128xi32, #tpu.memory_space<vmem>> -> memref<128xi32, #tpu.memory_space<vmem>>
        %dma_wait3A_62 = arith.constant 0 : i32
        %dma_wait3A_63 = arith.constant 0 : i32
        %dma_wait3A_64 = tpu.memref_slice %arg8[%dma_wait3A_62, %dma_wait3A_63] : memref<20000x32xf32, #tpu.memory_space<vmem_shared>> -> memref<20000x32xf32, #tpu.memory_space<vmem_shared>>
        tpu.wait_indirect_dma semaphore(%arg9 : memref<!tpu.dma_semaphore, #tpu.memory_space<semaphore_mem>>) src(%dma_wait3A_58 : memref<128x32xf32, #tpu.memory_space<vmem>>) dst(%dma_wait3A_64 : memref<20000x32xf32, #tpu.memory_space<vmem_shared>>)
      } else {
      }
      %dma_start3A = arith.constant 0 : i32
      %dma_start3A_47 = arith.constant 0 : i32
      %dma_start3A_48 = tpu.memref_slice %arg6[%rem3A_34, %dma_start3A, %dma_start3A_47] : memref<2x128x32xf32, #tpu.memory_space<vmem>> -> memref<1x128x32xf32, #tpu.memory_space<vmem>>
      %dma_start3A_49 = tpu.memref_squeeze %dma_start3A_48 : memref<1x128x32xf32, #tpu.memory_space<vmem>> -> memref<128x32xf32, #tpu.memory_space<vmem>>
      %dma_start3A_50 = arith.constant 0 : i32
      %dma_start3A_51 = tpu.memref_slice %arg5[%rem3A_34, %dma_start3A_50] : memref<2x128xi32, #tpu.memory_space<vmem>> -> memref<1x128xi32, #tpu.memory_space<vmem>>
      %dma_start3A_52 = tpu.memref_squeeze %dma_start3A_51 : memref<1x128xi32, #tpu.memory_space<vmem>> -> memref<128xi32, #tpu.memory_space<vmem>>
      %dma_start3A_53 = arith.constant 0 : i32
      %dma_start3A_54 = arith.constant 0 : i32
      %dma_start3A_55 = tpu.memref_slice %arg8[%dma_start3A_53, %dma_start3A_54] : memref<20000x32xf32, #tpu.memory_space<vmem_shared>> -> memref<20000x32xf32, #tpu.memory_space<vmem_shared>>
      tpu.enqueue_indirect_dma source(%dma_start3A_49 : memref<128x32xf32, #tpu.memory_space<vmem>>) target(%dma_start3A_55 : memref<20000x32xf32, #tpu.memory_space<vmem_shared>>) offsets(%dma_start3A_52 : memref<128xi32, #tpu.memory_space<vmem>>) semaphore(%arg9 : memref<!tpu.dma_semaphore, #tpu.memory_space<semaphore_mem>>) {add = true}
    }
    %gt3A = arith.constant 0 : i32
    %gt3A_25 = arith.cmpi sgt, %add3A_15, %gt3A : i32
    %convert_element_type3A_26 = arith.extui %gt3A_25 : i1 to i32
    %cond3A = arith.constant 0 : i32
    %cond3A_27 = arith.cmpi ne, %convert_element_type3A_26, %cond3A : i32
    scf.if %cond3A_27 {
      %dma_wait3A = arith.constant 0 : i32
      %dma_wait3A_33 = arith.constant 0 : i32
      %dma_wait3A_34 = arith.constant 0 : i32
      %dma_wait3A_35 = arith.constant 0 : i32
      %dma_wait3A_36 = tpu.memref_slice %arg6[%dma_wait3A, %dma_wait3A_34, %dma_wait3A_35] : memref<2x128x32xf32, #tpu.memory_space<vmem>> -> memref<1x128x32xf32, #tpu.memory_space<vmem>>
      %dma_wait3A_37 = tpu.memref_squeeze %dma_wait3A_36 : memref<1x128x32xf32, #tpu.memory_space<vmem>> -> memref<128x32xf32, #tpu.memory_space<vmem>>
      %dma_wait3A_38 = arith.constant 0 : i32
      %dma_wait3A_39 = tpu.memref_slice %arg5[%dma_wait3A_33, %dma_wait3A_38] : memref<2x128xi32, #tpu.memory_space<vmem>> -> memref<1x128xi32, #tpu.memory_space<vmem>>
      %dma_wait3A_40 = tpu.memref_squeeze %dma_wait3A_39 : memref<1x128xi32, #tpu.memory_space<vmem>> -> memref<128xi32, #tpu.memory_space<vmem>>
      %dma_wait3A_41 = arith.constant 0 : i32
      %dma_wait3A_42 = arith.constant 0 : i32
      %dma_wait3A_43 = tpu.memref_slice %arg8[%dma_wait3A_41, %dma_wait3A_42] : memref<20000x32xf32, #tpu.memory_space<vmem_shared>> -> memref<20000x32xf32, #tpu.memory_space<vmem_shared>>
      tpu.wait_indirect_dma semaphore(%arg9 : memref<!tpu.dma_semaphore, #tpu.memory_space<semaphore_mem>>) src(%dma_wait3A_37 : memref<128x32xf32, #tpu.memory_space<vmem>>) dst(%dma_wait3A_43 : memref<20000x32xf32, #tpu.memory_space<vmem_shared>>)
    } else {
    }
    %barrier3A_28 = arith.constant 0 : index
    tpu.barrier barrier_id(%barrier3A_28)
    %mul3A_29 = arith.constant 1250 : i32
    %mul3A_30 = arith.muli %arg1, %mul3A_29 : i32
    "tpu.region"() ({
      %run_scoped3A = tpu.sem_alloc : memref<!tpu.dma_semaphore, #tpu.memory_space<semaphore_mem>>
      %dma_start3A = arith.constant 0 : i32
      %dma_start3A_33 = tpu.memref_slice %arg8[%mul3A_30, %dma_start3A] : memref<20000x32xf32, #tpu.memory_space<vmem_shared>> -> memref<1250x32xf32, #tpu.memory_space<vmem_shared>>
      %dma_start3A_34 = arith.constant 0 : i32
      %dma_start3A_35 = tpu.memref_slice %arg8[%mul3A_30, %dma_start3A_34] : memref<20000x32xf32, #tpu.memory_space<vmem_shared>> -> memref<1250x32xf32, #tpu.memory_space<vmem_shared>>
      tpu.enqueue_dma source(%dma_start3A_35 : memref<1250x32xf32, #tpu.memory_space<vmem_shared>>) target(%arg7 : memref<1250x32xf32, #tpu.memory_space<vmem>>) target_semaphore(%run_scoped3A : memref<!tpu.dma_semaphore, #tpu.memory_space<semaphore_mem>>)
      %dma_wait3A = arith.constant 0 : i32
      %dma_wait3A_36 = tpu.memref_slice %arg8[%mul3A_30, %dma_wait3A] : memref<20000x32xf32, #tpu.memory_space<vmem_shared>> -> memref<1250x32xf32, #tpu.memory_space<vmem_shared>>
      %dma_wait3A_37 = arith.constant 0 : i32
      %dma_wait3A_38 = tpu.memref_slice %arg8[%mul3A_30, %dma_wait3A_37] : memref<20000x32xf32, #tpu.memory_space<vmem_shared>> -> memref<1250x32xf32, #tpu.memory_space<vmem_shared>>
      tpu.wait_dma2 semaphore(%run_scoped3A : memref<!tpu.dma_semaphore, #tpu.memory_space<semaphore_mem>>) src(%dma_wait3A_38 : memref<1250x32xf32, #tpu.memory_space<vmem_shared>>) dst(%arg7 : memref<1250x32xf32, #tpu.memory_space<vmem>>)
      tpu.yield
    }) : () -> ()
    %mul3A_31 = arith.constant 1250 : i32
    %mul3A_32 = arith.muli %arg1, %mul3A_31 : i32
    "tpu.region"() ({
      %run_scoped3A = tpu.sem_alloc : memref<!tpu.dma_semaphore, #tpu.memory_space<semaphore_mem>>
      %dma_start3A = arith.constant 0 : i32
      %dma_start3A_33 = tpu.memref_slice %arg4[%arg0, %mul3A_32, %dma_start3A] : memref<2x20000x32xf32, #tpu.memory_space<hbm>> -> memref<1x1250x32xf32, #tpu.memory_space<hbm>>
      %dma_start3A_34 = tpu.memref_squeeze %dma_start3A_33 : memref<1x1250x32xf32, #tpu.memory_space<hbm>> -> memref<1250x32xf32, #tpu.memory_space<hbm>>
      %dma_start3A_35 = arith.constant 0 : i32
      %dma_start3A_36 = tpu.memref_slice %arg4[%arg0, %mul3A_32, %dma_start3A_35] : memref<2x20000x32xf32, #tpu.memory_space<hbm>> -> memref<1x1250x32xf32, #tpu.memory_space<hbm>>
      %dma_start3A_37 = tpu.memref_squeeze %dma_start3A_36 : memref<1x1250x32xf32, #tpu.memory_space<hbm>> -> memref<1250x32xf32, #tpu.memory_space<hbm>>
      tpu.enqueue_dma source(%arg7 : memref<1250x32xf32, #tpu.memory_space<vmem>>) target(%dma_start3A_37 : memref<1250x32xf32, #tpu.memory_space<hbm>>) target_semaphore(%run_scoped3A : memref<!tpu.dma_semaphore, #tpu.memory_space<semaphore_mem>>)
      %dma_wait3A = arith.constant 0 : i32
      %dma_wait3A_38 = tpu.memref_slice %arg4[%arg0, %mul3A_32, %dma_wait3A] : memref<2x20000x32xf32, #tpu.memory_space<hbm>> -> memref<1x1250x32xf32, #tpu.memory_space<hbm>>
      %dma_wait3A_39 = tpu.memref_squeeze %dma_wait3A_38 : memref<1x1250x32xf32, #tpu.memory_space<hbm>> -> memref<1250x32xf32, #tpu.memory_space<hbm>>
      %dma_wait3A_40 = arith.constant 0 : i32
      %dma_wait3A_41 = tpu.memref_slice %arg4[%arg0, %mul3A_32, %dma_wait3A_40] : memref<2x20000x32xf32, #tpu.memory_space<hbm>> -> memref<1x1250x32xf32, #tpu.memory_space<hbm>>
      %dma_wait3A_42 = tpu.memref_squeeze %dma_wait3A_41 : memref<1x1250x32xf32, #tpu.memory_space<hbm>> -> memref<1250x32xf32, #tpu.memory_space<hbm>>
      tpu.wait_dma2 semaphore(%run_scoped3A : memref<!tpu.dma_semaphore, #tpu.memory_space<semaphore_mem>>) src(%arg7 : memref<1250x32xf32, #tpu.memory_space<vmem>>) dst(%dma_wait3A_42 : memref<1250x32xf32, #tpu.memory_space<hbm>>)
      tpu.yield
    }) : () -> ()
    return
  }
}

#map = affine_map<(d0, d1) -> (0, 0)>
#map1 = affine_map<(d0, d1) -> (0)>
#map2 = affine_map<(d0, d1) -> (0, 0, 0)>
module attributes {stable_mosaic.version = 14 : i64} {
  func.func @body(%arg0: i32, %arg1: i32, %arg2: memref<332800x32xf32, #tpu.memory_space<hbm>>, %arg3: memref<640000xi32, #tpu.memory_space<hbm>>, %arg4: memref<2x20000x32xf32, #tpu.memory_space<hbm>>, %arg5: memref<2x128xi32, #tpu.memory_space<vmem>>, %arg6: memref<2x128x32xf32, #tpu.memory_space<vmem>>, %arg7: memref<1250x32xf32, #tpu.memory_space<vmem>>, %arg8: memref<20000x32xf32, #tpu.memory_space<vmem_shared>>, %arg9: memref<!tpu.dma_semaphore, #tpu.memory_space<semaphore_mem>>) attributes {dimension_semantics = [#tpu.dimension_semantics<core_parallel>, #tpu.dimension_semantics<subcore_parallel>], iteration_bounds = array<i64: 2, 16>, scalar_prefetch = 0 : i64, scratch_operands = 5 : i64, tpu.core_type = #tpu.core_type<sc_vector_subcore>, window_params = [{transform_indices = #map}, {transform_indices = #map1}, {transform_indices = #map2}]} {
    %mul3A = arith.constant 2 : i32
    %mul3A_0 = arith.muli %arg1, %mul3A : i32
    %add3A = arith.addi %mul3A_0, %arg0 : i32
    %broadcast_in_dim3A = arith.constant 0.000000e+00 : f32
    %broadcast_in_dim3A_1 = vector.broadcast %broadcast_in_dim3A : f32 to vector<16xf32>
    %scan3A = arith.constant 0 : i32
    %scan3A_2 = arith.constant 0 : i32
    %scan3A_3 = arith.constant 1250 : i32
    %scan3A_4 = arith.addi %scan3A_2, %scan3A_3 : i32
    %scan3A_5 = arith.constant 1 : i32
    scf.for %scan3A_33 = %scan3A_2 to %scan3A_4 step %scan3A_5  : i32 {
      %swap3A = arith.index_cast %scan3A_33 : i32 to index
      %swap3A_34 = arith.constant 0 : index
      %swap3A_35 = tpu.vector_load %arg7[%swap3A, %swap3A_34] {strides = array<i32>} : memref<1250x32xf32, #tpu.memory_space<vmem>>, vector<1x16xf32>,
      %swap3A_36 = vector.shape_cast %swap3A_35 : vector<1x16xf32> to vector<16xf32>
      %swap3A_37 = vector.shape_cast %broadcast_in_dim3A_1 : vector<16xf32> to vector<1x16xf32>
      tpu.vector_store %arg7[%swap3A, %swap3A_34], %swap3A_37 {strides = array<i32>} : memref<1250x32xf32, #tpu.memory_space<vmem>>, vector<1x16xf32>,
      %swap3A_38 = arith.index_cast %scan3A_33 : i32 to index
      %swap3A_39 = arith.constant 16 : index
      %swap3A_40 = tpu.vector_load %arg7[%swap3A_38, %swap3A_39] {strides = array<i32>} : memref<1250x32xf32, #tpu.memory_space<vmem>>, vector<1x16xf32>,
      %swap3A_41 = vector.shape_cast %swap3A_40 : vector<1x16xf32> to vector<16xf32>
      %swap3A_42 = vector.shape_cast %broadcast_in_dim3A_1 : vector<16xf32> to vector<1x16xf32>
      tpu.vector_store %arg7[%swap3A_38, %swap3A_39], %swap3A_42 {strides = array<i32>} : memref<1250x32xf32, #tpu.memory_space<vmem>>, vector<1x16xf32>,
    }
    %scan3A_6 = arith.constant 1250 : i32
    %mul3A_7 = arith.constant 1250 : i32
    %mul3A_8 = arith.muli %arg1, %mul3A_7 : i32
    "tpu.region"() ({
      %run_scoped3A = tpu.sem_alloc : memref<!tpu.dma_semaphore, #tpu.memory_space<semaphore_mem>>
      %dma_start3A = arith.constant 0 : i32
      %dma_start3A_33 = tpu.memref_slice %arg8[%mul3A_8, %dma_start3A] : memref<20000x32xf32, #tpu.memory_space<vmem_shared>> -> memref<1250x32xf32, #tpu.memory_space<vmem_shared>>
      %dma_start3A_34 = arith.constant 0 : i32
      %dma_start3A_35 = tpu.memref_slice %arg8[%mul3A_8, %dma_start3A_34] : memref<20000x32xf32, #tpu.memory_space<vmem_shared>> -> memref<1250x32xf32, #tpu.memory_space<vmem_shared>>
      tpu.enqueue_dma source(%arg7 : memref<1250x32xf32, #tpu.memory_space<vmem>>) target(%dma_start3A_35 : memref<1250x32xf32, #tpu.memory_space<vmem_shared>>) target_semaphore(%run_scoped3A : memref<!tpu.dma_semaphore, #tpu.memory_space<semaphore_mem>>)
      %dma_wait3A = arith.constant 0 : i32
      %dma_wait3A_36 = tpu.memref_slice %arg8[%mul3A_8, %dma_wait3A] : memref<20000x32xf32, #tpu.memory_space<vmem_shared>> -> memref<1250x32xf32, #tpu.memory_space<vmem_shared>>
      %dma_wait3A_37 = arith.constant 0 : i32
      %dma_wait3A_38 = tpu.memref_slice %arg8[%mul3A_8, %dma_wait3A_37] : memref<20000x32xf32, #tpu.memory_space<vmem_shared>> -> memref<1250x32xf32, #tpu.memory_space<vmem_shared>>
      tpu.wait_dma2 semaphore(%run_scoped3A : memref<!tpu.dma_semaphore, #tpu.memory_space<semaphore_mem>>) src(%arg7 : memref<1250x32xf32, #tpu.memory_space<vmem>>) dst(%dma_wait3A_38 : memref<1250x32xf32, #tpu.memory_space<vmem_shared>>)
      tpu.yield
    }) : () -> ()
    %barrier3A = arith.constant 0 : index
    tpu.barrier barrier_id(%barrier3A)
    %mul3A_9 = arith.constant 81 : i32
    %mul3A_10 = arith.muli %mul3A_9, %add3A : i32
    %min3A = arith.constant 8 : i32
    %min3A_11 = arith.minsi %add3A, %min3A : i32
    %add3A_12 = arith.addi %mul3A_10, %min3A_11 : i32
    %lt3A = arith.constant 8 : i32
    %lt3A_13 = arith.cmpi slt, %add3A, %lt3A : i32
    %convert_element_type3A = arith.extui %lt3A_13 : i1 to i32
    %add3A_14 = arith.constant 81 : i32
    %add3A_15 = arith.addi %add3A_14, %convert_element_type3A : i32
    %while3A = arith.constant 0 : i32
    %while3A_16 = arith.constant 0 : i32
    %while3A_17 = arith.subi %add3A_15, %while3A_16 : i32
    %while3A_18 = arith.addi %while3A_16, %while3A_17 : i32
    %while3A_19 = arith.constant 1 : i32
    %while3A_20 = arith.divsi %while3A_17, %while3A_19 : i32
    %while3A_21 = arith.muli %while3A_20, %while3A_19 : i32
    %while3A_22 = arith.addi %while3A_16, %while3A_21 : i32
    %while3A_23 = arith.constant 1 : i32
    scf.for %while3A_33 = %while3A_16 to %while3A_22 step %while3A_23  : i32 {
      %rem3A = arith.constant 2 : i32
      %rem3A_34 = arith.remsi %while3A_33, %rem3A : i32
      %add3A_35 = arith.addi %add3A_12, %while3A_33 : i32
      %add3A_36 = arith.constant 0 : i32
      %add3A_37 = arith.addi %add3A_36, %add3A_35 : i32
      %mul3A_38 = arith.constant 128 : i32
      %mul3A_39 = arith.muli %add3A_37, %mul3A_38 : i32
      "tpu.region"() ({
        %run_scoped3A = tpu.sem_alloc : memref<!tpu.dma_semaphore, #tpu.memory_space<semaphore_mem>>
        %dma_start3A_56 = arith.constant 0 : i32
        %dma_start3A_57 = tpu.memref_slice %arg5[%rem3A_34, %dma_start3A_56] : memref<2x128xi32, #tpu.memory_space<vmem>> -> memref<1x128xi32, #tpu.memory_space<vmem>>
        %dma_start3A_58 = tpu.memref_squeeze %dma_start3A_57 : memref<1x128xi32, #tpu.memory_space<vmem>> -> memref<128xi32, #tpu.memory_space<vmem>>
        %dma_start3A_59 = tpu.memref_slice %arg3[%mul3A_39] : memref<640000xi32, #tpu.memory_space<hbm>> -> memref<128xi32, #tpu.memory_space<hbm>>
        %dma_start3A_60 = arith.constant 0 : i32
        %dma_start3A_61 = tpu.memref_slice %arg5[%rem3A_34, %dma_start3A_60] : memref<2x128xi32, #tpu.memory_space<vmem>> -> memref<1x128xi32, #tpu.memory_space<vmem>>
        %dma_start3A_62 = tpu.memref_squeeze %dma_start3A_61 : memref<1x128xi32, #tpu.memory_space<vmem>> -> memref<128xi32, #tpu.memory_space<vmem>>
        %dma_start3A_63 = tpu.memref_slice %arg3[%mul3A_39] : memref<640000xi32, #tpu.memory_space<hbm>> -> memref<128xi32, #tpu.memory_space<hbm>>
        tpu.enqueue_dma source(%dma_start3A_63 : memref<128xi32, #tpu.memory_space<hbm>>) target(%dma_start3A_62 : memref<128xi32, #tpu.memory_space<vmem>>) target_semaphore(%run_scoped3A : memref<!tpu.dma_semaphore, #tpu.memory_space<semaphore_mem>>)
        %dma_wait3A = arith.constant 0 : i32
        %dma_wait3A_64 = tpu.memref_slice %arg5[%rem3A_34, %dma_wait3A] : memref<2x128xi32, #tpu.memory_space<vmem>> -> memref<1x128xi32, #tpu.memory_space<vmem>>
        %dma_wait3A_65 = tpu.memref_squeeze %dma_wait3A_64 : memref<1x128xi32, #tpu.memory_space<vmem>> -> memref<128xi32, #tpu.memory_space<vmem>>
        %dma_wait3A_66 = tpu.memref_slice %arg3[%mul3A_39] : memref<640000xi32, #tpu.memory_space<hbm>> -> memref<128xi32, #tpu.memory_space<hbm>>
        %dma_wait3A_67 = arith.constant 0 : i32
        %dma_wait3A_68 = tpu.memref_slice %arg5[%rem3A_34, %dma_wait3A_67] : memref<2x128xi32, #tpu.memory_space<vmem>> -> memref<1x128xi32, #tpu.memory_space<vmem>>
        %dma_wait3A_69 = tpu.memref_squeeze %dma_wait3A_68 : memref<1x128xi32, #tpu.memory_space<vmem>> -> memref<128xi32, #tpu.memory_space<vmem>>
        %dma_wait3A_70 = tpu.memref_slice %arg3[%mul3A_39] : memref<640000xi32, #tpu.memory_space<hbm>> -> memref<128xi32, #tpu.memory_space<hbm>>
        tpu.wait_dma2 semaphore(%run_scoped3A : memref<!tpu.dma_semaphore, #tpu.memory_space<semaphore_mem>>) src(%dma_wait3A_70 : memref<128xi32, #tpu.memory_space<hbm>>) dst(%dma_wait3A_69 : memref<128xi32, #tpu.memory_space<vmem>>)
        tpu.yield
      }) : () -> ()
      %mul3A_40 = arith.constant 128 : i32
      %mul3A_41 = arith.muli %add3A_35, %mul3A_40 : i32
      "tpu.region"() ({
        %run_scoped3A = tpu.sem_alloc : memref<!tpu.dma_semaphore, #tpu.memory_space<semaphore_mem>>
        %dma_start3A_56 = arith.constant 0 : i32
        %dma_start3A_57 = arith.constant 0 : i32
        %dma_start3A_58 = tpu.memref_slice %arg6[%rem3A_34, %dma_start3A_56, %dma_start3A_57] : memref<2x128x32xf32, #tpu.memory_space<vmem>> -> memref<1x128x32xf32, #tpu.memory_space<vmem>>
        %dma_start3A_59 = tpu.memref_squeeze %dma_start3A_58 : memref<1x128x32xf32, #tpu.memory_space<vmem>> -> memref<128x32xf32, #tpu.memory_space<vmem>>
        %dma_start3A_60 = arith.constant 0 : i32
        %dma_start3A_61 = tpu.memref_slice %arg2[%mul3A_41, %dma_start3A_60] : memref<332800x32xf32, #tpu.memory_space<hbm>> -> memref<128x32xf32, #tpu.memory_space<hbm>>
        %dma_start3A_62 = arith.constant 0 : i32
        %dma_start3A_63 = arith.constant 0 : i32
        %dma_start3A_64 = tpu.memref_slice %arg6[%rem3A_34, %dma_start3A_62, %dma_start3A_63] : memref<2x128x32xf32, #tpu.memory_space<vmem>> -> memref<1x128x32xf32, #tpu.memory_space<vmem>>
        %dma_start3A_65 = tpu.memref_squeeze %dma_start3A_64 : memref<1x128x32xf32, #tpu.memory_space<vmem>> -> memref<128x32xf32, #tpu.memory_space<vmem>>
        %dma_start3A_66 = arith.constant 0 : i32
        %dma_start3A_67 = tpu.memref_slice %arg2[%mul3A_41, %dma_start3A_66] : memref<332800x32xf32, #tpu.memory_space<hbm>> -> memref<128x32xf32, #tpu.memory_space<hbm>>
        tpu.enqueue_dma source(%dma_start3A_67 : memref<128x32xf32, #tpu.memory_space<hbm>>) target(%dma_start3A_65 : memref<128x32xf32, #tpu.memory_space<vmem>>) target_semaphore(%run_scoped3A : memref<!tpu.dma_semaphore, #tpu.memory_space<semaphore_mem>>)
        %dma_wait3A = arith.constant 0 : i32
        %dma_wait3A_68 = arith.constant 0 : i32
        %dma_wait3A_69 = tpu.memref_slice %arg6[%rem3A_34, %dma_wait3A, %dma_wait3A_68] : memref<2x128x32xf32, #tpu.memory_space<vmem>> -> memref<1x128x32xf32, #tpu.memory_space<vmem>>
        %dma_wait3A_70 = tpu.memref_squeeze %dma_wait3A_69 : memref<1x128x32xf32, #tpu.memory_space<vmem>> -> memref<128x32xf32, #tpu.memory_space<vmem>>
        %dma_wait3A_71 = arith.constant 0 : i32
        %dma_wait3A_72 = tpu.memref_slice %arg2[%mul3A_41, %dma_wait3A_71] : memref<332800x32xf32, #tpu.memory_space<hbm>> -> memref<128x32xf32, #tpu.memory_space<hbm>>
        %dma_wait3A_73 = arith.constant 0 : i32
        %dma_wait3A_74 = arith.constant 0 : i32
        %dma_wait3A_75 = tpu.memref_slice %arg6[%rem3A_34, %dma_wait3A_73, %dma_wait3A_74] : memref<2x128x32xf32, #tpu.memory_space<vmem>> -> memref<1x128x32xf32, #tpu.memory_space<vmem>>
        %dma_wait3A_76 = tpu.memref_squeeze %dma_wait3A_75 : memref<1x128x32xf32, #tpu.memory_space<vmem>> -> memref<128x32xf32, #tpu.memory_space<vmem>>
        %dma_wait3A_77 = arith.constant 0 : i32
        %dma_wait3A_78 = tpu.memref_slice %arg2[%mul3A_41, %dma_wait3A_77] : memref<332800x32xf32, #tpu.memory_space<hbm>> -> memref<128x32xf32, #tpu.memory_space<hbm>>
        tpu.wait_dma2 semaphore(%run_scoped3A : memref<!tpu.dma_semaphore, #tpu.memory_space<semaphore_mem>>) src(%dma_wait3A_78 : memref<128x32xf32, #tpu.memory_space<hbm>>) dst(%dma_wait3A_76 : memref<128x32xf32, #tpu.memory_space<vmem>>)
        tpu.yield
      }) : () -> ()
      %gt3A_42 = arith.constant 0 : i32
      %gt3A_43 = arith.cmpi sgt, %while3A_33, %gt3A_42 : i32
      %convert_element_type3A_44 = arith.extui %gt3A_43 : i1 to i32
      %cond3A_45 = arith.constant 0 : i32
      %cond3A_46 = arith.cmpi ne, %convert_element_type3A_44, %cond3A_45 : i32
      scf.if %cond3A_46 {
        %dma_wait3A = arith.constant 0 : i32
        %dma_wait3A_56 = arith.constant 0 : i32
        %dma_wait3A_57 = tpu.memref_slice %arg6[%rem3A_34, %dma_wait3A, %dma_wait3A_56] : memref<2x128x32xf32, #tpu.memory_space<vmem>> -> memref<1x128x32xf32, #tpu.memory_space<vmem>>
        %dma_wait3A_58 = tpu.memref_squeeze %dma_wait3A_57 : memref<1x128x32xf32, #tpu.memory_space<vmem>> -> memref<128x32xf32, #tpu.memory_space<vmem>>
        %dma_wait3A_59 = arith.constant 0 : i32
        %dma_wait3A_60 = tpu.memref_slice %arg5[%rem3A_34, %dma_wait3A_59] : memref<2x128xi32, #tpu.memory_space<vmem>> -> memref<1x128xi32, #tpu.memory_space<vmem>>
        %dma_wait3A_61 = tpu.memref_squeeze %dma_wait3A_60 : memref<1x128xi32, #tpu.memory_space<vmem>> -> memref<128xi32, #tpu.memory_space<vmem>>
        %dma_wait3A_62 = arith.constant 0 : i32
        %dma_wait3A_63 = arith.constant 0 : i32
        %dma_wait3A_64 = tpu.memref_slice %arg8[%dma_wait3A_62, %dma_wait3A_63] : memref<20000x32xf32, #tpu.memory_space<vmem_shared>> -> memref<20000x32xf32, #tpu.memory_space<vmem_shared>>
        tpu.wait_indirect_dma semaphore(%arg9 : memref<!tpu.dma_semaphore, #tpu.memory_space<semaphore_mem>>) src(%dma_wait3A_58 : memref<128x32xf32, #tpu.memory_space<vmem>>) dst(%dma_wait3A_64 : memref<20000x32xf32, #tpu.memory_space<vmem_shared>>)
      } else {
      }
      %dma_start3A = arith.constant 0 : i32
      %dma_start3A_47 = arith.constant 0 : i32
      %dma_start3A_48 = tpu.memref_slice %arg6[%rem3A_34, %dma_start3A, %dma_start3A_47] : memref<2x128x32xf32, #tpu.memory_space<vmem>> -> memref<1x128x32xf32, #tpu.memory_space<vmem>>
      %dma_start3A_49 = tpu.memref_squeeze %dma_start3A_48 : memref<1x128x32xf32, #tpu.memory_space<vmem>> -> memref<128x32xf32, #tpu.memory_space<vmem>>
      %dma_start3A_50 = arith.constant 0 : i32
      %dma_start3A_51 = tpu.memref_slice %arg5[%rem3A_34, %dma_start3A_50] : memref<2x128xi32, #tpu.memory_space<vmem>> -> memref<1x128xi32, #tpu.memory_space<vmem>>
      %dma_start3A_52 = tpu.memref_squeeze %dma_start3A_51 : memref<1x128xi32, #tpu.memory_space<vmem>> -> memref<128xi32, #tpu.memory_space<vmem>>
      %dma_start3A_53 = arith.constant 0 : i32
      %dma_start3A_54 = arith.constant 0 : i32
      %dma_start3A_55 = tpu.memref_slice %arg8[%dma_start3A_53, %dma_start3A_54] : memref<20000x32xf32, #tpu.memory_space<vmem_shared>> -> memref<20000x32xf32, #tpu.memory_space<vmem_shared>>
      tpu.enqueue_indirect_dma source(%dma_start3A_49 : memref<128x32xf32, #tpu.memory_space<vmem>>) target(%dma_start3A_55 : memref<20000x32xf32, #tpu.memory_space<vmem_shared>>) offsets(%dma_start3A_52 : memref<128xi32, #tpu.memory_space<vmem>>) semaphore(%arg9 : memref<!tpu.dma_semaphore, #tpu.memory_space<semaphore_mem>>) {add = true}
    }
    %while3A_24 = arith.constant 1 : i32
    scf.for %while3A_33 = %while3A_22 to %while3A_18 step %while3A_24  : i32 {
      %rem3A = arith.constant 2 : i32
      %rem3A_34 = arith.remsi %while3A_33, %rem3A : i32
      %add3A_35 = arith.addi %add3A_12, %while3A_33 : i32
      %add3A_36 = arith.constant 0 : i32
      %add3A_37 = arith.addi %add3A_36, %add3A_35 : i32
      %mul3A_38 = arith.constant 128 : i32
      %mul3A_39 = arith.muli %add3A_37, %mul3A_38 : i32
      "tpu.region"() ({
        %run_scoped3A = tpu.sem_alloc : memref<!tpu.dma_semaphore, #tpu.memory_space<semaphore_mem>>
        %dma_start3A_56 = arith.constant 0 : i32
        %dma_start3A_57 = tpu.memref_slice %arg5[%rem3A_34, %dma_start3A_56] : memref<2x128xi32, #tpu.memory_space<vmem>> -> memref<1x128xi32, #tpu.memory_space<vmem>>
        %dma_start3A_58 = tpu.memref_squeeze %dma_start3A_57 : memref<1x128xi32, #tpu.memory_space<vmem>> -> memref<128xi32, #tpu.memory_space<vmem>>
        %dma_start3A_59 = tpu.memref_slice %arg3[%mul3A_39] : memref<640000xi32, #tpu.memory_space<hbm>> -> memref<128xi32, #tpu.memory_space<hbm>>
        %dma_start3A_60 = arith.constant 0 : i32
        %dma_start3A_61 = tpu.memref_slice %arg5[%rem3A_34, %dma_start3A_60] : memref<2x128xi32, #tpu.memory_space<vmem>> -> memref<1x128xi32, #tpu.memory_space<vmem>>
        %dma_start3A_62 = tpu.memref_squeeze %dma_start3A_61 : memref<1x128xi32, #tpu.memory_space<vmem>> -> memref<128xi32, #tpu.memory_space<vmem>>
        %dma_start3A_63 = tpu.memref_slice %arg3[%mul3A_39] : memref<640000xi32, #tpu.memory_space<hbm>> -> memref<128xi32, #tpu.memory_space<hbm>>
        tpu.enqueue_dma source(%dma_start3A_63 : memref<128xi32, #tpu.memory_space<hbm>>) target(%dma_start3A_62 : memref<128xi32, #tpu.memory_space<vmem>>) target_semaphore(%run_scoped3A : memref<!tpu.dma_semaphore, #tpu.memory_space<semaphore_mem>>)
        %dma_wait3A = arith.constant 0 : i32
        %dma_wait3A_64 = tpu.memref_slice %arg5[%rem3A_34, %dma_wait3A] : memref<2x128xi32, #tpu.memory_space<vmem>> -> memref<1x128xi32, #tpu.memory_space<vmem>>
        %dma_wait3A_65 = tpu.memref_squeeze %dma_wait3A_64 : memref<1x128xi32, #tpu.memory_space<vmem>> -> memref<128xi32, #tpu.memory_space<vmem>>
        %dma_wait3A_66 = tpu.memref_slice %arg3[%mul3A_39] : memref<640000xi32, #tpu.memory_space<hbm>> -> memref<128xi32, #tpu.memory_space<hbm>>
        %dma_wait3A_67 = arith.constant 0 : i32
        %dma_wait3A_68 = tpu.memref_slice %arg5[%rem3A_34, %dma_wait3A_67] : memref<2x128xi32, #tpu.memory_space<vmem>> -> memref<1x128xi32, #tpu.memory_space<vmem>>
        %dma_wait3A_69 = tpu.memref_squeeze %dma_wait3A_68 : memref<1x128xi32, #tpu.memory_space<vmem>> -> memref<128xi32, #tpu.memory_space<vmem>>
        %dma_wait3A_70 = tpu.memref_slice %arg3[%mul3A_39] : memref<640000xi32, #tpu.memory_space<hbm>> -> memref<128xi32, #tpu.memory_space<hbm>>
        tpu.wait_dma2 semaphore(%run_scoped3A : memref<!tpu.dma_semaphore, #tpu.memory_space<semaphore_mem>>) src(%dma_wait3A_70 : memref<128xi32, #tpu.memory_space<hbm>>) dst(%dma_wait3A_69 : memref<128xi32, #tpu.memory_space<vmem>>)
        tpu.yield
      }) : () -> ()
      %mul3A_40 = arith.constant 128 : i32
      %mul3A_41 = arith.muli %add3A_35, %mul3A_40 : i32
      "tpu.region"() ({
        %run_scoped3A = tpu.sem_alloc : memref<!tpu.dma_semaphore, #tpu.memory_space<semaphore_mem>>
        %dma_start3A_56 = arith.constant 0 : i32
        %dma_start3A_57 = arith.constant 0 : i32
        %dma_start3A_58 = tpu.memref_slice %arg6[%rem3A_34, %dma_start3A_56, %dma_start3A_57] : memref<2x128x32xf32, #tpu.memory_space<vmem>> -> memref<1x128x32xf32, #tpu.memory_space<vmem>>
        %dma_start3A_59 = tpu.memref_squeeze %dma_start3A_58 : memref<1x128x32xf32, #tpu.memory_space<vmem>> -> memref<128x32xf32, #tpu.memory_space<vmem>>
        %dma_start3A_60 = arith.constant 0 : i32
        %dma_start3A_61 = tpu.memref_slice %arg2[%mul3A_41, %dma_start3A_60] : memref<332800x32xf32, #tpu.memory_space<hbm>> -> memref<128x32xf32, #tpu.memory_space<hbm>>
        %dma_start3A_62 = arith.constant 0 : i32
        %dma_start3A_63 = arith.constant 0 : i32
        %dma_start3A_64 = tpu.memref_slice %arg6[%rem3A_34, %dma_start3A_62, %dma_start3A_63] : memref<2x128x32xf32, #tpu.memory_space<vmem>> -> memref<1x128x32xf32, #tpu.memory_space<vmem>>
        %dma_start3A_65 = tpu.memref_squeeze %dma_start3A_64 : memref<1x128x32xf32, #tpu.memory_space<vmem>> -> memref<128x32xf32, #tpu.memory_space<vmem>>
        %dma_start3A_66 = arith.constant 0 : i32
        %dma_start3A_67 = tpu.memref_slice %arg2[%mul3A_41, %dma_start3A_66] : memref<332800x32xf32, #tpu.memory_space<hbm>> -> memref<128x32xf32, #tpu.memory_space<hbm>>
        tpu.enqueue_dma source(%dma_start3A_67 : memref<128x32xf32, #tpu.memory_space<hbm>>) target(%dma_start3A_65 : memref<128x32xf32, #tpu.memory_space<vmem>>) target_semaphore(%run_scoped3A : memref<!tpu.dma_semaphore, #tpu.memory_space<semaphore_mem>>)
        %dma_wait3A = arith.constant 0 : i32
        %dma_wait3A_68 = arith.constant 0 : i32
        %dma_wait3A_69 = tpu.memref_slice %arg6[%rem3A_34, %dma_wait3A, %dma_wait3A_68] : memref<2x128x32xf32, #tpu.memory_space<vmem>> -> memref<1x128x32xf32, #tpu.memory_space<vmem>>
        %dma_wait3A_70 = tpu.memref_squeeze %dma_wait3A_69 : memref<1x128x32xf32, #tpu.memory_space<vmem>> -> memref<128x32xf32, #tpu.memory_space<vmem>>
        %dma_wait3A_71 = arith.constant 0 : i32
        %dma_wait3A_72 = tpu.memref_slice %arg2[%mul3A_41, %dma_wait3A_71] : memref<332800x32xf32, #tpu.memory_space<hbm>> -> memref<128x32xf32, #tpu.memory_space<hbm>>
        %dma_wait3A_73 = arith.constant 0 : i32
        %dma_wait3A_74 = arith.constant 0 : i32
        %dma_wait3A_75 = tpu.memref_slice %arg6[%rem3A_34, %dma_wait3A_73, %dma_wait3A_74] : memref<2x128x32xf32, #tpu.memory_space<vmem>> -> memref<1x128x32xf32, #tpu.memory_space<vmem>>
        %dma_wait3A_76 = tpu.memref_squeeze %dma_wait3A_75 : memref<1x128x32xf32, #tpu.memory_space<vmem>> -> memref<128x32xf32, #tpu.memory_space<vmem>>
        %dma_wait3A_77 = arith.constant 0 : i32
        %dma_wait3A_78 = tpu.memref_slice %arg2[%mul3A_41, %dma_wait3A_77] : memref<332800x32xf32, #tpu.memory_space<hbm>> -> memref<128x32xf32, #tpu.memory_space<hbm>>
        tpu.wait_dma2 semaphore(%run_scoped3A : memref<!tpu.dma_semaphore, #tpu.memory_space<semaphore_mem>>) src(%dma_wait3A_78 : memref<128x32xf32, #tpu.memory_space<hbm>>) dst(%dma_wait3A_76 : memref<128x32xf32, #tpu.memory_space<vmem>>)
        tpu.yield
      }) : () -> ()
      %gt3A_42 = arith.constant 0 : i32
      %gt3A_43 = arith.cmpi sgt, %while3A_33, %gt3A_42 : i32
      %convert_element_type3A_44 = arith.extui %gt3A_43 : i1 to i32
      %cond3A_45 = arith.constant 0 : i32
      %cond3A_46 = arith.cmpi ne, %convert_element_type3A_44, %cond3A_45 : i32
      scf.if %cond3A_46 {
        %dma_wait3A = arith.constant 0 : i32
        %dma_wait3A_56 = arith.constant 0 : i32
        %dma_wait3A_57 = tpu.memref_slice %arg6[%rem3A_34, %dma_wait3A, %dma_wait3A_56] : memref<2x128x32xf32, #tpu.memory_space<vmem>> -> memref<1x128x32xf32, #tpu.memory_space<vmem>>
        %dma_wait3A_58 = tpu.memref_squeeze %dma_wait3A_57 : memref<1x128x32xf32, #tpu.memory_space<vmem>> -> memref<128x32xf32, #tpu.memory_space<vmem>>
        %dma_wait3A_59 = arith.constant 0 : i32
        %dma_wait3A_60 = tpu.memref_slice %arg5[%rem3A_34, %dma_wait3A_59] : memref<2x128xi32, #tpu.memory_space<vmem>> -> memref<1x128xi32, #tpu.memory_space<vmem>>
        %dma_wait3A_61 = tpu.memref_squeeze %dma_wait3A_60 : memref<1x128xi32, #tpu.memory_space<vmem>> -> memref<128xi32, #tpu.memory_space<vmem>>
        %dma_wait3A_62 = arith.constant 0 : i32
        %dma_wait3A_63 = arith.constant 0 : i32
        %dma_wait3A_64 = tpu.memref_slice %arg8[%dma_wait3A_62, %dma_wait3A_63] : memref<20000x32xf32, #tpu.memory_space<vmem_shared>> -> memref<20000x32xf32, #tpu.memory_space<vmem_shared>>
        tpu.wait_indirect_dma semaphore(%arg9 : memref<!tpu.dma_semaphore, #tpu.memory_space<semaphore_mem>>) src(%dma_wait3A_58 : memref<128x32xf32, #tpu.memory_space<vmem>>) dst(%dma_wait3A_64 : memref<20000x32xf32, #tpu.memory_space<vmem_shared>>)
      } else {
      }
      %dma_start3A = arith.constant 0 : i32
      %dma_start3A_47 = arith.constant 0 : i32
      %dma_start3A_48 = tpu.memref_slice %arg6[%rem3A_34, %dma_start3A, %dma_start3A_47] : memref<2x128x32xf32, #tpu.memory_space<vmem>> -> memref<1x128x32xf32, #tpu.memory_space<vmem>>
      %dma_start3A_49 = tpu.memref_squeeze %dma_start3A_48 : memref<1x128x32xf32, #tpu.memory_space<vmem>> -> memref<128x32xf32, #tpu.memory_space<vmem>>
      %dma_start3A_50 = arith.constant 0 : i32
      %dma_start3A_51 = tpu.memref_slice %arg5[%rem3A_34, %dma_start3A_50] : memref<2x128xi32, #tpu.memory_space<vmem>> -> memref<1x128xi32, #tpu.memory_space<vmem>>
      %dma_start3A_52 = tpu.memref_squeeze %dma_start3A_51 : memref<1x128xi32, #tpu.memory_space<vmem>> -> memref<128xi32, #tpu.memory_space<vmem>>
      %dma_start3A_53 = arith.constant 0 : i32
      %dma_start3A_54 = arith.constant 0 : i32
      %dma_start3A_55 = tpu.memref_slice %arg8[%dma_start3A_53, %dma_start3A_54] : memref<20000x32xf32, #tpu.memory_space<vmem_shared>> -> memref<20000x32xf32, #tpu.memory_space<vmem_shared>>
      tpu.enqueue_indirect_dma source(%dma_start3A_49 : memref<128x32xf32, #tpu.memory_space<vmem>>) target(%dma_start3A_55 : memref<20000x32xf32, #tpu.memory_space<vmem_shared>>) offsets(%dma_start3A_52 : memref<128xi32, #tpu.memory_space<vmem>>) semaphore(%arg9 : memref<!tpu.dma_semaphore, #tpu.memory_space<semaphore_mem>>) {add = true}
    }
    %gt3A = arith.constant 0 : i32
    %gt3A_25 = arith.cmpi sgt, %add3A_15, %gt3A : i32
    %convert_element_type3A_26 = arith.extui %gt3A_25 : i1 to i32
    %cond3A = arith.constant 0 : i32
    %cond3A_27 = arith.cmpi ne, %convert_element_type3A_26, %cond3A : i32
    scf.if %cond3A_27 {
      %dma_wait3A = arith.constant 0 : i32
      %dma_wait3A_33 = arith.constant 0 : i32
      %dma_wait3A_34 = arith.constant 0 : i32
      %dma_wait3A_35 = arith.constant 0 : i32
      %dma_wait3A_36 = tpu.memref_slice %arg6[%dma_wait3A, %dma_wait3A_34, %dma_wait3A_35] : memref<2x128x32xf32, #tpu.memory_space<vmem>> -> memref<1x128x32xf32, #tpu.memory_space<vmem>>
      %dma_wait3A_37 = tpu.memref_squeeze %dma_wait3A_36 : memref<1x128x32xf32, #tpu.memory_space<vmem>> -> memref<128x32xf32, #tpu.memory_space<vmem>>
      %dma_wait3A_38 = arith.constant 0 : i32
      %dma_wait3A_39 = tpu.memref_slice %arg5[%dma_wait3A_33, %dma_wait3A_38] : memref<2x128xi32, #tpu.memory_space<vmem>> -> memref<1x128xi32, #tpu.memory_space<vmem>>
      %dma_wait3A_40 = tpu.memref_squeeze %dma_wait3A_39 : memref<1x128xi32, #tpu.memory_space<vmem>> -> memref<128xi32, #tpu.memory_space<vmem>>
      %dma_wait3A_41 = arith.constant 0 : i32
      %dma_wait3A_42 = arith.constant 0 : i32
      %dma_wait3A_43 = tpu.memref_slice %arg8[%dma_wait3A_41, %dma_wait3A_42] : memref<20000x32xf32, #tpu.memory_space<vmem_shared>> -> memref<20000x32xf32, #tpu.memory_space<vmem_shared>>
      tpu.wait_indirect_dma semaphore(%arg9 : memref<!tpu.dma_semaphore, #tpu.memory_space<semaphore_mem>>) src(%dma_wait3A_37 : memref<128x32xf32, #tpu.memory_space<vmem>>) dst(%dma_wait3A_43 : memref<20000x32xf32, #tpu.memory_space<vmem_shared>>)
    } else {
    }
    %barrier3A_28 = arith.constant 0 : index
    tpu.barrier barrier_id(%barrier3A_28)
    %mul3A_29 = arith.constant 1250 : i32
    %mul3A_30 = arith.muli %arg1, %mul3A_29 : i32
    "tpu.region"() ({
      %run_scoped3A = tpu.sem_alloc : memref<!tpu.dma_semaphore, #tpu.memory_space<semaphore_mem>>
      %dma_start3A = arith.constant 0 : i32
      %dma_start3A_33 = tpu.memref_slice %arg8[%mul3A_30, %dma_start3A] : memref<20000x32xf32, #tpu.memory_space<vmem_shared>> -> memref<1250x32xf32, #tpu.memory_space<vmem_shared>>
      %dma_start3A_34 = arith.constant 0 : i32
      %dma_start3A_35 = tpu.memref_slice %arg8[%mul3A_30, %dma_start3A_34] : memref<20000x32xf32, #tpu.memory_space<vmem_shared>> -> memref<1250x32xf32, #tpu.memory_space<vmem_shared>>
      tpu.enqueue_dma source(%dma_start3A_35 : memref<1250x32xf32, #tpu.memory_space<vmem_shared>>) target(%arg7 : memref<1250x32xf32, #tpu.memory_space<vmem>>) target_semaphore(%run_scoped3A : memref<!tpu.dma_semaphore, #tpu.memory_space<semaphore_mem>>)
      %dma_wait3A = arith.constant 0 : i32
      %dma_wait3A_36 = tpu.memref_slice %arg8[%mul3A_30, %dma_wait3A] : memref<20000x32xf32, #tpu.memory_space<vmem_shared>> -> memref<1250x32xf32, #tpu.memory_space<vmem_shared>>
      %dma_wait3A_37 = arith.constant 0 : i32
      %dma_wait3A_38 = tpu.memref_slice %arg8[%mul3A_30, %dma_wait3A_37] : memref<20000x32xf32, #tpu.memory_space<vmem_shared>> -> memref<1250x32xf32, #tpu.memory_space<vmem_shared>>
      tpu.wait_dma2 semaphore(%run_scoped3A : memref<!tpu.dma_semaphore, #tpu.memory_space<semaphore_mem>>) src(%dma_wait3A_38 : memref<1250x32xf32, #tpu.memory_space<vmem_shared>>) dst(%arg7 : memref<1250x32xf32, #tpu.memory_space<vmem>>)
      tpu.yield
    }) : () -> ()
    %mul3A_31 = arith.constant 1250 : i32
    %mul3A_32 = arith.muli %arg1, %mul3A_31 : i32
    "tpu.region"() ({
      %run_scoped3A = tpu.sem_alloc : memref<!tpu.dma_semaphore, #tpu.memory_space<semaphore_mem>>
      %dma_start3A = arith.constant 0 : i32
      %dma_start3A_33 = tpu.memref_slice %arg4[%arg0, %mul3A_32, %dma_start3A] : memref<2x20000x32xf32, #tpu.memory_space<hbm>> -> memref<1x1250x32xf32, #tpu.memory_space<hbm>>
      %dma_start3A_34 = tpu.memref_squeeze %dma_start3A_33 : memref<1x1250x32xf32, #tpu.memory_space<hbm>> -> memref<1250x32xf32, #tpu.memory_space<hbm>>
      %dma_start3A_35 = arith.constant 0 : i32
      %dma_start3A_36 = tpu.memref_slice %arg4[%arg0, %mul3A_32, %dma_start3A_35] : memref<2x20000x32xf32, #tpu.memory_space<hbm>> -> memref<1x1250x32xf32, #tpu.memory_space<hbm>>
      %dma_start3A_37 = tpu.memref_squeeze %dma_start3A_36 : memref<1x1250x32xf32, #tpu.memory_space<hbm>> -> memref<1250x32xf32, #tpu.memory_space<hbm>>
      tpu.enqueue_dma source(%arg7 : memref<1250x32xf32, #tpu.memory_space<vmem>>) target(%dma_start3A_37 : memref<1250x32xf32, #tpu.memory_space<hbm>>) target_semaphore(%run_scoped3A : memref<!tpu.dma_semaphore, #tpu.memory_space<semaphore_mem>>)
      %dma_wait3A = arith.constant 0 : i32
      %dma_wait3A_38 = tpu.memref_slice %arg4[%arg0, %mul3A_32, %dma_wait3A] : memref<2x20000x32xf32, #tpu.memory_space<hbm>> -> memref<1x1250x32xf32, #tpu.memory_space<hbm>>
      %dma_wait3A_39 = tpu.memref_squeeze %dma_wait3A_38 : memref<1x1250x32xf32, #tpu.memory_space<hbm>> -> memref<1250x32xf32, #tpu.memory_space<hbm>>
      %dma_wait3A_40 = arith.constant 0 : i32
      %dma_wait3A_41 = tpu.memref_slice %arg4[%arg0, %mul3A_32, %dma_wait3A_40] : memref<2x20000x32xf32, #tpu.memory_space<hbm>> -> memref<1x1250x32xf32, #tpu.memory_space<hbm>>
      %dma_wait3A_42 = tpu.memref_squeeze %dma_wait3A_41 : memref<1x1250x32xf32, #tpu.memory_space<hbm>> -> memref<1250x32xf32, #tpu.memory_space<hbm>>
      tpu.wait_dma2 semaphore(%run_scoped3A : memref<!tpu.dma_semaphore, #tpu.memory_space<semaphore_mem>>) src(%arg7 : memref<1250x32xf32, #tpu.memory_space<vmem>>) dst(%dma_wait3A_42 : memref<1250x32xf32, #tpu.memory_space<hbm>>)
      tpu.yield
    }) : () -> ()
    return
  }
}

#map = affine_map<(d0, d1) -> (0, 0)>
#map1 = affine_map<(d0, d1) -> (0)>
module attributes {stable_mosaic.version = 14 : i64} {
  func.func @body(%arg0: i32, %arg1: i32, %arg2: memref<10000x128xf32, #tpu.memory_space<hbm>>, %arg3: memref<10000x128xf32, #tpu.memory_space<hbm>>, %arg4: memref<320000xi32, #tpu.memory_space<hbm>>, %arg5: memref<320000xi32, #tpu.memory_space<hbm>>, %arg6: memref<153600x128xf32, #tpu.memory_space<hbm>>, %arg7: memref<153600x128xf32, #tpu.memory_space<hbm>>, %arg8: memref<400xi32, #tpu.memory_space<vmem>>, %arg9: memref<400x128xf32, #tpu.memory_space<vmem>>, %arg10: memref<!tpu.dma_semaphore, #tpu.memory_space<semaphore_mem>>) attributes {dimension_semantics = [#tpu.dimension_semantics<core_parallel>, #tpu.dimension_semantics<subcore_parallel>], iteration_bounds = array<i64: 2, 16>, scalar_prefetch = 0 : i64, scratch_operands = 3 : i64, tpu.core_type = #tpu.core_type<sc_vector_subcore>, window_params = [{transform_indices = #map}, {transform_indices = #map}, {transform_indices = #map1}, {transform_indices = #map1}, {transform_indices = #map}, {transform_indices = #map}]} {
    %mul3A = arith.constant 2 : i32
    %mul3A_0 = arith.muli %arg1, %mul3A : i32
    %add3A = arith.addi %mul3A_0, %arg0 : i32
    %mul3A_1 = arith.constant 4800 : i32
    %mul3A_2 = arith.muli %add3A, %mul3A_1 : i32
    %scan3A = arith.constant 0 : i32
    %scan3A_3 = arith.constant 0 : i32
    %scan3A_4 = arith.constant 12 : i32
    %scan3A_5 = arith.addi %scan3A_3, %scan3A_4 : i32
    %scan3A_6 = arith.constant 1 : i32
    scf.for %scan3A_8 = %scan3A_3 to %scan3A_5 step %scan3A_6  : i32 {
      %add3A_9 = arith.constant 166400 : i32
      %add3A_10 = arith.addi %add3A_9, %mul3A_2 : i32
      %mul3A_11 = arith.constant 400 : i32
      %mul3A_12 = arith.muli %scan3A_8, %mul3A_11 : i32
      %add3A_13 = arith.addi %add3A_10, %mul3A_12 : i32
      %mul3A_14 = arith.constant 400 : i32
      %mul3A_15 = arith.muli %scan3A_8, %mul3A_14 : i32
      %add3A_16 = arith.addi %mul3A_2, %mul3A_15 : i32
      "tpu.region"() ({
        %run_scoped3A = tpu.sem_alloc : memref<!tpu.dma_semaphore, #tpu.memory_space<semaphore_mem>>
        %dma_start3A_175 = tpu.memref_slice %arg4[%add3A_13] : memref<320000xi32, #tpu.memory_space<hbm>> -> memref<400xi32, #tpu.memory_space<hbm>>
        %dma_start3A_176 = tpu.memref_slice %arg4[%add3A_13] : memref<320000xi32, #tpu.memory_space<hbm>> -> memref<400xi32, #tpu.memory_space<hbm>>
        tpu.enqueue_dma source(%dma_start3A_176 : memref<400xi32, #tpu.memory_space<hbm>>) target(%arg8 : memref<400xi32, #tpu.memory_space<vmem>>) target_semaphore(%run_scoped3A : memref<!tpu.dma_semaphore, #tpu.memory_space<semaphore_mem>>)
        %dma_wait3A_177 = tpu.memref_slice %arg4[%add3A_13] : memref<320000xi32, #tpu.memory_space<hbm>> -> memref<400xi32, #tpu.memory_space<hbm>>
        %dma_wait3A_178 = tpu.memref_slice %arg4[%add3A_13] : memref<320000xi32, #tpu.memory_space<hbm>> -> memref<400xi32, #tpu.memory_space<hbm>>
        tpu.wait_dma2 semaphore(%run_scoped3A : memref<!tpu.dma_semaphore, #tpu.memory_space<semaphore_mem>>) src(%dma_wait3A_178 : memref<400xi32, #tpu.memory_space<hbm>>) dst(%arg8 : memref<400xi32, #tpu.memory_space<vmem>>)
        tpu.yield
      }) : () -> ()
      %dma_start3A = arith.constant 0 : i32
      %dma_start3A_17 = arith.constant 0 : i32
      %dma_start3A_18 = tpu.memref_slice %arg9[%dma_start3A, %dma_start3A_17] : memref<400x128xf32, #tpu.memory_space<vmem>> -> memref<80x128xf32, #tpu.memory_space<vmem>>
      %dma_start3A_19 = arith.constant 0 : i32
      %dma_start3A_20 = tpu.memref_slice %arg8[%dma_start3A_19] : memref<400xi32, #tpu.memory_space<vmem>> -> memref<80xi32, #tpu.memory_space<vmem>>
      %dma_start3A_21 = arith.constant 0 : i32
      %dma_start3A_22 = arith.constant 0 : i32
      %dma_start3A_23 = tpu.memref_slice %arg2[%dma_start3A_21, %dma_start3A_22] : memref<10000x128xf32, #tpu.memory_space<hbm>> -> memref<10000x128xf32, #tpu.memory_space<hbm>>
      tpu.enqueue_indirect_dma source(%dma_start3A_23 : memref<10000x128xf32, #tpu.memory_space<hbm>>) target(%dma_start3A_18 : memref<80x128xf32, #tpu.memory_space<vmem>>) offsets(%dma_start3A_20 : memref<80xi32, #tpu.memory_space<vmem>>) semaphore(%arg10 : memref<!tpu.dma_semaphore, #tpu.memory_space<semaphore_mem>>)
      %dma_start3A_24 = arith.constant 80 : i32
      %dma_start3A_25 = arith.constant 0 : i32
      %dma_start3A_26 = tpu.memref_slice %arg9[%dma_start3A_24, %dma_start3A_25] : memref<400x128xf32, #tpu.memory_space<vmem>> -> memref<80x128xf32, #tpu.memory_space<vmem>>
      %dma_start3A_27 = arith.constant 80 : i32
      %dma_start3A_28 = tpu.memref_slice %arg8[%dma_start3A_27] : memref<400xi32, #tpu.memory_space<vmem>> -> memref<80xi32, #tpu.memory_space<vmem>>
      %dma_start3A_29 = arith.constant 0 : i32
      %dma_start3A_30 = arith.constant 0 : i32
      %dma_start3A_31 = tpu.memref_slice %arg2[%dma_start3A_29, %dma_start3A_30] : memref<10000x128xf32, #tpu.memory_space<hbm>> -> memref<10000x128xf32, #tpu.memory_space<hbm>>
      tpu.enqueue_indirect_dma source(%dma_start3A_31 : memref<10000x128xf32, #tpu.memory_space<hbm>>) target(%dma_start3A_26 : memref<80x128xf32, #tpu.memory_space<vmem>>) offsets(%dma_start3A_28 : memref<80xi32, #tpu.memory_space<vmem>>) semaphore(%arg10 : memref<!tpu.dma_semaphore, #tpu.memory_space<semaphore_mem>>)
      %dma_start3A_32 = arith.constant 160 : i32
      %dma_start3A_33 = arith.constant 0 : i32
      %dma_start3A_34 = tpu.memref_slice %arg9[%dma_start3A_32, %dma_start3A_33] : memref<400x128xf32, #tpu.memory_space<vmem>> -> memref<80x128xf32, #tpu.memory_space<vmem>>
      %dma_start3A_35 = arith.constant 160 : i32
      %dma_start3A_36 = tpu.memref_slice %arg8[%dma_start3A_35] : memref<400xi32, #tpu.memory_space<vmem>> -> memref<80xi32, #tpu.memory_space<vmem>>
      %dma_start3A_37 = arith.constant 0 : i32
      %dma_start3A_38 = arith.constant 0 : i32
      %dma_start3A_39 = tpu.memref_slice %arg2[%dma_start3A_37, %dma_start3A_38] : memref<10000x128xf32, #tpu.memory_space<hbm>> -> memref<10000x128xf32, #tpu.memory_space<hbm>>
      tpu.enqueue_indirect_dma source(%dma_start3A_39 : memref<10000x128xf32, #tpu.memory_space<hbm>>) target(%dma_start3A_34 : memref<80x128xf32, #tpu.memory_space<vmem>>) offsets(%dma_start3A_36 : memref<80xi32, #tpu.memory_space<vmem>>) semaphore(%arg10 : memref<!tpu.dma_semaphore, #tpu.memory_space<semaphore_mem>>)
      %dma_start3A_40 = arith.constant 240 : i32
      %dma_start3A_41 = arith.constant 0 : i32
      %dma_start3A_42 = tpu.memref_slice %arg9[%dma_start3A_40, %dma_start3A_41] : memref<400x128xf32, #tpu.memory_space<vmem>> -> memref<80x128xf32, #tpu.memory_space<vmem>>
      %dma_start3A_43 = arith.constant 240 : i32
      %dma_start3A_44 = tpu.memref_slice %arg8[%dma_start3A_43] : memref<400xi32, #tpu.memory_space<vmem>> -> memref<80xi32, #tpu.memory_space<vmem>>
      %dma_start3A_45 = arith.constant 0 : i32
      %dma_start3A_46 = arith.constant 0 : i32
      %dma_start3A_47 = tpu.memref_slice %arg2[%dma_start3A_45, %dma_start3A_46] : memref<10000x128xf32, #tpu.memory_space<hbm>> -> memref<10000x128xf32, #tpu.memory_space<hbm>>
      tpu.enqueue_indirect_dma source(%dma_start3A_47 : memref<10000x128xf32, #tpu.memory_space<hbm>>) target(%dma_start3A_42 : memref<80x128xf32, #tpu.memory_space<vmem>>) offsets(%dma_start3A_44 : memref<80xi32, #tpu.memory_space<vmem>>) semaphore(%arg10 : memref<!tpu.dma_semaphore, #tpu.memory_space<semaphore_mem>>)
      %dma_start3A_48 = arith.constant 320 : i32
      %dma_start3A_49 = arith.constant 0 : i32
      %dma_start3A_50 = tpu.memref_slice %arg9[%dma_start3A_48, %dma_start3A_49] : memref<400x128xf32, #tpu.memory_space<vmem>> -> memref<80x128xf32, #tpu.memory_space<vmem>>
      %dma_start3A_51 = arith.constant 320 : i32
      %dma_start3A_52 = tpu.memref_slice %arg8[%dma_start3A_51] : memref<400xi32, #tpu.memory_space<vmem>> -> memref<80xi32, #tpu.memory_space<vmem>>
      %dma_start3A_53 = arith.constant 0 : i32
      %dma_start3A_54 = arith.constant 0 : i32
      %dma_start3A_55 = tpu.memref_slice %arg2[%dma_start3A_53, %dma_start3A_54] : memref<10000x128xf32, #tpu.memory_space<hbm>> -> memref<10000x128xf32, #tpu.memory_space<hbm>>
      tpu.enqueue_indirect_dma source(%dma_start3A_55 : memref<10000x128xf32, #tpu.memory_space<hbm>>) target(%dma_start3A_50 : memref<80x128xf32, #tpu.memory_space<vmem>>) offsets(%dma_start3A_52 : memref<80xi32, #tpu.memory_space<vmem>>) semaphore(%arg10 : memref<!tpu.dma_semaphore, #tpu.memory_space<semaphore_mem>>)
      %dma_wait3A = arith.constant 0 : i32
      %dma_wait3A_56 = arith.constant 0 : i32
      %dma_wait3A_57 = tpu.memref_slice %arg9[%dma_wait3A, %dma_wait3A_56] : memref<400x128xf32, #tpu.memory_space<vmem>> -> memref<80x128xf32, #tpu.memory_space<vmem>>
      %dma_wait3A_58 = arith.constant 0 : i32
      %dma_wait3A_59 = tpu.memref_slice %arg8[%dma_wait3A_58] : memref<400xi32, #tpu.memory_space<vmem>> -> memref<80xi32, #tpu.memory_space<vmem>>
      %dma_wait3A_60 = arith.constant 0 : i32
      %dma_wait3A_61 = arith.constant 0 : i32
      %dma_wait3A_62 = tpu.memref_slice %arg2[%dma_wait3A_60, %dma_wait3A_61] : memref<10000x128xf32, #tpu.memory_space<hbm>> -> memref<10000x128xf32, #tpu.memory_space<hbm>>
      tpu.wait_indirect_dma semaphore(%arg10 : memref<!tpu.dma_semaphore, #tpu.memory_space<semaphore_mem>>) src(%dma_wait3A_62 : memref<10000x128xf32, #tpu.memory_space<hbm>>) dst(%dma_wait3A_57 : memref<80x128xf32, #tpu.memory_space<vmem>>)
      %dma_wait3A_63 = arith.constant 80 : i32
      %dma_wait3A_64 = arith.constant 0 : i32
      %dma_wait3A_65 = tpu.memref_slice %arg9[%dma_wait3A_63, %dma_wait3A_64] : memref<400x128xf32, #tpu.memory_space<vmem>> -> memref<80x128xf32, #tpu.memory_space<vmem>>
      %dma_wait3A_66 = arith.constant 80 : i32
      %dma_wait3A_67 = tpu.memref_slice %arg8[%dma_wait3A_66] : memref<400xi32, #tpu.memory_space<vmem>> -> memref<80xi32, #tpu.memory_space<vmem>>
      %dma_wait3A_68 = arith.constant 0 : i32
      %dma_wait3A_69 = arith.constant 0 : i32
      %dma_wait3A_70 = tpu.memref_slice %arg2[%dma_wait3A_68, %dma_wait3A_69] : memref<10000x128xf32, #tpu.memory_space<hbm>> -> memref<10000x128xf32, #tpu.memory_space<hbm>>
      tpu.wait_indirect_dma semaphore(%arg10 : memref<!tpu.dma_semaphore, #tpu.memory_space<semaphore_mem>>) src(%dma_wait3A_70 : memref<10000x128xf32, #tpu.memory_space<hbm>>) dst(%dma_wait3A_65 : memref<80x128xf32, #tpu.memory_space<vmem>>)
      %dma_wait3A_71 = arith.constant 160 : i32
      %dma_wait3A_72 = arith.constant 0 : i32
      %dma_wait3A_73 = tpu.memref_slice %arg9[%dma_wait3A_71, %dma_wait3A_72] : memref<400x128xf32, #tpu.memory_space<vmem>> -> memref<80x128xf32, #tpu.memory_space<vmem>>
      %dma_wait3A_74 = arith.constant 160 : i32
      %dma_wait3A_75 = tpu.memref_slice %arg8[%dma_wait3A_74] : memref<400xi32, #tpu.memory_space<vmem>> -> memref<80xi32, #tpu.memory_space<vmem>>
      %dma_wait3A_76 = arith.constant 0 : i32
      %dma_wait3A_77 = arith.constant 0 : i32
      %dma_wait3A_78 = tpu.memref_slice %arg2[%dma_wait3A_76, %dma_wait3A_77] : memref<10000x128xf32, #tpu.memory_space<hbm>> -> memref<10000x128xf32, #tpu.memory_space<hbm>>
      tpu.wait_indirect_dma semaphore(%arg10 : memref<!tpu.dma_semaphore, #tpu.memory_space<semaphore_mem>>) src(%dma_wait3A_78 : memref<10000x128xf32, #tpu.memory_space<hbm>>) dst(%dma_wait3A_73 : memref<80x128xf32, #tpu.memory_space<vmem>>)
      %dma_wait3A_79 = arith.constant 240 : i32
      %dma_wait3A_80 = arith.constant 0 : i32
      %dma_wait3A_81 = tpu.memref_slice %arg9[%dma_wait3A_79, %dma_wait3A_80] : memref<400x128xf32, #tpu.memory_space<vmem>> -> memref<80x128xf32, #tpu.memory_space<vmem>>
      %dma_wait3A_82 = arith.constant 240 : i32
      %dma_wait3A_83 = tpu.memref_slice %arg8[%dma_wait3A_82] : memref<400xi32, #tpu.memory_space<vmem>> -> memref<80xi32, #tpu.memory_space<vmem>>
      %dma_wait3A_84 = arith.constant 0 : i32
      %dma_wait3A_85 = arith.constant 0 : i32
      %dma_wait3A_86 = tpu.memref_slice %arg2[%dma_wait3A_84, %dma_wait3A_85] : memref<10000x128xf32, #tpu.memory_space<hbm>> -> memref<10000x128xf32, #tpu.memory_space<hbm>>
      tpu.wait_indirect_dma semaphore(%arg10 : memref<!tpu.dma_semaphore, #tpu.memory_space<semaphore_mem>>) src(%dma_wait3A_86 : memref<10000x128xf32, #tpu.memory_space<hbm>>) dst(%dma_wait3A_81 : memref<80x128xf32, #tpu.memory_space<vmem>>)
      %dma_wait3A_87 = arith.constant 320 : i32
      %dma_wait3A_88 = arith.constant 0 : i32
      %dma_wait3A_89 = tpu.memref_slice %arg9[%dma_wait3A_87, %dma_wait3A_88] : memref<400x128xf32, #tpu.memory_space<vmem>> -> memref<80x128xf32, #tpu.memory_space<vmem>>
      %dma_wait3A_90 = arith.constant 320 : i32
      %dma_wait3A_91 = tpu.memref_slice %arg8[%dma_wait3A_90] : memref<400xi32, #tpu.memory_space<vmem>> -> memref<80xi32, #tpu.memory_space<vmem>>
      %dma_wait3A_92 = arith.constant 0 : i32
      %dma_wait3A_93 = arith.constant 0 : i32
      %dma_wait3A_94 = tpu.memref_slice %arg2[%dma_wait3A_92, %dma_wait3A_93] : memref<10000x128xf32, #tpu.memory_space<hbm>> -> memref<10000x128xf32, #tpu.memory_space<hbm>>
      tpu.wait_indirect_dma semaphore(%arg10 : memref<!tpu.dma_semaphore, #tpu.memory_space<semaphore_mem>>) src(%dma_wait3A_94 : memref<10000x128xf32, #tpu.memory_space<hbm>>) dst(%dma_wait3A_89 : memref<80x128xf32, #tpu.memory_space<vmem>>)
      "tpu.region"() ({
        %run_scoped3A = tpu.sem_alloc : memref<!tpu.dma_semaphore, #tpu.memory_space<semaphore_mem>>
        %dma_start3A_175 = arith.constant 0 : i32
        %dma_start3A_176 = tpu.memref_slice %arg6[%add3A_16, %dma_start3A_175] : memref<153600x128xf32, #tpu.memory_space<hbm>> -> memref<400x128xf32, #tpu.memory_space<hbm>>
        %dma_start3A_177 = arith.constant 0 : i32
        %dma_start3A_178 = tpu.memref_slice %arg6[%add3A_16, %dma_start3A_177] : memref<153600x128xf32, #tpu.memory_space<hbm>> -> memref<400x128xf32, #tpu.memory_space<hbm>>
        tpu.enqueue_dma source(%arg9 : memref<400x128xf32, #tpu.memory_space<vmem>>) target(%dma_start3A_178 : memref<400x128xf32, #tpu.memory_space<hbm>>) target_semaphore(%run_scoped3A : memref<!tpu.dma_semaphore, #tpu.memory_space<semaphore_mem>>)
        %dma_wait3A_179 = arith.constant 0 : i32
        %dma_wait3A_180 = tpu.memref_slice %arg6[%add3A_16, %dma_wait3A_179] : memref<153600x128xf32, #tpu.memory_space<hbm>> -> memref<400x128xf32, #tpu.memory_space<hbm>>
        %dma_wait3A_181 = arith.constant 0 : i32
        %dma_wait3A_182 = tpu.memref_slice %arg6[%add3A_16, %dma_wait3A_181] : memref<153600x128xf32, #tpu.memory_space<hbm>> -> memref<400x128xf32, #tpu.memory_space<hbm>>
        tpu.wait_dma2 semaphore(%run_scoped3A : memref<!tpu.dma_semaphore, #tpu.memory_space<semaphore_mem>>) src(%arg9 : memref<400x128xf32, #tpu.memory_space<vmem>>) dst(%dma_wait3A_182 : memref<400x128xf32, #tpu.memory_space<hbm>>)
        tpu.yield
      }) : () -> ()
      "tpu.region"() ({
        %run_scoped3A = tpu.sem_alloc : memref<!tpu.dma_semaphore, #tpu.memory_space<semaphore_mem>>
        %dma_start3A_175 = tpu.memref_slice %arg5[%add3A_13] : memref<320000xi32, #tpu.memory_space<hbm>> -> memref<400xi32, #tpu.memory_space<hbm>>
        %dma_start3A_176 = tpu.memref_slice %arg5[%add3A_13] : memref<320000xi32, #tpu.memory_space<hbm>> -> memref<400xi32, #tpu.memory_space<hbm>>
        tpu.enqueue_dma source(%dma_start3A_176 : memref<400xi32, #tpu.memory_space<hbm>>) target(%arg8 : memref<400xi32, #tpu.memory_space<vmem>>) target_semaphore(%run_scoped3A : memref<!tpu.dma_semaphore, #tpu.memory_space<semaphore_mem>>)
        %dma_wait3A_177 = tpu.memref_slice %arg5[%add3A_13] : memref<320000xi32, #tpu.memory_space<hbm>> -> memref<400xi32, #tpu.memory_space<hbm>>
        %dma_wait3A_178 = tpu.memref_slice %arg5[%add3A_13] : memref<320000xi32, #tpu.memory_space<hbm>> -> memref<400xi32, #tpu.memory_space<hbm>>
        tpu.wait_dma2 semaphore(%run_scoped3A : memref<!tpu.dma_semaphore, #tpu.memory_space<semaphore_mem>>) src(%dma_wait3A_178 : memref<400xi32, #tpu.memory_space<hbm>>) dst(%arg8 : memref<400xi32, #tpu.memory_space<vmem>>)
        tpu.yield
      }) : () -> ()
      %dma_start3A_95 = arith.constant 0 : i32
      %dma_start3A_96 = arith.constant 0 : i32
      %dma_start3A_97 = tpu.memref_slice %arg9[%dma_start3A_95, %dma_start3A_96] : memref<400x128xf32, #tpu.memory_space<vmem>> -> memref<80x128xf32, #tpu.memory_space<vmem>>
      %dma_start3A_98 = arith.constant 0 : i32
      %dma_start3A_99 = tpu.memref_slice %arg8[%dma_start3A_98] : memref<400xi32, #tpu.memory_space<vmem>> -> memref<80xi32, #tpu.memory_space<vmem>>
      %dma_start3A_100 = arith.constant 0 : i32
      %dma_start3A_101 = arith.constant 0 : i32
      %dma_start3A_102 = tpu.memref_slice %arg3[%dma_start3A_100, %dma_start3A_101] : memref<10000x128xf32, #tpu.memory_space<hbm>> -> memref<10000x128xf32, #tpu.memory_space<hbm>>
      tpu.enqueue_indirect_dma source(%dma_start3A_102 : memref<10000x128xf32, #tpu.memory_space<hbm>>) target(%dma_start3A_97 : memref<80x128xf32, #tpu.memory_space<vmem>>) offsets(%dma_start3A_99 : memref<80xi32, #tpu.memory_space<vmem>>) semaphore(%arg10 : memref<!tpu.dma_semaphore, #tpu.memory_space<semaphore_mem>>)
      %dma_start3A_103 = arith.constant 80 : i32
      %dma_start3A_104 = arith.constant 0 : i32
      %dma_start3A_105 = tpu.memref_slice %arg9[%dma_start3A_103, %dma_start3A_104] : memref<400x128xf32, #tpu.memory_space<vmem>> -> memref<80x128xf32, #tpu.memory_space<vmem>>
      %dma_start3A_106 = arith.constant 80 : i32
      %dma_start3A_107 = tpu.memref_slice %arg8[%dma_start3A_106] : memref<400xi32, #tpu.memory_space<vmem>> -> memref<80xi32, #tpu.memory_space<vmem>>
      %dma_start3A_108 = arith.constant 0 : i32
      %dma_start3A_109 = arith.constant 0 : i32
      %dma_start3A_110 = tpu.memref_slice %arg3[%dma_start3A_108, %dma_start3A_109] : memref<10000x128xf32, #tpu.memory_space<hbm>> -> memref<10000x128xf32, #tpu.memory_space<hbm>>
      tpu.enqueue_indirect_dma source(%dma_start3A_110 : memref<10000x128xf32, #tpu.memory_space<hbm>>) target(%dma_start3A_105 : memref<80x128xf32, #tpu.memory_space<vmem>>) offsets(%dma_start3A_107 : memref<80xi32, #tpu.memory_space<vmem>>) semaphore(%arg10 : memref<!tpu.dma_semaphore, #tpu.memory_space<semaphore_mem>>)
      %dma_start3A_111 = arith.constant 160 : i32
      %dma_start3A_112 = arith.constant 0 : i32
      %dma_start3A_113 = tpu.memref_slice %arg9[%dma_start3A_111, %dma_start3A_112] : memref<400x128xf32, #tpu.memory_space<vmem>> -> memref<80x128xf32, #tpu.memory_space<vmem>>
      %dma_start3A_114 = arith.constant 160 : i32
      %dma_start3A_115 = tpu.memref_slice %arg8[%dma_start3A_114] : memref<400xi32, #tpu.memory_space<vmem>> -> memref<80xi32, #tpu.memory_space<vmem>>
      %dma_start3A_116 = arith.constant 0 : i32
      %dma_start3A_117 = arith.constant 0 : i32
      %dma_start3A_118 = tpu.memref_slice %arg3[%dma_start3A_116, %dma_start3A_117] : memref<10000x128xf32, #tpu.memory_space<hbm>> -> memref<10000x128xf32, #tpu.memory_space<hbm>>
      tpu.enqueue_indirect_dma source(%dma_start3A_118 : memref<10000x128xf32, #tpu.memory_space<hbm>>) target(%dma_start3A_113 : memref<80x128xf32, #tpu.memory_space<vmem>>) offsets(%dma_start3A_115 : memref<80xi32, #tpu.memory_space<vmem>>) semaphore(%arg10 : memref<!tpu.dma_semaphore, #tpu.memory_space<semaphore_mem>>)
      %dma_start3A_119 = arith.constant 240 : i32
      %dma_start3A_120 = arith.constant 0 : i32
      %dma_start3A_121 = tpu.memref_slice %arg9[%dma_start3A_119, %dma_start3A_120] : memref<400x128xf32, #tpu.memory_space<vmem>> -> memref<80x128xf32, #tpu.memory_space<vmem>>
      %dma_start3A_122 = arith.constant 240 : i32
      %dma_start3A_123 = tpu.memref_slice %arg8[%dma_start3A_122] : memref<400xi32, #tpu.memory_space<vmem>> -> memref<80xi32, #tpu.memory_space<vmem>>
      %dma_start3A_124 = arith.constant 0 : i32
      %dma_start3A_125 = arith.constant 0 : i32
      %dma_start3A_126 = tpu.memref_slice %arg3[%dma_start3A_124, %dma_start3A_125] : memref<10000x128xf32, #tpu.memory_space<hbm>> -> memref<10000x128xf32, #tpu.memory_space<hbm>>
      tpu.enqueue_indirect_dma source(%dma_start3A_126 : memref<10000x128xf32, #tpu.memory_space<hbm>>) target(%dma_start3A_121 : memref<80x128xf32, #tpu.memory_space<vmem>>) offsets(%dma_start3A_123 : memref<80xi32, #tpu.memory_space<vmem>>) semaphore(%arg10 : memref<!tpu.dma_semaphore, #tpu.memory_space<semaphore_mem>>)
      %dma_start3A_127 = arith.constant 320 : i32
      %dma_start3A_128 = arith.constant 0 : i32
      %dma_start3A_129 = tpu.memref_slice %arg9[%dma_start3A_127, %dma_start3A_128] : memref<400x128xf32, #tpu.memory_space<vmem>> -> memref<80x128xf32, #tpu.memory_space<vmem>>
      %dma_start3A_130 = arith.constant 320 : i32
      %dma_start3A_131 = tpu.memref_slice %arg8[%dma_start3A_130] : memref<400xi32, #tpu.memory_space<vmem>> -> memref<80xi32, #tpu.memory_space<vmem>>
      %dma_start3A_132 = arith.constant 0 : i32
      %dma_start3A_133 = arith.constant 0 : i32
      %dma_start3A_134 = tpu.memref_slice %arg3[%dma_start3A_132, %dma_start3A_133] : memref<10000x128xf32, #tpu.memory_space<hbm>> -> memref<10000x128xf32, #tpu.memory_space<hbm>>
      tpu.enqueue_indirect_dma source(%dma_start3A_134 : memref<10000x128xf32, #tpu.memory_space<hbm>>) target(%dma_start3A_129 : memref<80x128xf32, #tpu.memory_space<vmem>>) offsets(%dma_start3A_131 : memref<80xi32, #tpu.memory_space<vmem>>) semaphore(%arg10 : memref<!tpu.dma_semaphore, #tpu.memory_space<semaphore_mem>>)
      %dma_wait3A_135 = arith.constant 0 : i32
      %dma_wait3A_136 = arith.constant 0 : i32
      %dma_wait3A_137 = tpu.memref_slice %arg9[%dma_wait3A_135, %dma_wait3A_136] : memref<400x128xf32, #tpu.memory_space<vmem>> -> memref<80x128xf32, #tpu.memory_space<vmem>>
      %dma_wait3A_138 = arith.constant 0 : i32
      %dma_wait3A_139 = tpu.memref_slice %arg8[%dma_wait3A_138] : memref<400xi32, #tpu.memory_space<vmem>> -> memref<80xi32, #tpu.memory_space<vmem>>
      %dma_wait3A_140 = arith.constant 0 : i32
      %dma_wait3A_141 = arith.constant 0 : i32
      %dma_wait3A_142 = tpu.memref_slice %arg3[%dma_wait3A_140, %dma_wait3A_141] : memref<10000x128xf32, #tpu.memory_space<hbm>> -> memref<10000x128xf32, #tpu.memory_space<hbm>>
      tpu.wait_indirect_dma semaphore(%arg10 : memref<!tpu.dma_semaphore, #tpu.memory_space<semaphore_mem>>) src(%dma_wait3A_142 : memref<10000x128xf32, #tpu.memory_space<hbm>>) dst(%dma_wait3A_137 : memref<80x128xf32, #tpu.memory_space<vmem>>)
      %dma_wait3A_143 = arith.constant 80 : i32
      %dma_wait3A_144 = arith.constant 0 : i32
      %dma_wait3A_145 = tpu.memref_slice %arg9[%dma_wait3A_143, %dma_wait3A_144] : memref<400x128xf32, #tpu.memory_space<vmem>> -> memref<80x128xf32, #tpu.memory_space<vmem>>
      %dma_wait3A_146 = arith.constant 80 : i32
      %dma_wait3A_147 = tpu.memref_slice %arg8[%dma_wait3A_146] : memref<400xi32, #tpu.memory_space<vmem>> -> memref<80xi32, #tpu.memory_space<vmem>>
      %dma_wait3A_148 = arith.constant 0 : i32
      %dma_wait3A_149 = arith.constant 0 : i32
      %dma_wait3A_150 = tpu.memref_slice %arg3[%dma_wait3A_148, %dma_wait3A_149] : memref<10000x128xf32, #tpu.memory_space<hbm>> -> memref<10000x128xf32, #tpu.memory_space<hbm>>
      tpu.wait_indirect_dma semaphore(%arg10 : memref<!tpu.dma_semaphore, #tpu.memory_space<semaphore_mem>>) src(%dma_wait3A_150 : memref<10000x128xf32, #tpu.memory_space<hbm>>) dst(%dma_wait3A_145 : memref<80x128xf32, #tpu.memory_space<vmem>>)
      %dma_wait3A_151 = arith.constant 160 : i32
      %dma_wait3A_152 = arith.constant 0 : i32
      %dma_wait3A_153 = tpu.memref_slice %arg9[%dma_wait3A_151, %dma_wait3A_152] : memref<400x128xf32, #tpu.memory_space<vmem>> -> memref<80x128xf32, #tpu.memory_space<vmem>>
      %dma_wait3A_154 = arith.constant 160 : i32
      %dma_wait3A_155 = tpu.memref_slice %arg8[%dma_wait3A_154] : memref<400xi32, #tpu.memory_space<vmem>> -> memref<80xi32, #tpu.memory_space<vmem>>
      %dma_wait3A_156 = arith.constant 0 : i32
      %dma_wait3A_157 = arith.constant 0 : i32
      %dma_wait3A_158 = tpu.memref_slice %arg3[%dma_wait3A_156, %dma_wait3A_157] : memref<10000x128xf32, #tpu.memory_space<hbm>> -> memref<10000x128xf32, #tpu.memory_space<hbm>>
      tpu.wait_indirect_dma semaphore(%arg10 : memref<!tpu.dma_semaphore, #tpu.memory_space<semaphore_mem>>) src(%dma_wait3A_158 : memref<10000x128xf32, #tpu.memory_space<hbm>>) dst(%dma_wait3A_153 : memref<80x128xf32, #tpu.memory_space<vmem>>)
      %dma_wait3A_159 = arith.constant 240 : i32
      %dma_wait3A_160 = arith.constant 0 : i32
      %dma_wait3A_161 = tpu.memref_slice %arg9[%dma_wait3A_159, %dma_wait3A_160] : memref<400x128xf32, #tpu.memory_space<vmem>> -> memref<80x128xf32, #tpu.memory_space<vmem>>
      %dma_wait3A_162 = arith.constant 240 : i32
      %dma_wait3A_163 = tpu.memref_slice %arg8[%dma_wait3A_162] : memref<400xi32, #tpu.memory_space<vmem>> -> memref<80xi32, #tpu.memory_space<vmem>>
      %dma_wait3A_164 = arith.constant 0 : i32
      %dma_wait3A_165 = arith.constant 0 : i32
      %dma_wait3A_166 = tpu.memref_slice %arg3[%dma_wait3A_164, %dma_wait3A_165] : memref<10000x128xf32, #tpu.memory_space<hbm>> -> memref<10000x128xf32, #tpu.memory_space<hbm>>
      tpu.wait_indirect_dma semaphore(%arg10 : memref<!tpu.dma_semaphore, #tpu.memory_space<semaphore_mem>>) src(%dma_wait3A_166 : memref<10000x128xf32, #tpu.memory_space<hbm>>) dst(%dma_wait3A_161 : memref<80x128xf32, #tpu.memory_space<vmem>>)
      %dma_wait3A_167 = arith.constant 320 : i32
      %dma_wait3A_168 = arith.constant 0 : i32
      %dma_wait3A_169 = tpu.memref_slice %arg9[%dma_wait3A_167, %dma_wait3A_168] : memref<400x128xf32, #tpu.memory_space<vmem>> -> memref<80x128xf32, #tpu.memory_space<vmem>>
      %dma_wait3A_170 = arith.constant 320 : i32
      %dma_wait3A_171 = tpu.memref_slice %arg8[%dma_wait3A_170] : memref<400xi32, #tpu.memory_space<vmem>> -> memref<80xi32, #tpu.memory_space<vmem>>
      %dma_wait3A_172 = arith.constant 0 : i32
      %dma_wait3A_173 = arith.constant 0 : i32
      %dma_wait3A_174 = tpu.memref_slice %arg3[%dma_wait3A_172, %dma_wait3A_173] : memref<10000x128xf32, #tpu.memory_space<hbm>> -> memref<10000x128xf32, #tpu.memory_space<hbm>>
      tpu.wait_indirect_dma semaphore(%arg10 : memref<!tpu.dma_semaphore, #tpu.memory_space<semaphore_mem>>) src(%dma_wait3A_174 : memref<10000x128xf32, #tpu.memory_space<hbm>>) dst(%dma_wait3A_169 : memref<80x128xf32, #tpu.memory_space<vmem>>)
      "tpu.region"() ({
        %run_scoped3A = tpu.sem_alloc : memref<!tpu.dma_semaphore, #tpu.memory_space<semaphore_mem>>
        %dma_start3A_175 = arith.constant 0 : i32
        %dma_start3A_176 = tpu.memref_slice %arg7[%add3A_16, %dma_start3A_175] : memref<153600x128xf32, #tpu.memory_space<hbm>> -> memref<400x128xf32, #tpu.memory_space<hbm>>
        %dma_start3A_177 = arith.constant 0 : i32
        %dma_start3A_178 = tpu.memref_slice %arg7[%add3A_16, %dma_start3A_177] : memref<153600x128xf32, #tpu.memory_space<hbm>> -> memref<400x128xf32, #tpu.memory_space<hbm>>
        tpu.enqueue_dma source(%arg9 : memref<400x128xf32, #tpu.memory_space<vmem>>) target(%dma_start3A_178 : memref<400x128xf32, #tpu.memory_space<hbm>>) target_semaphore(%run_scoped3A : memref<!tpu.dma_semaphore, #tpu.memory_space<semaphore_mem>>)
        %dma_wait3A_179 = arith.constant 0 : i32
        %dma_wait3A_180 = tpu.memref_slice %arg7[%add3A_16, %dma_wait3A_179] : memref<153600x128xf32, #tpu.memory_space<hbm>> -> memref<400x128xf32, #tpu.memory_space<hbm>>
        %dma_wait3A_181 = arith.constant 0 : i32
        %dma_wait3A_182 = tpu.memref_slice %arg7[%add3A_16, %dma_wait3A_181] : memref<153600x128xf32, #tpu.memory_space<hbm>> -> memref<400x128xf32, #tpu.memory_space<hbm>>
        tpu.wait_dma2 semaphore(%run_scoped3A : memref<!tpu.dma_semaphore, #tpu.memory_space<semaphore_mem>>) src(%arg9 : memref<400x128xf32, #tpu.memory_space<vmem>>) dst(%dma_wait3A_182 : memref<400x128xf32, #tpu.memory_space<hbm>>)
        tpu.yield
      }) : () -> ()
    }
    %scan3A_7 = arith.constant 12 : i32
    return
  }
}

#map = affine_map<(d0, d1) -> (0, 0)>
#map1 = affine_map<(d0, d1) -> (0)>
module attributes {stable_mosaic.version = 14 : i64} {
  func.func @body(%arg0: i32, %arg1: i32, %arg2: memref<10000x128xf32, #tpu.memory_space<hbm>>, %arg3: memref<10000x128xf32, #tpu.memory_space<hbm>>, %arg4: memref<320000xi32, #tpu.memory_space<hbm>>, %arg5: memref<320000xi32, #tpu.memory_space<hbm>>, %arg6: memref<166400x128xf32, #tpu.memory_space<hbm>>, %arg7: memref<166400x128xf32, #tpu.memory_space<hbm>>, %arg8: memref<400xi32, #tpu.memory_space<vmem>>, %arg9: memref<400x128xf32, #tpu.memory_space<vmem>>, %arg10: memref<!tpu.dma_semaphore, #tpu.memory_space<semaphore_mem>>) attributes {dimension_semantics = [#tpu.dimension_semantics<core_parallel>, #tpu.dimension_semantics<subcore_parallel>], iteration_bounds = array<i64: 2, 16>, scalar_prefetch = 0 : i64, scratch_operands = 3 : i64, tpu.core_type = #tpu.core_type<sc_vector_subcore>, window_params = [{transform_indices = #map}, {transform_indices = #map}, {transform_indices = #map1}, {transform_indices = #map1}, {transform_indices = #map}, {transform_indices = #map}]} {
    %mul3A = arith.constant 2 : i32
    %mul3A_0 = arith.muli %arg1, %mul3A : i32
    %add3A = arith.addi %mul3A_0, %arg0 : i32
    %mul3A_1 = arith.constant 5200 : i32
    %mul3A_2 = arith.muli %add3A, %mul3A_1 : i32
    %scan3A = arith.constant 0 : i32
    %scan3A_3 = arith.constant 0 : i32
    %scan3A_4 = arith.constant 13 : i32
    %scan3A_5 = arith.addi %scan3A_3, %scan3A_4 : i32
    %scan3A_6 = arith.constant 1 : i32
    scf.for %scan3A_8 = %scan3A_3 to %scan3A_5 step %scan3A_6  : i32 {
      %add3A_9 = arith.constant 0 : i32
      %add3A_10 = arith.addi %add3A_9, %mul3A_2 : i32
      %mul3A_11 = arith.constant 400 : i32
      %mul3A_12 = arith.muli %scan3A_8, %mul3A_11 : i32
      %add3A_13 = arith.addi %add3A_10, %mul3A_12 : i32
      %mul3A_14 = arith.constant 400 : i32
      %mul3A_15 = arith.muli %scan3A_8, %mul3A_14 : i32
      %add3A_16 = arith.addi %mul3A_2, %mul3A_15 : i32
      "tpu.region"() ({
        %run_scoped3A = tpu.sem_alloc : memref<!tpu.dma_semaphore, #tpu.memory_space<semaphore_mem>>
        %dma_start3A_175 = tpu.memref_slice %arg4[%add3A_13] : memref<320000xi32, #tpu.memory_space<hbm>> -> memref<400xi32, #tpu.memory_space<hbm>>
        %dma_start3A_176 = tpu.memref_slice %arg4[%add3A_13] : memref<320000xi32, #tpu.memory_space<hbm>> -> memref<400xi32, #tpu.memory_space<hbm>>
        tpu.enqueue_dma source(%dma_start3A_176 : memref<400xi32, #tpu.memory_space<hbm>>) target(%arg8 : memref<400xi32, #tpu.memory_space<vmem>>) target_semaphore(%run_scoped3A : memref<!tpu.dma_semaphore, #tpu.memory_space<semaphore_mem>>)
        %dma_wait3A_177 = tpu.memref_slice %arg4[%add3A_13] : memref<320000xi32, #tpu.memory_space<hbm>> -> memref<400xi32, #tpu.memory_space<hbm>>
        %dma_wait3A_178 = tpu.memref_slice %arg4[%add3A_13] : memref<320000xi32, #tpu.memory_space<hbm>> -> memref<400xi32, #tpu.memory_space<hbm>>
        tpu.wait_dma2 semaphore(%run_scoped3A : memref<!tpu.dma_semaphore, #tpu.memory_space<semaphore_mem>>) src(%dma_wait3A_178 : memref<400xi32, #tpu.memory_space<hbm>>) dst(%arg8 : memref<400xi32, #tpu.memory_space<vmem>>)
        tpu.yield
      }) : () -> ()
      %dma_start3A = arith.constant 0 : i32
      %dma_start3A_17 = arith.constant 0 : i32
      %dma_start3A_18 = tpu.memref_slice %arg9[%dma_start3A, %dma_start3A_17] : memref<400x128xf32, #tpu.memory_space<vmem>> -> memref<80x128xf32, #tpu.memory_space<vmem>>
      %dma_start3A_19 = arith.constant 0 : i32
      %dma_start3A_20 = tpu.memref_slice %arg8[%dma_start3A_19] : memref<400xi32, #tpu.memory_space<vmem>> -> memref<80xi32, #tpu.memory_space<vmem>>
      %dma_start3A_21 = arith.constant 0 : i32
      %dma_start3A_22 = arith.constant 0 : i32
      %dma_start3A_23 = tpu.memref_slice %arg2[%dma_start3A_21, %dma_start3A_22] : memref<10000x128xf32, #tpu.memory_space<hbm>> -> memref<10000x128xf32, #tpu.memory_space<hbm>>
      tpu.enqueue_indirect_dma source(%dma_start3A_23 : memref<10000x128xf32, #tpu.memory_space<hbm>>) target(%dma_start3A_18 : memref<80x128xf32, #tpu.memory_space<vmem>>) offsets(%dma_start3A_20 : memref<80xi32, #tpu.memory_space<vmem>>) semaphore(%arg10 : memref<!tpu.dma_semaphore, #tpu.memory_space<semaphore_mem>>)
      %dma_start3A_24 = arith.constant 80 : i32
      %dma_start3A_25 = arith.constant 0 : i32
      %dma_start3A_26 = tpu.memref_slice %arg9[%dma_start3A_24, %dma_start3A_25] : memref<400x128xf32, #tpu.memory_space<vmem>> -> memref<80x128xf32, #tpu.memory_space<vmem>>
      %dma_start3A_27 = arith.constant 80 : i32
      %dma_start3A_28 = tpu.memref_slice %arg8[%dma_start3A_27] : memref<400xi32, #tpu.memory_space<vmem>> -> memref<80xi32, #tpu.memory_space<vmem>>
      %dma_start3A_29 = arith.constant 0 : i32
      %dma_start3A_30 = arith.constant 0 : i32
      %dma_start3A_31 = tpu.memref_slice %arg2[%dma_start3A_29, %dma_start3A_30] : memref<10000x128xf32, #tpu.memory_space<hbm>> -> memref<10000x128xf32, #tpu.memory_space<hbm>>
      tpu.enqueue_indirect_dma source(%dma_start3A_31 : memref<10000x128xf32, #tpu.memory_space<hbm>>) target(%dma_start3A_26 : memref<80x128xf32, #tpu.memory_space<vmem>>) offsets(%dma_start3A_28 : memref<80xi32, #tpu.memory_space<vmem>>) semaphore(%arg10 : memref<!tpu.dma_semaphore, #tpu.memory_space<semaphore_mem>>)
      %dma_start3A_32 = arith.constant 160 : i32
      %dma_start3A_33 = arith.constant 0 : i32
      %dma_start3A_34 = tpu.memref_slice %arg9[%dma_start3A_32, %dma_start3A_33] : memref<400x128xf32, #tpu.memory_space<vmem>> -> memref<80x128xf32, #tpu.memory_space<vmem>>
      %dma_start3A_35 = arith.constant 160 : i32
      %dma_start3A_36 = tpu.memref_slice %arg8[%dma_start3A_35] : memref<400xi32, #tpu.memory_space<vmem>> -> memref<80xi32, #tpu.memory_space<vmem>>
      %dma_start3A_37 = arith.constant 0 : i32
      %dma_start3A_38 = arith.constant 0 : i32
      %dma_start3A_39 = tpu.memref_slice %arg2[%dma_start3A_37, %dma_start3A_38] : memref<10000x128xf32, #tpu.memory_space<hbm>> -> memref<10000x128xf32, #tpu.memory_space<hbm>>
      tpu.enqueue_indirect_dma source(%dma_start3A_39 : memref<10000x128xf32, #tpu.memory_space<hbm>>) target(%dma_start3A_34 : memref<80x128xf32, #tpu.memory_space<vmem>>) offsets(%dma_start3A_36 : memref<80xi32, #tpu.memory_space<vmem>>) semaphore(%arg10 : memref<!tpu.dma_semaphore, #tpu.memory_space<semaphore_mem>>)
      %dma_start3A_40 = arith.constant 240 : i32
      %dma_start3A_41 = arith.constant 0 : i32
      %dma_start3A_42 = tpu.memref_slice %arg9[%dma_start3A_40, %dma_start3A_41] : memref<400x128xf32, #tpu.memory_space<vmem>> -> memref<80x128xf32, #tpu.memory_space<vmem>>
      %dma_start3A_43 = arith.constant 240 : i32
      %dma_start3A_44 = tpu.memref_slice %arg8[%dma_start3A_43] : memref<400xi32, #tpu.memory_space<vmem>> -> memref<80xi32, #tpu.memory_space<vmem>>
      %dma_start3A_45 = arith.constant 0 : i32
      %dma_start3A_46 = arith.constant 0 : i32
      %dma_start3A_47 = tpu.memref_slice %arg2[%dma_start3A_45, %dma_start3A_46] : memref<10000x128xf32, #tpu.memory_space<hbm>> -> memref<10000x128xf32, #tpu.memory_space<hbm>>
      tpu.enqueue_indirect_dma source(%dma_start3A_47 : memref<10000x128xf32, #tpu.memory_space<hbm>>) target(%dma_start3A_42 : memref<80x128xf32, #tpu.memory_space<vmem>>) offsets(%dma_start3A_44 : memref<80xi32, #tpu.memory_space<vmem>>) semaphore(%arg10 : memref<!tpu.dma_semaphore, #tpu.memory_space<semaphore_mem>>)
      %dma_start3A_48 = arith.constant 320 : i32
      %dma_start3A_49 = arith.constant 0 : i32
      %dma_start3A_50 = tpu.memref_slice %arg9[%dma_start3A_48, %dma_start3A_49] : memref<400x128xf32, #tpu.memory_space<vmem>> -> memref<80x128xf32, #tpu.memory_space<vmem>>
      %dma_start3A_51 = arith.constant 320 : i32
      %dma_start3A_52 = tpu.memref_slice %arg8[%dma_start3A_51] : memref<400xi32, #tpu.memory_space<vmem>> -> memref<80xi32, #tpu.memory_space<vmem>>
      %dma_start3A_53 = arith.constant 0 : i32
      %dma_start3A_54 = arith.constant 0 : i32
      %dma_start3A_55 = tpu.memref_slice %arg2[%dma_start3A_53, %dma_start3A_54] : memref<10000x128xf32, #tpu.memory_space<hbm>> -> memref<10000x128xf32, #tpu.memory_space<hbm>>
      tpu.enqueue_indirect_dma source(%dma_start3A_55 : memref<10000x128xf32, #tpu.memory_space<hbm>>) target(%dma_start3A_50 : memref<80x128xf32, #tpu.memory_space<vmem>>) offsets(%dma_start3A_52 : memref<80xi32, #tpu.memory_space<vmem>>) semaphore(%arg10 : memref<!tpu.dma_semaphore, #tpu.memory_space<semaphore_mem>>)
      %dma_wait3A = arith.constant 0 : i32
      %dma_wait3A_56 = arith.constant 0 : i32
      %dma_wait3A_57 = tpu.memref_slice %arg9[%dma_wait3A, %dma_wait3A_56] : memref<400x128xf32, #tpu.memory_space<vmem>> -> memref<80x128xf32, #tpu.memory_space<vmem>>
      %dma_wait3A_58 = arith.constant 0 : i32
      %dma_wait3A_59 = tpu.memref_slice %arg8[%dma_wait3A_58] : memref<400xi32, #tpu.memory_space<vmem>> -> memref<80xi32, #tpu.memory_space<vmem>>
      %dma_wait3A_60 = arith.constant 0 : i32
      %dma_wait3A_61 = arith.constant 0 : i32
      %dma_wait3A_62 = tpu.memref_slice %arg2[%dma_wait3A_60, %dma_wait3A_61] : memref<10000x128xf32, #tpu.memory_space<hbm>> -> memref<10000x128xf32, #tpu.memory_space<hbm>>
      tpu.wait_indirect_dma semaphore(%arg10 : memref<!tpu.dma_semaphore, #tpu.memory_space<semaphore_mem>>) src(%dma_wait3A_62 : memref<10000x128xf32, #tpu.memory_space<hbm>>) dst(%dma_wait3A_57 : memref<80x128xf32, #tpu.memory_space<vmem>>)
      %dma_wait3A_63 = arith.constant 80 : i32
      %dma_wait3A_64 = arith.constant 0 : i32
      %dma_wait3A_65 = tpu.memref_slice %arg9[%dma_wait3A_63, %dma_wait3A_64] : memref<400x128xf32, #tpu.memory_space<vmem>> -> memref<80x128xf32, #tpu.memory_space<vmem>>
      %dma_wait3A_66 = arith.constant 80 : i32
      %dma_wait3A_67 = tpu.memref_slice %arg8[%dma_wait3A_66] : memref<400xi32, #tpu.memory_space<vmem>> -> memref<80xi32, #tpu.memory_space<vmem>>
      %dma_wait3A_68 = arith.constant 0 : i32
      %dma_wait3A_69 = arith.constant 0 : i32
      %dma_wait3A_70 = tpu.memref_slice %arg2[%dma_wait3A_68, %dma_wait3A_69] : memref<10000x128xf32, #tpu.memory_space<hbm>> -> memref<10000x128xf32, #tpu.memory_space<hbm>>
      tpu.wait_indirect_dma semaphore(%arg10 : memref<!tpu.dma_semaphore, #tpu.memory_space<semaphore_mem>>) src(%dma_wait3A_70 : memref<10000x128xf32, #tpu.memory_space<hbm>>) dst(%dma_wait3A_65 : memref<80x128xf32, #tpu.memory_space<vmem>>)
      %dma_wait3A_71 = arith.constant 160 : i32
      %dma_wait3A_72 = arith.constant 0 : i32
      %dma_wait3A_73 = tpu.memref_slice %arg9[%dma_wait3A_71, %dma_wait3A_72] : memref<400x128xf32, #tpu.memory_space<vmem>> -> memref<80x128xf32, #tpu.memory_space<vmem>>
      %dma_wait3A_74 = arith.constant 160 : i32
      %dma_wait3A_75 = tpu.memref_slice %arg8[%dma_wait3A_74] : memref<400xi32, #tpu.memory_space<vmem>> -> memref<80xi32, #tpu.memory_space<vmem>>
      %dma_wait3A_76 = arith.constant 0 : i32
      %dma_wait3A_77 = arith.constant 0 : i32
      %dma_wait3A_78 = tpu.memref_slice %arg2[%dma_wait3A_76, %dma_wait3A_77] : memref<10000x128xf32, #tpu.memory_space<hbm>> -> memref<10000x128xf32, #tpu.memory_space<hbm>>
      tpu.wait_indirect_dma semaphore(%arg10 : memref<!tpu.dma_semaphore, #tpu.memory_space<semaphore_mem>>) src(%dma_wait3A_78 : memref<10000x128xf32, #tpu.memory_space<hbm>>) dst(%dma_wait3A_73 : memref<80x128xf32, #tpu.memory_space<vmem>>)
      %dma_wait3A_79 = arith.constant 240 : i32
      %dma_wait3A_80 = arith.constant 0 : i32
      %dma_wait3A_81 = tpu.memref_slice %arg9[%dma_wait3A_79, %dma_wait3A_80] : memref<400x128xf32, #tpu.memory_space<vmem>> -> memref<80x128xf32, #tpu.memory_space<vmem>>
      %dma_wait3A_82 = arith.constant 240 : i32
      %dma_wait3A_83 = tpu.memref_slice %arg8[%dma_wait3A_82] : memref<400xi32, #tpu.memory_space<vmem>> -> memref<80xi32, #tpu.memory_space<vmem>>
      %dma_wait3A_84 = arith.constant 0 : i32
      %dma_wait3A_85 = arith.constant 0 : i32
      %dma_wait3A_86 = tpu.memref_slice %arg2[%dma_wait3A_84, %dma_wait3A_85] : memref<10000x128xf32, #tpu.memory_space<hbm>> -> memref<10000x128xf32, #tpu.memory_space<hbm>>
      tpu.wait_indirect_dma semaphore(%arg10 : memref<!tpu.dma_semaphore, #tpu.memory_space<semaphore_mem>>) src(%dma_wait3A_86 : memref<10000x128xf32, #tpu.memory_space<hbm>>) dst(%dma_wait3A_81 : memref<80x128xf32, #tpu.memory_space<vmem>>)
      %dma_wait3A_87 = arith.constant 320 : i32
      %dma_wait3A_88 = arith.constant 0 : i32
      %dma_wait3A_89 = tpu.memref_slice %arg9[%dma_wait3A_87, %dma_wait3A_88] : memref<400x128xf32, #tpu.memory_space<vmem>> -> memref<80x128xf32, #tpu.memory_space<vmem>>
      %dma_wait3A_90 = arith.constant 320 : i32
      %dma_wait3A_91 = tpu.memref_slice %arg8[%dma_wait3A_90] : memref<400xi32, #tpu.memory_space<vmem>> -> memref<80xi32, #tpu.memory_space<vmem>>
      %dma_wait3A_92 = arith.constant 0 : i32
      %dma_wait3A_93 = arith.constant 0 : i32
      %dma_wait3A_94 = tpu.memref_slice %arg2[%dma_wait3A_92, %dma_wait3A_93] : memref<10000x128xf32, #tpu.memory_space<hbm>> -> memref<10000x128xf32, #tpu.memory_space<hbm>>
      tpu.wait_indirect_dma semaphore(%arg10 : memref<!tpu.dma_semaphore, #tpu.memory_space<semaphore_mem>>) src(%dma_wait3A_94 : memref<10000x128xf32, #tpu.memory_space<hbm>>) dst(%dma_wait3A_89 : memref<80x128xf32, #tpu.memory_space<vmem>>)
      "tpu.region"() ({
        %run_scoped3A = tpu.sem_alloc : memref<!tpu.dma_semaphore, #tpu.memory_space<semaphore_mem>>
        %dma_start3A_175 = arith.constant 0 : i32
        %dma_start3A_176 = tpu.memref_slice %arg6[%add3A_16, %dma_start3A_175] : memref<166400x128xf32, #tpu.memory_space<hbm>> -> memref<400x128xf32, #tpu.memory_space<hbm>>
        %dma_start3A_177 = arith.constant 0 : i32
        %dma_start3A_178 = tpu.memref_slice %arg6[%add3A_16, %dma_start3A_177] : memref<166400x128xf32, #tpu.memory_space<hbm>> -> memref<400x128xf32, #tpu.memory_space<hbm>>
        tpu.enqueue_dma source(%arg9 : memref<400x128xf32, #tpu.memory_space<vmem>>) target(%dma_start3A_178 : memref<400x128xf32, #tpu.memory_space<hbm>>) target_semaphore(%run_scoped3A : memref<!tpu.dma_semaphore, #tpu.memory_space<semaphore_mem>>)
        %dma_wait3A_179 = arith.constant 0 : i32
        %dma_wait3A_180 = tpu.memref_slice %arg6[%add3A_16, %dma_wait3A_179] : memref<166400x128xf32, #tpu.memory_space<hbm>> -> memref<400x128xf32, #tpu.memory_space<hbm>>
        %dma_wait3A_181 = arith.constant 0 : i32
        %dma_wait3A_182 = tpu.memref_slice %arg6[%add3A_16, %dma_wait3A_181] : memref<166400x128xf32, #tpu.memory_space<hbm>> -> memref<400x128xf32, #tpu.memory_space<hbm>>
        tpu.wait_dma2 semaphore(%run_scoped3A : memref<!tpu.dma_semaphore, #tpu.memory_space<semaphore_mem>>) src(%arg9 : memref<400x128xf32, #tpu.memory_space<vmem>>) dst(%dma_wait3A_182 : memref<400x128xf32, #tpu.memory_space<hbm>>)
        tpu.yield
      }) : () -> ()
      "tpu.region"() ({
        %run_scoped3A = tpu.sem_alloc : memref<!tpu.dma_semaphore, #tpu.memory_space<semaphore_mem>>
        %dma_start3A_175 = tpu.memref_slice %arg5[%add3A_13] : memref<320000xi32, #tpu.memory_space<hbm>> -> memref<400xi32, #tpu.memory_space<hbm>>
        %dma_start3A_176 = tpu.memref_slice %arg5[%add3A_13] : memref<320000xi32, #tpu.memory_space<hbm>> -> memref<400xi32, #tpu.memory_space<hbm>>
        tpu.enqueue_dma source(%dma_start3A_176 : memref<400xi32, #tpu.memory_space<hbm>>) target(%arg8 : memref<400xi32, #tpu.memory_space<vmem>>) target_semaphore(%run_scoped3A : memref<!tpu.dma_semaphore, #tpu.memory_space<semaphore_mem>>)
        %dma_wait3A_177 = tpu.memref_slice %arg5[%add3A_13] : memref<320000xi32, #tpu.memory_space<hbm>> -> memref<400xi32, #tpu.memory_space<hbm>>
        %dma_wait3A_178 = tpu.memref_slice %arg5[%add3A_13] : memref<320000xi32, #tpu.memory_space<hbm>> -> memref<400xi32, #tpu.memory_space<hbm>>
        tpu.wait_dma2 semaphore(%run_scoped3A : memref<!tpu.dma_semaphore, #tpu.memory_space<semaphore_mem>>) src(%dma_wait3A_178 : memref<400xi32, #tpu.memory_space<hbm>>) dst(%arg8 : memref<400xi32, #tpu.memory_space<vmem>>)
        tpu.yield
      }) : () -> ()
      %dma_start3A_95 = arith.constant 0 : i32
      %dma_start3A_96 = arith.constant 0 : i32
      %dma_start3A_97 = tpu.memref_slice %arg9[%dma_start3A_95, %dma_start3A_96] : memref<400x128xf32, #tpu.memory_space<vmem>> -> memref<80x128xf32, #tpu.memory_space<vmem>>
      %dma_start3A_98 = arith.constant 0 : i32
      %dma_start3A_99 = tpu.memref_slice %arg8[%dma_start3A_98] : memref<400xi32, #tpu.memory_space<vmem>> -> memref<80xi32, #tpu.memory_space<vmem>>
      %dma_start3A_100 = arith.constant 0 : i32
      %dma_start3A_101 = arith.constant 0 : i32
      %dma_start3A_102 = tpu.memref_slice %arg3[%dma_start3A_100, %dma_start3A_101] : memref<10000x128xf32, #tpu.memory_space<hbm>> -> memref<10000x128xf32, #tpu.memory_space<hbm>>
      tpu.enqueue_indirect_dma source(%dma_start3A_102 : memref<10000x128xf32, #tpu.memory_space<hbm>>) target(%dma_start3A_97 : memref<80x128xf32, #tpu.memory_space<vmem>>) offsets(%dma_start3A_99 : memref<80xi32, #tpu.memory_space<vmem>>) semaphore(%arg10 : memref<!tpu.dma_semaphore, #tpu.memory_space<semaphore_mem>>)
      %dma_start3A_103 = arith.constant 80 : i32
      %dma_start3A_104 = arith.constant 0 : i32
      %dma_start3A_105 = tpu.memref_slice %arg9[%dma_start3A_103, %dma_start3A_104] : memref<400x128xf32, #tpu.memory_space<vmem>> -> memref<80x128xf32, #tpu.memory_space<vmem>>
      %dma_start3A_106 = arith.constant 80 : i32
      %dma_start3A_107 = tpu.memref_slice %arg8[%dma_start3A_106] : memref<400xi32, #tpu.memory_space<vmem>> -> memref<80xi32, #tpu.memory_space<vmem>>
      %dma_start3A_108 = arith.constant 0 : i32
      %dma_start3A_109 = arith.constant 0 : i32
      %dma_start3A_110 = tpu.memref_slice %arg3[%dma_start3A_108, %dma_start3A_109] : memref<10000x128xf32, #tpu.memory_space<hbm>> -> memref<10000x128xf32, #tpu.memory_space<hbm>>
      tpu.enqueue_indirect_dma source(%dma_start3A_110 : memref<10000x128xf32, #tpu.memory_space<hbm>>) target(%dma_start3A_105 : memref<80x128xf32, #tpu.memory_space<vmem>>) offsets(%dma_start3A_107 : memref<80xi32, #tpu.memory_space<vmem>>) semaphore(%arg10 : memref<!tpu.dma_semaphore, #tpu.memory_space<semaphore_mem>>)
      %dma_start3A_111 = arith.constant 160 : i32
      %dma_start3A_112 = arith.constant 0 : i32
      %dma_start3A_113 = tpu.memref_slice %arg9[%dma_start3A_111, %dma_start3A_112] : memref<400x128xf32, #tpu.memory_space<vmem>> -> memref<80x128xf32, #tpu.memory_space<vmem>>
      %dma_start3A_114 = arith.constant 160 : i32
      %dma_start3A_115 = tpu.memref_slice %arg8[%dma_start3A_114] : memref<400xi32, #tpu.memory_space<vmem>> -> memref<80xi32, #tpu.memory_space<vmem>>
      %dma_start3A_116 = arith.constant 0 : i32
      %dma_start3A_117 = arith.constant 0 : i32
      %dma_start3A_118 = tpu.memref_slice %arg3[%dma_start3A_116, %dma_start3A_117] : memref<10000x128xf32, #tpu.memory_space<hbm>> -> memref<10000x128xf32, #tpu.memory_space<hbm>>
      tpu.enqueue_indirect_dma source(%dma_start3A_118 : memref<10000x128xf32, #tpu.memory_space<hbm>>) target(%dma_start3A_113 : memref<80x128xf32, #tpu.memory_space<vmem>>) offsets(%dma_start3A_115 : memref<80xi32, #tpu.memory_space<vmem>>) semaphore(%arg10 : memref<!tpu.dma_semaphore, #tpu.memory_space<semaphore_mem>>)
      %dma_start3A_119 = arith.constant 240 : i32
      %dma_start3A_120 = arith.constant 0 : i32
      %dma_start3A_121 = tpu.memref_slice %arg9[%dma_start3A_119, %dma_start3A_120] : memref<400x128xf32, #tpu.memory_space<vmem>> -> memref<80x128xf32, #tpu.memory_space<vmem>>
      %dma_start3A_122 = arith.constant 240 : i32
      %dma_start3A_123 = tpu.memref_slice %arg8[%dma_start3A_122] : memref<400xi32, #tpu.memory_space<vmem>> -> memref<80xi32, #tpu.memory_space<vmem>>
      %dma_start3A_124 = arith.constant 0 : i32
      %dma_start3A_125 = arith.constant 0 : i32
      %dma_start3A_126 = tpu.memref_slice %arg3[%dma_start3A_124, %dma_start3A_125] : memref<10000x128xf32, #tpu.memory_space<hbm>> -> memref<10000x128xf32, #tpu.memory_space<hbm>>
      tpu.enqueue_indirect_dma source(%dma_start3A_126 : memref<10000x128xf32, #tpu.memory_space<hbm>>) target(%dma_start3A_121 : memref<80x128xf32, #tpu.memory_space<vmem>>) offsets(%dma_start3A_123 : memref<80xi32, #tpu.memory_space<vmem>>) semaphore(%arg10 : memref<!tpu.dma_semaphore, #tpu.memory_space<semaphore_mem>>)
      %dma_start3A_127 = arith.constant 320 : i32
      %dma_start3A_128 = arith.constant 0 : i32
      %dma_start3A_129 = tpu.memref_slice %arg9[%dma_start3A_127, %dma_start3A_128] : memref<400x128xf32, #tpu.memory_space<vmem>> -> memref<80x128xf32, #tpu.memory_space<vmem>>
      %dma_start3A_130 = arith.constant 320 : i32
      %dma_start3A_131 = tpu.memref_slice %arg8[%dma_start3A_130] : memref<400xi32, #tpu.memory_space<vmem>> -> memref<80xi32, #tpu.memory_space<vmem>>
      %dma_start3A_132 = arith.constant 0 : i32
      %dma_start3A_133 = arith.constant 0 : i32
      %dma_start3A_134 = tpu.memref_slice %arg3[%dma_start3A_132, %dma_start3A_133] : memref<10000x128xf32, #tpu.memory_space<hbm>> -> memref<10000x128xf32, #tpu.memory_space<hbm>>
      tpu.enqueue_indirect_dma source(%dma_start3A_134 : memref<10000x128xf32, #tpu.memory_space<hbm>>) target(%dma_start3A_129 : memref<80x128xf32, #tpu.memory_space<vmem>>) offsets(%dma_start3A_131 : memref<80xi32, #tpu.memory_space<vmem>>) semaphore(%arg10 : memref<!tpu.dma_semaphore, #tpu.memory_space<semaphore_mem>>)
      %dma_wait3A_135 = arith.constant 0 : i32
      %dma_wait3A_136 = arith.constant 0 : i32
      %dma_wait3A_137 = tpu.memref_slice %arg9[%dma_wait3A_135, %dma_wait3A_136] : memref<400x128xf32, #tpu.memory_space<vmem>> -> memref<80x128xf32, #tpu.memory_space<vmem>>
      %dma_wait3A_138 = arith.constant 0 : i32
      %dma_wait3A_139 = tpu.memref_slice %arg8[%dma_wait3A_138] : memref<400xi32, #tpu.memory_space<vmem>> -> memref<80xi32, #tpu.memory_space<vmem>>
      %dma_wait3A_140 = arith.constant 0 : i32
      %dma_wait3A_141 = arith.constant 0 : i32
      %dma_wait3A_142 = tpu.memref_slice %arg3[%dma_wait3A_140, %dma_wait3A_141] : memref<10000x128xf32, #tpu.memory_space<hbm>> -> memref<10000x128xf32, #tpu.memory_space<hbm>>
      tpu.wait_indirect_dma semaphore(%arg10 : memref<!tpu.dma_semaphore, #tpu.memory_space<semaphore_mem>>) src(%dma_wait3A_142 : memref<10000x128xf32, #tpu.memory_space<hbm>>) dst(%dma_wait3A_137 : memref<80x128xf32, #tpu.memory_space<vmem>>)
      %dma_wait3A_143 = arith.constant 80 : i32
      %dma_wait3A_144 = arith.constant 0 : i32
      %dma_wait3A_145 = tpu.memref_slice %arg9[%dma_wait3A_143, %dma_wait3A_144] : memref<400x128xf32, #tpu.memory_space<vmem>> -> memref<80x128xf32, #tpu.memory_space<vmem>>
      %dma_wait3A_146 = arith.constant 80 : i32
      %dma_wait3A_147 = tpu.memref_slice %arg8[%dma_wait3A_146] : memref<400xi32, #tpu.memory_space<vmem>> -> memref<80xi32, #tpu.memory_space<vmem>>
      %dma_wait3A_148 = arith.constant 0 : i32
      %dma_wait3A_149 = arith.constant 0 : i32
      %dma_wait3A_150 = tpu.memref_slice %arg3[%dma_wait3A_148, %dma_wait3A_149] : memref<10000x128xf32, #tpu.memory_space<hbm>> -> memref<10000x128xf32, #tpu.memory_space<hbm>>
      tpu.wait_indirect_dma semaphore(%arg10 : memref<!tpu.dma_semaphore, #tpu.memory_space<semaphore_mem>>) src(%dma_wait3A_150 : memref<10000x128xf32, #tpu.memory_space<hbm>>) dst(%dma_wait3A_145 : memref<80x128xf32, #tpu.memory_space<vmem>>)
      %dma_wait3A_151 = arith.constant 160 : i32
      %dma_wait3A_152 = arith.constant 0 : i32
      %dma_wait3A_153 = tpu.memref_slice %arg9[%dma_wait3A_151, %dma_wait3A_152] : memref<400x128xf32, #tpu.memory_space<vmem>> -> memref<80x128xf32, #tpu.memory_space<vmem>>
      %dma_wait3A_154 = arith.constant 160 : i32
      %dma_wait3A_155 = tpu.memref_slice %arg8[%dma_wait3A_154] : memref<400xi32, #tpu.memory_space<vmem>> -> memref<80xi32, #tpu.memory_space<vmem>>
      %dma_wait3A_156 = arith.constant 0 : i32
      %dma_wait3A_157 = arith.constant 0 : i32
      %dma_wait3A_158 = tpu.memref_slice %arg3[%dma_wait3A_156, %dma_wait3A_157] : memref<10000x128xf32, #tpu.memory_space<hbm>> -> memref<10000x128xf32, #tpu.memory_space<hbm>>
      tpu.wait_indirect_dma semaphore(%arg10 : memref<!tpu.dma_semaphore, #tpu.memory_space<semaphore_mem>>) src(%dma_wait3A_158 : memref<10000x128xf32, #tpu.memory_space<hbm>>) dst(%dma_wait3A_153 : memref<80x128xf32, #tpu.memory_space<vmem>>)
      %dma_wait3A_159 = arith.constant 240 : i32
      %dma_wait3A_160 = arith.constant 0 : i32
      %dma_wait3A_161 = tpu.memref_slice %arg9[%dma_wait3A_159, %dma_wait3A_160] : memref<400x128xf32, #tpu.memory_space<vmem>> -> memref<80x128xf32, #tpu.memory_space<vmem>>
      %dma_wait3A_162 = arith.constant 240 : i32
      %dma_wait3A_163 = tpu.memref_slice %arg8[%dma_wait3A_162] : memref<400xi32, #tpu.memory_space<vmem>> -> memref<80xi32, #tpu.memory_space<vmem>>
      %dma_wait3A_164 = arith.constant 0 : i32
      %dma_wait3A_165 = arith.constant 0 : i32
      %dma_wait3A_166 = tpu.memref_slice %arg3[%dma_wait3A_164, %dma_wait3A_165] : memref<10000x128xf32, #tpu.memory_space<hbm>> -> memref<10000x128xf32, #tpu.memory_space<hbm>>
      tpu.wait_indirect_dma semaphore(%arg10 : memref<!tpu.dma_semaphore, #tpu.memory_space<semaphore_mem>>) src(%dma_wait3A_166 : memref<10000x128xf32, #tpu.memory_space<hbm>>) dst(%dma_wait3A_161 : memref<80x128xf32, #tpu.memory_space<vmem>>)
      %dma_wait3A_167 = arith.constant 320 : i32
      %dma_wait3A_168 = arith.constant 0 : i32
      %dma_wait3A_169 = tpu.memref_slice %arg9[%dma_wait3A_167, %dma_wait3A_168] : memref<400x128xf32, #tpu.memory_space<vmem>> -> memref<80x128xf32, #tpu.memory_space<vmem>>
      %dma_wait3A_170 = arith.constant 320 : i32
      %dma_wait3A_171 = tpu.memref_slice %arg8[%dma_wait3A_170] : memref<400xi32, #tpu.memory_space<vmem>> -> memref<80xi32, #tpu.memory_space<vmem>>
      %dma_wait3A_172 = arith.constant 0 : i32
      %dma_wait3A_173 = arith.constant 0 : i32
      %dma_wait3A_174 = tpu.memref_slice %arg3[%dma_wait3A_172, %dma_wait3A_173] : memref<10000x128xf32, #tpu.memory_space<hbm>> -> memref<10000x128xf32, #tpu.memory_space<hbm>>
      tpu.wait_indirect_dma semaphore(%arg10 : memref<!tpu.dma_semaphore, #tpu.memory_space<semaphore_mem>>) src(%dma_wait3A_174 : memref<10000x128xf32, #tpu.memory_space<hbm>>) dst(%dma_wait3A_169 : memref<80x128xf32, #tpu.memory_space<vmem>>)
      "tpu.region"() ({
        %run_scoped3A = tpu.sem_alloc : memref<!tpu.dma_semaphore, #tpu.memory_space<semaphore_mem>>
        %dma_start3A_175 = arith.constant 0 : i32
        %dma_start3A_176 = tpu.memref_slice %arg7[%add3A_16, %dma_start3A_175] : memref<166400x128xf32, #tpu.memory_space<hbm>> -> memref<400x128xf32, #tpu.memory_space<hbm>>
        %dma_start3A_177 = arith.constant 0 : i32
        %dma_start3A_178 = tpu.memref_slice %arg7[%add3A_16, %dma_start3A_177] : memref<166400x128xf32, #tpu.memory_space<hbm>> -> memref<400x128xf32, #tpu.memory_space<hbm>>
        tpu.enqueue_dma source(%arg9 : memref<400x128xf32, #tpu.memory_space<vmem>>) target(%dma_start3A_178 : memref<400x128xf32, #tpu.memory_space<hbm>>) target_semaphore(%run_scoped3A : memref<!tpu.dma_semaphore, #tpu.memory_space<semaphore_mem>>)
        %dma_wait3A_179 = arith.constant 0 : i32
        %dma_wait3A_180 = tpu.memref_slice %arg7[%add3A_16, %dma_wait3A_179] : memref<166400x128xf32, #tpu.memory_space<hbm>> -> memref<400x128xf32, #tpu.memory_space<hbm>>
        %dma_wait3A_181 = arith.constant 0 : i32
        %dma_wait3A_182 = tpu.memref_slice %arg7[%add3A_16, %dma_wait3A_181] : memref<166400x128xf32, #tpu.memory_space<hbm>> -> memref<400x128xf32, #tpu.memory_space<hbm>>
        tpu.wait_dma2 semaphore(%run_scoped3A : memref<!tpu.dma_semaphore, #tpu.memory_space<semaphore_mem>>) src(%arg9 : memref<400x128xf32, #tpu.memory_space<vmem>>) dst(%dma_wait3A_182 : memref<400x128xf32, #tpu.memory_space<hbm>>)
        tpu.yield
      }) : () -> ()
    }
    %scan3A_7 = arith.constant 13 : i32
    return
  }
}

module attributes {stable_mosaic.version = 14 : i64} {
  func.func @_proj_body(%arg0: i32, %arg1: memref<2000x128xf32, #tpu.memory_space<vmem>>, %arg2: memref<128x128xf32, #tpu.memory_space<vmem>>, %arg3: memref<128x128xf32, #tpu.memory_space<vmem>>, %arg4: memref<2000x128xf32, #tpu.memory_space<vmem>>, %arg5: memref<2000x128xf32, #tpu.memory_space<vmem>>) attributes {dimension_semantics = [#tpu.dimension_semantics<arbitrary>], iteration_bounds = array<i64: 5>, scalar_prefetch = 0 : i64, scratch_operands = 0 : i64, tpu.core_type = #tpu.core_type<tc>, window_params = [{transform_indices = @transform_0, window_bounds = array<i64: 2000, 128>}, {pipeline_mode = #tpu.pipeline_mode<synchronous>, transform_indices = @transform_1, window_bounds = array<i64: 128, 128>}, {pipeline_mode = #tpu.pipeline_mode<synchronous>, transform_indices = @transform_2, window_bounds = array<i64: 128, 128>}, {transform_indices = @transform_3, window_bounds = array<i64: 2000, 128>}, {transform_indices = @transform_4, window_bounds = array<i64: 2000, 128>}]} {
    %get3A = arith.constant 0 : index
    %get3A_0 = arith.constant 0 : index
    %get3A_1 = vector.load %arg1[%get3A, %get3A_0] : memref<2000x128xf32, #tpu.memory_space<vmem>>, vector<2000x128xf32>
    %get3A_2 = arith.constant 0 : index
    %get3A_3 = arith.constant 0 : index
    %get3A_4 = vector.load %arg2[%get3A_2, %get3A_3] : memref<128x128xf32, #tpu.memory_space<vmem>>, vector<128x128xf32>
    %dot_general3A = arith.constant dense<0.000000e+00> : vector<2000x128xf32>
    %dot_general3A_5 = tpu.matmul %get3A_1, %get3A_4, %dot_general3A {dimension_numbers = #tpu.dot_dimension_numbers<[1], [0], [0], [1], [0, 0, 1, 1], [], []>, transpose_lhs_hint = false} : vector<2000x128xf32>, vector<128x128xf32>, vector<2000x128xf32> -> vector<2000x128xf32>
    %swap3A = arith.constant 0 : index
    %swap3A_6 = arith.constant 0 : index
    %swap3A_7 = vector.load %arg4[%swap3A, %swap3A_6] : memref<2000x128xf32, #tpu.memory_space<vmem>>, vector<2000x128xf32>
    tpu.vector_store %arg4[%swap3A, %swap3A_6], %dot_general3A_5 {strides = array<i32>} : memref<2000x128xf32, #tpu.memory_space<vmem>>, vector<2000x128xf32>,
    %get3A_8 = arith.constant 0 : index
    %get3A_9 = arith.constant 0 : index
    %get3A_10 = vector.load %arg3[%get3A_8, %get3A_9] : memref<128x128xf32, #tpu.memory_space<vmem>>, vector<128x128xf32>
    %dot_general3A_11 = arith.constant dense<0.000000e+00> : vector<2000x128xf32>
    %dot_general3A_12 = tpu.matmul %get3A_1, %get3A_10, %dot_general3A_11 {dimension_numbers = #tpu.dot_dimension_numbers<[1], [0], [0], [1], [0, 0, 1, 1], [], []>, transpose_lhs_hint = false} : vector<2000x128xf32>, vector<128x128xf32>, vector<2000x128xf32> -> vector<2000x128xf32>
    %swap3A_13 = arith.constant 0 : index
    %swap3A_14 = arith.constant 0 : index
    %swap3A_15 = vector.load %arg5[%swap3A_13, %swap3A_14] : memref<2000x128xf32, #tpu.memory_space<vmem>>, vector<2000x128xf32>
    tpu.vector_store %arg5[%swap3A_13, %swap3A_14], %dot_general3A_12 {strides = array<i32>} : memref<2000x128xf32, #tpu.memory_space<vmem>>, vector<2000x128xf32>,
    return
  }
  func.func @transform_0(%arg0: i32) -> (i32, i32) {
    %c0_i32 = arith.constant 0 : i32
    %c0_i32_0 = arith.constant 0 : i32
    return %arg0, %c0_i32 : i32, i32
  }
  func.func @transform_1(%arg0: i32) -> (i32, i32) {
    %c0_i32 = arith.constant 0 : i32
    %c0_i32_0 = arith.constant 0 : i32
    %c0_i32_1 = arith.constant 0 : i32
    return %c0_i32, %c0_i32_0 : i32, i32
  }
  func.func @transform_2(%arg0: i32) -> (i32, i32) {
    %c0_i32 = arith.constant 0 : i32
    %c0_i32_0 = arith.constant 0 : i32
    %c0_i32_1 = arith.constant 0 : i32
    return %c0_i32, %c0_i32_0 : i32, i32
  }
  func.func @transform_3(%arg0: i32) -> (i32, i32) {
    %c0_i32 = arith.constant 0 : i32
    %c0_i32_0 = arith.constant 0 : i32
    return %arg0, %c0_i32 : i32, i32
  }
  func.func @transform_4(%arg0: i32) -> (i32, i32) {
    %c0_i32 = arith.constant 0 : i32
    %c0_i32_0 = arith.constant 0 : i32
    return %arg0, %c0_i32 : i32, i32
  }
}

module attributes {stable_mosaic.version = 14 : i64} {
  func.func @_edge_body(%arg0: i32, %arg1: memref<3200x16xf32, #tpu.memory_space<vmem>>, %arg2: memref<3200x128xf32, #tpu.memory_space<vmem>>, %arg3: memref<3200x128xf32, #tpu.memory_space<vmem>>, %arg4: memref<16x128xf32, #tpu.memory_space<vmem>>, %arg5: memref<1x128xf32, #tpu.memory_space<vmem>>, %arg6: memref<128x16xf32, #tpu.memory_space<vmem>>, %arg7: memref<1x16xf32, #tpu.memory_space<vmem>>, %arg8: memref<1x16xf32, #tpu.memory_space<vmem>>, %arg9: memref<1x16xf32, #tpu.memory_space<vmem>>, %arg10: memref<16x2xf32, #tpu.memory_space<vmem>>, %arg11: memref<1x2xf32, #tpu.memory_space<vmem>>, %arg12: memref<3200x16xf32, #tpu.memory_space<vmem>>, %arg13: memref<3200x64xf32, #tpu.memory_space<vmem>>) attributes {dimension_semantics = [#tpu.dimension_semantics<arbitrary>], iteration_bounds = array<i64: 48>, scalar_prefetch = 0 : i64, scratch_operands = 0 : i64, tpu.core_type = #tpu.core_type<tc>, window_params = [{transform_indices = @transform_0, window_bounds = array<i64: 3200, 16>}, {transform_indices = @transform_1, window_bounds = array<i64: 3200, 128>}, {transform_indices = @transform_2, window_bounds = array<i64: 3200, 128>}, {pipeline_mode = #tpu.pipeline_mode<synchronous>, transform_indices = @transform_3, window_bounds = array<i64: 16, 128>}, {pipeline_mode = #tpu.pipeline_mode<synchronous>, transform_indices = @transform_4, window_bounds = array<i64: 1, 128>}, {pipeline_mode = #tpu.pipeline_mode<synchronous>, transform_indices = @transform_5, window_bounds = array<i64: 128, 16>}, {pipeline_mode = #tpu.pipeline_mode<synchronous>, transform_indices = @transform_6, window_bounds = array<i64: 1, 16>}, {pipeline_mode = #tpu.pipeline_mode<synchronous>, transform_indices = @transform_7, window_bounds = array<i64: 1, 16>}, {pipeline_mode = #tpu.pipeline_mode<synchronous>, transform_indices = @transform_8, window_bounds = array<i64: 1, 16>}, {pipeline_mode = #tpu.pipeline_mode<synchronous>, transform_indices = @transform_9, window_bounds = array<i64: 16, 2>}, {pipeline_mode = #tpu.pipeline_mode<synchronous>, transform_indices = @transform_10, window_bounds = array<i64: 1, 2>}, {transform_indices = @transform_11, window_bounds = array<i64: 3200, 16>}, {transform_indices = @transform_12, window_bounds = array<i64: 3200, 64>}]} {
    %get3A = arith.constant 0 : index
    %get3A_0 = arith.constant 0 : index
    %get3A_1 = vector.load %arg1[%get3A, %get3A_0] : memref<3200x16xf32, #tpu.memory_space<vmem>>, vector<3200x16xf32>
    %get3A_2 = arith.constant 0 : index
    %get3A_3 = arith.constant 0 : index
    %get3A_4 = vector.load %arg4[%get3A_2, %get3A_3] : memref<16x128xf32, #tpu.memory_space<vmem>>, vector<16x128xf32>
    %dot_general3A = arith.constant dense<0.000000e+00> : vector<3200x128xf32>
    %dot_general3A_5 = tpu.matmul %get3A_1, %get3A_4, %dot_general3A {dimension_numbers = #tpu.dot_dimension_numbers<[1], [0], [0], [1], [0, 0, 1, 1], [], []>, transpose_lhs_hint = false} : vector<3200x16xf32>, vector<16x128xf32>, vector<3200x128xf32> -> vector<3200x128xf32>
    %get3A_6 = arith.constant 0 : index
    %get3A_7 = arith.constant 0 : index
    %get3A_8 = vector.load %arg2[%get3A_6, %get3A_7] : memref<3200x128xf32, #tpu.memory_space<vmem>>, vector<3200x128xf32>
    %add3A = arith.addf %dot_general3A_5, %get3A_8 : vector<3200x128xf32>
    %get3A_9 = arith.constant 0 : index
    %get3A_10 = arith.constant 0 : index
    %get3A_11 = vector.load %arg3[%get3A_9, %get3A_10] : memref<3200x128xf32, #tpu.memory_space<vmem>>, vector<3200x128xf32>
    %add3A_12 = arith.addf %add3A, %get3A_11 : vector<3200x128xf32>
    %get3A_13 = arith.constant 0 : index
    %get3A_14 = arith.constant 0 : index
    %get3A_15 = vector.load %arg5[%get3A_13, %get3A_14] : memref<1x128xf32, #tpu.memory_space<vmem>>, vector<1x128xf32>
    %add3A_16 = vector.broadcast %get3A_15 : vector<1x128xf32> to vector<3200x128xf32>
    %add3A_17 = arith.addf %add3A_12, %add3A_16 : vector<3200x128xf32>
    %max3A = arith.constant 0.000000e+00 : f32
    %max3A_18 = vector.broadcast %max3A : f32 to vector<3200x128xf32>
    %max3A_19 = arith.maximumf %add3A_17, %max3A_18 : vector<3200x128xf32>
    %get3A_20 = arith.constant 0 : index
    %get3A_21 = arith.constant 0 : index
    %get3A_22 = vector.load %arg6[%get3A_20, %get3A_21] : memref<128x16xf32, #tpu.memory_space<vmem>>, vector<128x16xf32>
    %dot_general3A_23 = arith.constant dense<0.000000e+00> : vector<3200x16xf32>
    %dot_general3A_24 = tpu.matmul %max3A_19, %get3A_22, %dot_general3A_23 {dimension_numbers = #tpu.dot_dimension_numbers<[1], [0], [0], [1], [0, 0, 1, 1], [], []>, transpose_lhs_hint = false} : vector<3200x128xf32>, vector<128x16xf32>, vector<3200x16xf32> -> vector<3200x16xf32>
    %get3A_25 = arith.constant 0 : index
    %get3A_26 = arith.constant 0 : index
    %get3A_27 = vector.load %arg7[%get3A_25, %get3A_26] : memref<1x16xf32, #tpu.memory_space<vmem>>, vector<1x16xf32>
    %add3A_28 = vector.broadcast %get3A_27 : vector<1x16xf32> to vector<3200x16xf32>
    %add3A_29 = arith.addf %dot_general3A_24, %add3A_28 : vector<3200x16xf32>
    %reduce_sum3A = arith.constant dense<0.000000e+00> : vector<3200xf32>
    %reduce_sum3A_30 = vector.multi_reduction <add>, %add3A_29, %reduce_sum3A [1] : vector<3200x16xf32> to vector<3200xf32>
    %broadcast_in_dim3A = vector.shape_cast %reduce_sum3A_30 : vector<3200xf32> to vector<3200x1xf32>
    %div3A = arith.constant 1.600000e+01 : f32
    %div3A_31 = vector.broadcast %div3A : f32 to vector<3200x1xf32>
    %div3A_32 = arith.divf %broadcast_in_dim3A, %div3A_31 : vector<3200x1xf32>
    %sub3A = vector.broadcast %div3A_32 : vector<3200x1xf32> to vector<3200x16xf32>
    %sub3A_33 = arith.subf %add3A_29, %sub3A : vector<3200x16xf32>
    %integer_pow3A = arith.mulf %sub3A_33, %sub3A_33 : vector<3200x16xf32>
    %reduce_sum3A_34 = arith.constant dense<0.000000e+00> : vector<3200xf32>
    %reduce_sum3A_35 = vector.multi_reduction <add>, %integer_pow3A, %reduce_sum3A_34 [1] : vector<3200x16xf32> to vector<3200xf32>
    %broadcast_in_dim3A_36 = vector.shape_cast %reduce_sum3A_35 : vector<3200xf32> to vector<3200x1xf32>
    %div3A_37 = arith.constant 1.600000e+01 : f32
    %div3A_38 = vector.broadcast %div3A_37 : f32 to vector<3200x1xf32>
    %div3A_39 = arith.divf %broadcast_in_dim3A_36, %div3A_38 : vector<3200x1xf32>
    %sub3A_40 = vector.broadcast %div3A_32 : vector<3200x1xf32> to vector<3200x16xf32>
    %sub3A_41 = arith.subf %add3A_29, %sub3A_40 : vector<3200x16xf32>
    %add3A_42 = arith.constant 9.99999974E-6 : f32
    %add3A_43 = vector.broadcast %add3A_42 : f32 to vector<3200x1xf32>
    %add3A_44 = arith.addf %div3A_39, %add3A_43 : vector<3200x1xf32>
    %rsqrt3A = math.rsqrt %add3A_44 : vector<3200x1xf32>
    %mul3A = vector.broadcast %rsqrt3A : vector<3200x1xf32> to vector<3200x16xf32>
    %mul3A_45 = arith.mulf %sub3A_41, %mul3A : vector<3200x16xf32>
    %get3A_46 = arith.constant 0 : index
    %get3A_47 = arith.constant 0 : index
    %get3A_48 = vector.load %arg8[%get3A_46, %get3A_47] : memref<1x16xf32, #tpu.memory_space<vmem>>, vector<1x16xf32>
    %mul3A_49 = vector.broadcast %get3A_48 : vector<1x16xf32> to vector<3200x16xf32>
    %mul3A_50 = arith.mulf %mul3A_45, %mul3A_49 : vector<3200x16xf32>
    %get3A_51 = arith.constant 0 : index
    %get3A_52 = arith.constant 0 : index
    %get3A_53 = vector.load %arg9[%get3A_51, %get3A_52] : memref<1x16xf32, #tpu.memory_space<vmem>>, vector<1x16xf32>
    %add3A_54 = vector.broadcast %get3A_53 : vector<1x16xf32> to vector<3200x16xf32>
    %add3A_55 = arith.addf %mul3A_50, %add3A_54 : vector<3200x16xf32>
    %add3A_56 = arith.addf %get3A_1, %add3A_55 : vector<3200x16xf32>
    %swap3A = arith.constant 0 : index
    %swap3A_57 = arith.constant 0 : index
    %swap3A_58 = vector.load %arg12[%swap3A, %swap3A_57] : memref<3200x16xf32, #tpu.memory_space<vmem>>, vector<3200x16xf32>
    tpu.vector_store %arg12[%swap3A, %swap3A_57], %add3A_56 {strides = array<i32>} : memref<3200x16xf32, #tpu.memory_space<vmem>>, vector<3200x16xf32>,
    %get3A_59 = arith.constant 0 : index
    %get3A_60 = arith.constant 0 : index
    %get3A_61 = vector.load %arg10[%get3A_59, %get3A_60] : memref<16x2xf32, #tpu.memory_space<vmem>>, vector<16x2xf32>
    %dot_general3A_62 = arith.constant dense<0.000000e+00> : vector<3200x2xf32>
    %dot_general3A_63 = tpu.matmul %get3A_1, %get3A_61, %dot_general3A_62 {dimension_numbers = #tpu.dot_dimension_numbers<[1], [0], [0], [1], [0, 0, 1, 1], [], []>, transpose_lhs_hint = false} : vector<3200x16xf32>, vector<16x2xf32>, vector<3200x2xf32> -> vector<3200x2xf32>
    %get3A_64 = arith.constant 0 : index
    %get3A_65 = arith.constant 0 : index
    %get3A_66 = vector.load %arg11[%get3A_64, %get3A_65] : memref<1x2xf32, #tpu.memory_space<vmem>>, vector<1x2xf32>
    %add3A_67 = vector.broadcast %get3A_66 : vector<1x2xf32> to vector<3200x2xf32>
    %add3A_68 = arith.addf %dot_general3A_63, %add3A_67 : vector<3200x2xf32>
    %exp3A = math.exp %add3A_68 : vector<3200x2xf32>
    %slice3A = vector.extract_strided_slice %exp3A {offsets = [0, 0], sizes = [3200, 1], strides = [1, 1]} : vector<3200x2xf32> to vector<3200x1xf32>
    %slice3A_69 = vector.extract_strided_slice %exp3A {offsets = [0, 1], sizes = [3200, 1], strides = [1, 1]} : vector<3200x2xf32> to vector<3200x1xf32>
    %broadcast_in_dim3A_70 = arith.constant 0.000000e+00 : f32
    %broadcast_in_dim3A_71 = vector.broadcast %broadcast_in_dim3A_70 : f32 to vector<3200x15xf32>
    %mul3A_72 = vector.broadcast %slice3A : vector<3200x1xf32> to vector<3200x16xf32>
    %mul3A_73 = arith.mulf %add3A_55, %mul3A_72 : vector<3200x16xf32>
    %mul3A_74 = vector.broadcast %slice3A_69 : vector<3200x1xf32> to vector<3200x16xf32>
    %mul3A_75 = arith.mulf %add3A_55, %mul3A_74 : vector<3200x16xf32>
    %concatenate3A = tpu.concatenate %mul3A_73, %slice3A, %broadcast_in_dim3A_71, %mul3A_75, %slice3A_69, %broadcast_in_dim3A_71 in 1 : vector<3200x16xf32>, vector<3200x1xf32>, vector<3200x15xf32>, vector<3200x16xf32>, vector<3200x1xf32>, vector<3200x15xf32> -> vector<3200x64xf32>
    %swap3A_76 = arith.constant 0 : index
    %swap3A_77 = arith.constant 0 : index
    %swap3A_78 = vector.load %arg13[%swap3A_76, %swap3A_77] : memref<3200x64xf32, #tpu.memory_space<vmem>>, vector<3200x64xf32>
    tpu.vector_store %arg13[%swap3A_76, %swap3A_77], %concatenate3A {strides = array<i32>} : memref<3200x64xf32, #tpu.memory_space<vmem>>, vector<3200x64xf32>,
    return
  }
  func.func @transform_0(%arg0: i32) -> (i32, i32) {
    %add3A = arith.constant 52 : i32
    %add3A_0 = arith.addi %arg0, %add3A : i32
    %c0_i32 = arith.constant 0 : i32
    %c0_i32_1 = arith.constant 0 : i32
    return %add3A_0, %c0_i32 : i32, i32
  }
  func.func @transform_1(%arg0: i32) -> (i32, i32) {
    %c0_i32 = arith.constant 0 : i32
    %c0_i32_0 = arith.constant 0 : i32
    return %arg0, %c0_i32 : i32, i32
  }
  func.func @transform_2(%arg0: i32) -> (i32, i32) {
    %c0_i32 = arith.constant 0 : i32
    %c0_i32_0 = arith.constant 0 : i32
    return %arg0, %c0_i32 : i32, i32
  }
  func.func @transform_3(%arg0: i32) -> (i32, i32) {
    %c0_i32 = arith.constant 0 : i32
    %c0_i32_0 = arith.constant 0 : i32
    %c0_i32_1 = arith.constant 0 : i32
    return %c0_i32, %c0_i32_0 : i32, i32
  }
  func.func @transform_4(%arg0: i32) -> (i32, i32) {
    %c0_i32 = arith.constant 0 : i32
    %c0_i32_0 = arith.constant 0 : i32
    %c0_i32_1 = arith.constant 0 : i32
    return %c0_i32, %c0_i32_0 : i32, i32
  }
  func.func @transform_5(%arg0: i32) -> (i32, i32) {
    %c0_i32 = arith.constant 0 : i32
    %c0_i32_0 = arith.constant 0 : i32
    %c0_i32_1 = arith.constant 0 : i32
    return %c0_i32, %c0_i32_0 : i32, i32
  }
  func.func @transform_6(%arg0: i32) -> (i32, i32) {
    %c0_i32 = arith.constant 0 : i32
    %c0_i32_0 = arith.constant 0 : i32
    %c0_i32_1 = arith.constant 0 : i32
    return %c0_i32, %c0_i32_0 : i32, i32
  }
  func.func @transform_7(%arg0: i32) -> (i32, i32) {
    %c0_i32 = arith.constant 0 : i32
    %c0_i32_0 = arith.constant 0 : i32
    %c0_i32_1 = arith.constant 0 : i32
    return %c0_i32, %c0_i32_0 : i32, i32
  }
  func.func @transform_8(%arg0: i32) -> (i32, i32) {
    %c0_i32 = arith.constant 0 : i32
    %c0_i32_0 = arith.constant 0 : i32
    %c0_i32_1 = arith.constant 0 : i32
    return %c0_i32, %c0_i32_0 : i32, i32
  }
  func.func @transform_9(%arg0: i32) -> (i32, i32) {
    %c0_i32 = arith.constant 0 : i32
    %c0_i32_0 = arith.constant 0 : i32
    %c0_i32_1 = arith.constant 0 : i32
    return %c0_i32, %c0_i32_0 : i32, i32
  }
  func.func @transform_10(%arg0: i32) -> (i32, i32) {
    %c0_i32 = arith.constant 0 : i32
    %c0_i32_0 = arith.constant 0 : i32
    %c0_i32_1 = arith.constant 0 : i32
    return %c0_i32, %c0_i32_0 : i32, i32
  }
  func.func @transform_11(%arg0: i32) -> (i32, i32) {
    %c0_i32 = arith.constant 0 : i32
    %c0_i32_0 = arith.constant 0 : i32
    return %arg0, %c0_i32 : i32, i32
  }
  func.func @transform_12(%arg0: i32) -> (i32, i32) {
    %c0_i32 = arith.constant 0 : i32
    %c0_i32_0 = arith.constant 0 : i32
    return %arg0, %c0_i32 : i32, i32
  }
}

module attributes {stable_mosaic.version = 14 : i64} {
  func.func @_edge_body(%arg0: i32, %arg1: memref<3200x16xf32, #tpu.memory_space<vmem>>, %arg2: memref<3200x128xf32, #tpu.memory_space<vmem>>, %arg3: memref<3200x128xf32, #tpu.memory_space<vmem>>, %arg4: memref<16x128xf32, #tpu.memory_space<vmem>>, %arg5: memref<1x128xf32, #tpu.memory_space<vmem>>, %arg6: memref<128x16xf32, #tpu.memory_space<vmem>>, %arg7: memref<1x16xf32, #tpu.memory_space<vmem>>, %arg8: memref<1x16xf32, #tpu.memory_space<vmem>>, %arg9: memref<1x16xf32, #tpu.memory_space<vmem>>, %arg10: memref<16x2xf32, #tpu.memory_space<vmem>>, %arg11: memref<1x2xf32, #tpu.memory_space<vmem>>, %arg12: memref<3200x16xf32, #tpu.memory_space<vmem>>, %arg13: memref<3200x64xf32, #tpu.memory_space<vmem>>) attributes {dimension_semantics = [#tpu.dimension_semantics<arbitrary>], iteration_bounds = array<i64: 52>, scalar_prefetch = 0 : i64, scratch_operands = 0 : i64, tpu.core_type = #tpu.core_type<tc>, window_params = [{transform_indices = @transform_0, window_bounds = array<i64: 3200, 16>}, {transform_indices = @transform_1, window_bounds = array<i64: 3200, 128>}, {transform_indices = @transform_2, window_bounds = array<i64: 3200, 128>}, {pipeline_mode = #tpu.pipeline_mode<synchronous>, transform_indices = @transform_3, window_bounds = array<i64: 16, 128>}, {pipeline_mode = #tpu.pipeline_mode<synchronous>, transform_indices = @transform_4, window_bounds = array<i64: 1, 128>}, {pipeline_mode = #tpu.pipeline_mode<synchronous>, transform_indices = @transform_5, window_bounds = array<i64: 128, 16>}, {pipeline_mode = #tpu.pipeline_mode<synchronous>, transform_indices = @transform_6, window_bounds = array<i64: 1, 16>}, {pipeline_mode = #tpu.pipeline_mode<synchronous>, transform_indices = @transform_7, window_bounds = array<i64: 1, 16>}, {pipeline_mode = #tpu.pipeline_mode<synchronous>, transform_indices = @transform_8, window_bounds = array<i64: 1, 16>}, {pipeline_mode = #tpu.pipeline_mode<synchronous>, transform_indices = @transform_9, window_bounds = array<i64: 16, 2>}, {pipeline_mode = #tpu.pipeline_mode<synchronous>, transform_indices = @transform_10, window_bounds = array<i64: 1, 2>}, {transform_indices = @transform_11, window_bounds = array<i64: 3200, 16>}, {transform_indices = @transform_12, window_bounds = array<i64: 3200, 64>}]} {
    %get3A = arith.constant 0 : index
    %get3A_0 = arith.constant 0 : index
    %get3A_1 = vector.load %arg1[%get3A, %get3A_0] : memref<3200x16xf32, #tpu.memory_space<vmem>>, vector<3200x16xf32>
    %get3A_2 = arith.constant 0 : index
    %get3A_3 = arith.constant 0 : index
    %get3A_4 = vector.load %arg4[%get3A_2, %get3A_3] : memref<16x128xf32, #tpu.memory_space<vmem>>, vector<16x128xf32>
    %dot_general3A = arith.constant dense<0.000000e+00> : vector<3200x128xf32>
    %dot_general3A_5 = tpu.matmul %get3A_1, %get3A_4, %dot_general3A {dimension_numbers = #tpu.dot_dimension_numbers<[1], [0], [0], [1], [0, 0, 1, 1], [], []>, transpose_lhs_hint = false} : vector<3200x16xf32>, vector<16x128xf32>, vector<3200x128xf32> -> vector<3200x128xf32>
    %get3A_6 = arith.constant 0 : index
    %get3A_7 = arith.constant 0 : index
    %get3A_8 = vector.load %arg2[%get3A_6, %get3A_7] : memref<3200x128xf32, #tpu.memory_space<vmem>>, vector<3200x128xf32>
    %add3A = arith.addf %dot_general3A_5, %get3A_8 : vector<3200x128xf32>
    %get3A_9 = arith.constant 0 : index
    %get3A_10 = arith.constant 0 : index
    %get3A_11 = vector.load %arg3[%get3A_9, %get3A_10] : memref<3200x128xf32, #tpu.memory_space<vmem>>, vector<3200x128xf32>
    %add3A_12 = arith.addf %add3A, %get3A_11 : vector<3200x128xf32>
    %get3A_13 = arith.constant 0 : index
    %get3A_14 = arith.constant 0 : index
    %get3A_15 = vector.load %arg5[%get3A_13, %get3A_14] : memref<1x128xf32, #tpu.memory_space<vmem>>, vector<1x128xf32>
    %add3A_16 = vector.broadcast %get3A_15 : vector<1x128xf32> to vector<3200x128xf32>
    %add3A_17 = arith.addf %add3A_12, %add3A_16 : vector<3200x128xf32>
    %max3A = arith.constant 0.000000e+00 : f32
    %max3A_18 = vector.broadcast %max3A : f32 to vector<3200x128xf32>
    %max3A_19 = arith.maximumf %add3A_17, %max3A_18 : vector<3200x128xf32>
    %get3A_20 = arith.constant 0 : index
    %get3A_21 = arith.constant 0 : index
    %get3A_22 = vector.load %arg6[%get3A_20, %get3A_21] : memref<128x16xf32, #tpu.memory_space<vmem>>, vector<128x16xf32>
    %dot_general3A_23 = arith.constant dense<0.000000e+00> : vector<3200x16xf32>
    %dot_general3A_24 = tpu.matmul %max3A_19, %get3A_22, %dot_general3A_23 {dimension_numbers = #tpu.dot_dimension_numbers<[1], [0], [0], [1], [0, 0, 1, 1], [], []>, transpose_lhs_hint = false} : vector<3200x128xf32>, vector<128x16xf32>, vector<3200x16xf32> -> vector<3200x16xf32>
    %get3A_25 = arith.constant 0 : index
    %get3A_26 = arith.constant 0 : index
    %get3A_27 = vector.load %arg7[%get3A_25, %get3A_26] : memref<1x16xf32, #tpu.memory_space<vmem>>, vector<1x16xf32>
    %add3A_28 = vector.broadcast %get3A_27 : vector<1x16xf32> to vector<3200x16xf32>
    %add3A_29 = arith.addf %dot_general3A_24, %add3A_28 : vector<3200x16xf32>
    %reduce_sum3A = arith.constant dense<0.000000e+00> : vector<3200xf32>
    %reduce_sum3A_30 = vector.multi_reduction <add>, %add3A_29, %reduce_sum3A [1] : vector<3200x16xf32> to vector<3200xf32>
    %broadcast_in_dim3A = vector.shape_cast %reduce_sum3A_30 : vector<3200xf32> to vector<3200x1xf32>
    %div3A = arith.constant 1.600000e+01 : f32
    %div3A_31 = vector.broadcast %div3A : f32 to vector<3200x1xf32>
    %div3A_32 = arith.divf %broadcast_in_dim3A, %div3A_31 : vector<3200x1xf32>
    %sub3A = vector.broadcast %div3A_32 : vector<3200x1xf32> to vector<3200x16xf32>
    %sub3A_33 = arith.subf %add3A_29, %sub3A : vector<3200x16xf32>
    %integer_pow3A = arith.mulf %sub3A_33, %sub3A_33 : vector<3200x16xf32>
    %reduce_sum3A_34 = arith.constant dense<0.000000e+00> : vector<3200xf32>
    %reduce_sum3A_35 = vector.multi_reduction <add>, %integer_pow3A, %reduce_sum3A_34 [1] : vector<3200x16xf32> to vector<3200xf32>
    %broadcast_in_dim3A_36 = vector.shape_cast %reduce_sum3A_35 : vector<3200xf32> to vector<3200x1xf32>
    %div3A_37 = arith.constant 1.600000e+01 : f32
    %div3A_38 = vector.broadcast %div3A_37 : f32 to vector<3200x1xf32>
    %div3A_39 = arith.divf %broadcast_in_dim3A_36, %div3A_38 : vector<3200x1xf32>
    %sub3A_40 = vector.broadcast %div3A_32 : vector<3200x1xf32> to vector<3200x16xf32>
    %sub3A_41 = arith.subf %add3A_29, %sub3A_40 : vector<3200x16xf32>
    %add3A_42 = arith.constant 9.99999974E-6 : f32
    %add3A_43 = vector.broadcast %add3A_42 : f32 to vector<3200x1xf32>
    %add3A_44 = arith.addf %div3A_39, %add3A_43 : vector<3200x1xf32>
    %rsqrt3A = math.rsqrt %add3A_44 : vector<3200x1xf32>
    %mul3A = vector.broadcast %rsqrt3A : vector<3200x1xf32> to vector<3200x16xf32>
    %mul3A_45 = arith.mulf %sub3A_41, %mul3A : vector<3200x16xf32>
    %get3A_46 = arith.constant 0 : index
    %get3A_47 = arith.constant 0 : index
    %get3A_48 = vector.load %arg8[%get3A_46, %get3A_47] : memref<1x16xf32, #tpu.memory_space<vmem>>, vector<1x16xf32>
    %mul3A_49 = vector.broadcast %get3A_48 : vector<1x16xf32> to vector<3200x16xf32>
    %mul3A_50 = arith.mulf %mul3A_45, %mul3A_49 : vector<3200x16xf32>
    %get3A_51 = arith.constant 0 : index
    %get3A_52 = arith.constant 0 : index
    %get3A_53 = vector.load %arg9[%get3A_51, %get3A_52] : memref<1x16xf32, #tpu.memory_space<vmem>>, vector<1x16xf32>
    %add3A_54 = vector.broadcast %get3A_53 : vector<1x16xf32> to vector<3200x16xf32>
    %add3A_55 = arith.addf %mul3A_50, %add3A_54 : vector<3200x16xf32>
    %add3A_56 = arith.addf %get3A_1, %add3A_55 : vector<3200x16xf32>
    %swap3A = arith.constant 0 : index
    %swap3A_57 = arith.constant 0 : index
    %swap3A_58 = vector.load %arg12[%swap3A, %swap3A_57] : memref<3200x16xf32, #tpu.memory_space<vmem>>, vector<3200x16xf32>
    tpu.vector_store %arg12[%swap3A, %swap3A_57], %add3A_56 {strides = array<i32>} : memref<3200x16xf32, #tpu.memory_space<vmem>>, vector<3200x16xf32>,
    %get3A_59 = arith.constant 0 : index
    %get3A_60 = arith.constant 0 : index
    %get3A_61 = vector.load %arg10[%get3A_59, %get3A_60] : memref<16x2xf32, #tpu.memory_space<vmem>>, vector<16x2xf32>
    %dot_general3A_62 = arith.constant dense<0.000000e+00> : vector<3200x2xf32>
    %dot_general3A_63 = tpu.matmul %get3A_1, %get3A_61, %dot_general3A_62 {dimension_numbers = #tpu.dot_dimension_numbers<[1], [0], [0], [1], [0, 0, 1, 1], [], []>, transpose_lhs_hint = false} : vector<3200x16xf32>, vector<16x2xf32>, vector<3200x2xf32> -> vector<3200x2xf32>
    %get3A_64 = arith.constant 0 : index
    %get3A_65 = arith.constant 0 : index
    %get3A_66 = vector.load %arg11[%get3A_64, %get3A_65] : memref<1x2xf32, #tpu.memory_space<vmem>>, vector<1x2xf32>
    %add3A_67 = vector.broadcast %get3A_66 : vector<1x2xf32> to vector<3200x2xf32>
    %add3A_68 = arith.addf %dot_general3A_63, %add3A_67 : vector<3200x2xf32>
    %exp3A = math.exp %add3A_68 : vector<3200x2xf32>
    %slice3A = vector.extract_strided_slice %exp3A {offsets = [0, 0], sizes = [3200, 1], strides = [1, 1]} : vector<3200x2xf32> to vector<3200x1xf32>
    %slice3A_69 = vector.extract_strided_slice %exp3A {offsets = [0, 1], sizes = [3200, 1], strides = [1, 1]} : vector<3200x2xf32> to vector<3200x1xf32>
    %broadcast_in_dim3A_70 = arith.constant 0.000000e+00 : f32
    %broadcast_in_dim3A_71 = vector.broadcast %broadcast_in_dim3A_70 : f32 to vector<3200x15xf32>
    %mul3A_72 = vector.broadcast %slice3A : vector<3200x1xf32> to vector<3200x16xf32>
    %mul3A_73 = arith.mulf %add3A_55, %mul3A_72 : vector<3200x16xf32>
    %mul3A_74 = vector.broadcast %slice3A_69 : vector<3200x1xf32> to vector<3200x16xf32>
    %mul3A_75 = arith.mulf %add3A_55, %mul3A_74 : vector<3200x16xf32>
    %concatenate3A = tpu.concatenate %mul3A_73, %slice3A, %broadcast_in_dim3A_71, %mul3A_75, %slice3A_69, %broadcast_in_dim3A_71 in 1 : vector<3200x16xf32>, vector<3200x1xf32>, vector<3200x15xf32>, vector<3200x16xf32>, vector<3200x1xf32>, vector<3200x15xf32> -> vector<3200x64xf32>
    %swap3A_76 = arith.constant 0 : index
    %swap3A_77 = arith.constant 0 : index
    %swap3A_78 = vector.load %arg13[%swap3A_76, %swap3A_77] : memref<3200x64xf32, #tpu.memory_space<vmem>>, vector<3200x64xf32>
    tpu.vector_store %arg13[%swap3A_76, %swap3A_77], %concatenate3A {strides = array<i32>} : memref<3200x64xf32, #tpu.memory_space<vmem>>, vector<3200x64xf32>,
    return
  }
  func.func @transform_0(%arg0: i32) -> (i32, i32) {
    %add3A = arith.constant 0 : i32
    %add3A_0 = arith.addi %arg0, %add3A : i32
    %c0_i32 = arith.constant 0 : i32
    %c0_i32_1 = arith.constant 0 : i32
    return %add3A_0, %c0_i32 : i32, i32
  }
  func.func @transform_1(%arg0: i32) -> (i32, i32) {
    %c0_i32 = arith.constant 0 : i32
    %c0_i32_0 = arith.constant 0 : i32
    return %arg0, %c0_i32 : i32, i32
  }
  func.func @transform_2(%arg0: i32) -> (i32, i32) {
    %c0_i32 = arith.constant 0 : i32
    %c0_i32_0 = arith.constant 0 : i32
    return %arg0, %c0_i32 : i32, i32
  }
  func.func @transform_3(%arg0: i32) -> (i32, i32) {
    %c0_i32 = arith.constant 0 : i32
    %c0_i32_0 = arith.constant 0 : i32
    %c0_i32_1 = arith.constant 0 : i32
    return %c0_i32, %c0_i32_0 : i32, i32
  }
  func.func @transform_4(%arg0: i32) -> (i32, i32) {
    %c0_i32 = arith.constant 0 : i32
    %c0_i32_0 = arith.constant 0 : i32
    %c0_i32_1 = arith.constant 0 : i32
    return %c0_i32, %c0_i32_0 : i32, i32
  }
  func.func @transform_5(%arg0: i32) -> (i32, i32) {
    %c0_i32 = arith.constant 0 : i32
    %c0_i32_0 = arith.constant 0 : i32
    %c0_i32_1 = arith.constant 0 : i32
    return %c0_i32, %c0_i32_0 : i32, i32
  }
  func.func @transform_6(%arg0: i32) -> (i32, i32) {
    %c0_i32 = arith.constant 0 : i32
    %c0_i32_0 = arith.constant 0 : i32
    %c0_i32_1 = arith.constant 0 : i32
    return %c0_i32, %c0_i32_0 : i32, i32
  }
  func.func @transform_7(%arg0: i32) -> (i32, i32) {
    %c0_i32 = arith.constant 0 : i32
    %c0_i32_0 = arith.constant 0 : i32
    %c0_i32_1 = arith.constant 0 : i32
    return %c0_i32, %c0_i32_0 : i32, i32
  }
  func.func @transform_8(%arg0: i32) -> (i32, i32) {
    %c0_i32 = arith.constant 0 : i32
    %c0_i32_0 = arith.constant 0 : i32
    %c0_i32_1 = arith.constant 0 : i32
    return %c0_i32, %c0_i32_0 : i32, i32
  }
  func.func @transform_9(%arg0: i32) -> (i32, i32) {
    %c0_i32 = arith.constant 0 : i32
    %c0_i32_0 = arith.constant 0 : i32
    %c0_i32_1 = arith.constant 0 : i32
    return %c0_i32, %c0_i32_0 : i32, i32
  }
  func.func @transform_10(%arg0: i32) -> (i32, i32) {
    %c0_i32 = arith.constant 0 : i32
    %c0_i32_0 = arith.constant 0 : i32
    %c0_i32_1 = arith.constant 0 : i32
    return %c0_i32, %c0_i32_0 : i32, i32
  }
  func.func @transform_11(%arg0: i32) -> (i32, i32) {
    %c0_i32 = arith.constant 0 : i32
    %c0_i32_0 = arith.constant 0 : i32
    return %arg0, %c0_i32 : i32, i32
  }
  func.func @transform_12(%arg0: i32) -> (i32, i32) {
    %c0_i32 = arith.constant 0 : i32
    %c0_i32_0 = arith.constant 0 : i32
    return %arg0, %c0_i32 : i32, i32
  }
}

module attributes {stable_mosaic.version = 14 : i64} {
  func.func @_node_body(%arg0: i32, %arg1: memref<2000x128xf32, #tpu.memory_space<vmem>>, %arg2: memref<2x2000x32xf32, #tpu.memory_space<vmem>>, %arg3: memref<2x2000x32xf32, #tpu.memory_space<vmem>>, %arg4: memref<2x2000x32xf32, #tpu.memory_space<vmem>>, %arg5: memref<2x2000x32xf32, #tpu.memory_space<vmem>>, %arg6: memref<128x128xf32, #tpu.memory_space<vmem>>, %arg7: memref<16x128xf32, #tpu.memory_space<vmem>>, %arg8: memref<16x128xf32, #tpu.memory_space<vmem>>, %arg9: memref<1x128xf32, #tpu.memory_space<vmem>>, %arg10: memref<128x128xf32, #tpu.memory_space<vmem>>, %arg11: memref<1x128xf32, #tpu.memory_space<vmem>>, %arg12: memref<1x128xf32, #tpu.memory_space<vmem>>, %arg13: memref<1x128xf32, #tpu.memory_space<vmem>>, %arg14: memref<2000x128xf32, #tpu.memory_space<vmem>>) attributes {dimension_semantics = [#tpu.dimension_semantics<arbitrary>], iteration_bounds = array<i64: 5>, scalar_prefetch = 0 : i64, scratch_operands = 0 : i64, tpu.core_type = #tpu.core_type<tc>, window_params = [{transform_indices = @transform_0, window_bounds = array<i64: 2000, 128>}, {transform_indices = @transform_1, window_bounds = array<i64: 2, 2000, 32>}, {transform_indices = @transform_2, window_bounds = array<i64: 2, 2000, 32>}, {transform_indices = @transform_3, window_bounds = array<i64: 2, 2000, 32>}, {transform_indices = @transform_4, window_bounds = array<i64: 2, 2000, 32>}, {pipeline_mode = #tpu.pipeline_mode<synchronous>, transform_indices = @transform_5, window_bounds = array<i64: 128, 128>}, {pipeline_mode = #tpu.pipeline_mode<synchronous>, transform_indices = @transform_6, window_bounds = array<i64: 16, 128>}, {pipeline_mode = #tpu.pipeline_mode<synchronous>, transform_indices = @transform_7, window_bounds = array<i64: 16, 128>}, {pipeline_mode = #tpu.pipeline_mode<synchronous>, transform_indices = @transform_8, window_bounds = array<i64: 1, 128>}, {pipeline_mode = #tpu.pipeline_mode<synchronous>, transform_indices = @transform_9, window_bounds = array<i64: 128, 128>}, {pipeline_mode = #tpu.pipeline_mode<synchronous>, transform_indices = @transform_10, window_bounds = array<i64: 1, 128>}, {pipeline_mode = #tpu.pipeline_mode<synchronous>, transform_indices = @transform_11, window_bounds = array<i64: 1, 128>}, {pipeline_mode = #tpu.pipeline_mode<synchronous>, transform_indices = @transform_12, window_bounds = array<i64: 1, 128>}, {transform_indices = @transform_13, window_bounds = array<i64: 2000, 128>}]} {
    %get3A = arith.constant 0 : index
    %get3A_0 = arith.constant 0 : index
    %get3A_1 = vector.load %arg1[%get3A, %get3A_0] : memref<2000x128xf32, #tpu.memory_space<vmem>>, vector<2000x128xf32>
    %get3A_2 = arith.constant 0 : index
    %get3A_3 = arith.constant 0 : index
    %get3A_4 = arith.constant 0 : index
    %get3A_5 = vector.load %arg2[%get3A_2, %get3A_3, %get3A_4] : memref<2x2000x32xf32, #tpu.memory_space<vmem>>, vector<1x2000x32xf32>
    %get3A_6 = vector.shape_cast %get3A_5 : vector<1x2000x32xf32> to vector<2000x32xf32>
    %get3A_7 = arith.constant 1 : index
    %get3A_8 = arith.constant 0 : index
    %get3A_9 = arith.constant 0 : index
    %get3A_10 = vector.load %arg2[%get3A_7, %get3A_8, %get3A_9] : memref<2x2000x32xf32, #tpu.memory_space<vmem>>, vector<1x2000x32xf32>
    %get3A_11 = vector.shape_cast %get3A_10 : vector<1x2000x32xf32> to vector<2000x32xf32>
    %add3A = arith.addf %get3A_6, %get3A_11 : vector<2000x32xf32>
    %get3A_12 = arith.constant 0 : index
    %get3A_13 = arith.constant 0 : index
    %get3A_14 = arith.constant 0 : index
    %get3A_15 = vector.load %arg4[%get3A_12, %get3A_13, %get3A_14] : memref<2x2000x32xf32, #tpu.memory_space<vmem>>, vector<1x2000x32xf32>
    %get3A_16 = vector.shape_cast %get3A_15 : vector<1x2000x32xf32> to vector<2000x32xf32>
    %add3A_17 = arith.addf %add3A, %get3A_16 : vector<2000x32xf32>
    %get3A_18 = arith.constant 1 : index
    %get3A_19 = arith.constant 0 : index
    %get3A_20 = arith.constant 0 : index
    %get3A_21 = vector.load %arg4[%get3A_18, %get3A_19, %get3A_20] : memref<2x2000x32xf32, #tpu.memory_space<vmem>>, vector<1x2000x32xf32>
    %get3A_22 = vector.shape_cast %get3A_21 : vector<1x2000x32xf32> to vector<2000x32xf32>
    %add3A_23 = arith.addf %add3A_17, %get3A_22 : vector<2000x32xf32>
    %get3A_24 = arith.constant 0 : index
    %get3A_25 = arith.constant 0 : index
    %get3A_26 = arith.constant 0 : index
    %get3A_27 = vector.load %arg3[%get3A_24, %get3A_25, %get3A_26] : memref<2x2000x32xf32, #tpu.memory_space<vmem>>, vector<1x2000x32xf32>
    %get3A_28 = vector.shape_cast %get3A_27 : vector<1x2000x32xf32> to vector<2000x32xf32>
    %get3A_29 = arith.constant 1 : index
    %get3A_30 = arith.constant 0 : index
    %get3A_31 = arith.constant 0 : index
    %get3A_32 = vector.load %arg3[%get3A_29, %get3A_30, %get3A_31] : memref<2x2000x32xf32, #tpu.memory_space<vmem>>, vector<1x2000x32xf32>
    %get3A_33 = vector.shape_cast %get3A_32 : vector<1x2000x32xf32> to vector<2000x32xf32>
    %add3A_34 = arith.addf %get3A_28, %get3A_33 : vector<2000x32xf32>
    %get3A_35 = arith.constant 0 : index
    %get3A_36 = arith.constant 0 : index
    %get3A_37 = arith.constant 0 : index
    %get3A_38 = vector.load %arg5[%get3A_35, %get3A_36, %get3A_37] : memref<2x2000x32xf32, #tpu.memory_space<vmem>>, vector<1x2000x32xf32>
    %get3A_39 = vector.shape_cast %get3A_38 : vector<1x2000x32xf32> to vector<2000x32xf32>
    %add3A_40 = arith.addf %add3A_34, %get3A_39 : vector<2000x32xf32>
    %get3A_41 = arith.constant 1 : index
    %get3A_42 = arith.constant 0 : index
    %get3A_43 = arith.constant 0 : index
    %get3A_44 = vector.load %arg5[%get3A_41, %get3A_42, %get3A_43] : memref<2x2000x32xf32, #tpu.memory_space<vmem>>, vector<1x2000x32xf32>
    %get3A_45 = vector.shape_cast %get3A_44 : vector<1x2000x32xf32> to vector<2000x32xf32>
    %add3A_46 = arith.addf %add3A_40, %get3A_45 : vector<2000x32xf32>
    %slice3A = vector.extract_strided_slice %add3A_23 {offsets = [0, 16], sizes = [2000, 1], strides = [1, 1]} : vector<2000x32xf32> to vector<2000x1xf32>
    %slice3A_47 = vector.extract_strided_slice %add3A_46 {offsets = [0, 16], sizes = [2000, 1], strides = [1, 1]} : vector<2000x32xf32> to vector<2000x1xf32>
    %gt3A = arith.constant 0.000000e+00 : f32
    %gt3A_48 = vector.broadcast %gt3A : f32 to vector<2000x1xf32>
    %gt3A_49 = arith.cmpf ogt, %slice3A, %gt3A_48 : vector<2000x1xf32>
    %slice3A_50 = vector.extract_strided_slice %add3A_23 {offsets = [0, 0], sizes = [2000, 16], strides = [1, 1]} : vector<2000x32xf32> to vector<2000x16xf32>
    %gt3A_51 = arith.constant 0.000000e+00 : f32
    %gt3A_52 = vector.broadcast %gt3A_51 : f32 to vector<2000x1xf32>
    %gt3A_53 = arith.cmpf ogt, %slice3A, %gt3A_52 : vector<2000x1xf32>
    %jit3A = arith.constant 1.000000e+00 : f32
    %broadcast_in_dim3A = vector.broadcast %jit3A : f32 to vector<2000x1xf32>
    %select_n3A = arith.select %gt3A_53, %slice3A, %broadcast_in_dim3A : vector<2000x1xi1>, vector<2000x1xf32>
    %div3A = vector.broadcast %select_n3A : vector<2000x1xf32> to vector<2000x16xf32>
    %div3A_54 = arith.divf %slice3A_50, %div3A : vector<2000x16xf32>
    %jit3A_55 = arith.constant 0.000000e+00 : f32
    %broadcast_in_dim3A_56 = vector.shape_cast %gt3A_49 : vector<2000x1xi1> to vector<2000x1xi1>
    %broadcast_in_dim3A_57 = vector.broadcast %broadcast_in_dim3A_56 : vector<2000x1xi1> to vector<2000x16xi1>
    %broadcast_in_dim3A_58 = vector.broadcast %jit3A_55 : f32 to vector<2000x16xf32>
    %select_n3A_59 = arith.select %broadcast_in_dim3A_57, %div3A_54, %broadcast_in_dim3A_58 : vector<2000x16xi1>, vector<2000x16xf32>
    %gt3A_60 = arith.constant 0.000000e+00 : f32
    %gt3A_61 = vector.broadcast %gt3A_60 : f32 to vector<2000x1xf32>
    %gt3A_62 = arith.cmpf ogt, %slice3A_47, %gt3A_61 : vector<2000x1xf32>
    %slice3A_63 = vector.extract_strided_slice %add3A_46 {offsets = [0, 0], sizes = [2000, 16], strides = [1, 1]} : vector<2000x32xf32> to vector<2000x16xf32>
    %gt3A_64 = arith.constant 0.000000e+00 : f32
    %gt3A_65 = vector.broadcast %gt3A_64 : f32 to vector<2000x1xf32>
    %gt3A_66 = arith.cmpf ogt, %slice3A_47, %gt3A_65 : vector<2000x1xf32>
    %jit3A_67 = arith.constant 1.000000e+00 : f32
    %broadcast_in_dim3A_68 = vector.broadcast %jit3A_67 : f32 to vector<2000x1xf32>
    %select_n3A_69 = arith.select %gt3A_66, %slice3A_47, %broadcast_in_dim3A_68 : vector<2000x1xi1>, vector<2000x1xf32>
    %div3A_70 = vector.broadcast %select_n3A_69 : vector<2000x1xf32> to vector<2000x16xf32>
    %div3A_71 = arith.divf %slice3A_63, %div3A_70 : vector<2000x16xf32>
    %jit3A_72 = arith.constant 0.000000e+00 : f32
    %broadcast_in_dim3A_73 = vector.shape_cast %gt3A_62 : vector<2000x1xi1> to vector<2000x1xi1>
    %broadcast_in_dim3A_74 = vector.broadcast %broadcast_in_dim3A_73 : vector<2000x1xi1> to vector<2000x16xi1>
    %broadcast_in_dim3A_75 = vector.broadcast %jit3A_72 : f32 to vector<2000x16xf32>
    %select_n3A_76 = arith.select %broadcast_in_dim3A_74, %div3A_71, %broadcast_in_dim3A_75 : vector<2000x16xi1>, vector<2000x16xf32>
    %get3A_77 = arith.constant 0 : index
    %get3A_78 = arith.constant 0 : index
    %get3A_79 = vector.load %arg6[%get3A_77, %get3A_78] : memref<128x128xf32, #tpu.memory_space<vmem>>, vector<128x128xf32>
    %dot_general3A = arith.constant dense<0.000000e+00> : vector<2000x128xf32>
    %dot_general3A_80 = tpu.matmul %get3A_1, %get3A_79, %dot_general3A {dimension_numbers = #tpu.dot_dimension_numbers<[1], [0], [0], [1], [0, 0, 1, 1], [], []>, transpose_lhs_hint = false} : vector<2000x128xf32>, vector<128x128xf32>, vector<2000x128xf32> -> vector<2000x128xf32>
    %get3A_81 = arith.constant 0 : index
    %get3A_82 = arith.constant 0 : index
    %get3A_83 = vector.load %arg7[%get3A_81, %get3A_82] : memref<16x128xf32, #tpu.memory_space<vmem>>, vector<16x128xf32>
    %dot_general3A_84 = arith.constant dense<0.000000e+00> : vector<2000x128xf32>
    %dot_general3A_85 = tpu.matmul %select_n3A_76, %get3A_83, %dot_general3A_84 {dimension_numbers = #tpu.dot_dimension_numbers<[1], [0], [0], [1], [0, 0, 1, 1], [], []>, transpose_lhs_hint = false} : vector<2000x16xf32>, vector<16x128xf32>, vector<2000x128xf32> -> vector<2000x128xf32>
    %add3A_86 = arith.addf %dot_general3A_80, %dot_general3A_85 : vector<2000x128xf32>
    %get3A_87 = arith.constant 0 : index
    %get3A_88 = arith.constant 0 : index
    %get3A_89 = vector.load %arg8[%get3A_87, %get3A_88] : memref<16x128xf32, #tpu.memory_space<vmem>>, vector<16x128xf32>
    %dot_general3A_90 = arith.constant dense<0.000000e+00> : vector<2000x128xf32>
    %dot_general3A_91 = tpu.matmul %select_n3A_59, %get3A_89, %dot_general3A_90 {dimension_numbers = #tpu.dot_dimension_numbers<[1], [0], [0], [1], [0, 0, 1, 1], [], []>, transpose_lhs_hint = false} : vector<2000x16xf32>, vector<16x128xf32>, vector<2000x128xf32> -> vector<2000x128xf32>
    %add3A_92 = arith.addf %add3A_86, %dot_general3A_91 : vector<2000x128xf32>
    %get3A_93 = arith.constant 0 : index
    %get3A_94 = arith.constant 0 : index
    %get3A_95 = vector.load %arg9[%get3A_93, %get3A_94] : memref<1x128xf32, #tpu.memory_space<vmem>>, vector<1x128xf32>
    %add3A_96 = vector.broadcast %get3A_95 : vector<1x128xf32> to vector<2000x128xf32>
    %add3A_97 = arith.addf %add3A_92, %add3A_96 : vector<2000x128xf32>
    %max3A = arith.constant 0.000000e+00 : f32
    %max3A_98 = vector.broadcast %max3A : f32 to vector<2000x128xf32>
    %max3A_99 = arith.maximumf %add3A_97, %max3A_98 : vector<2000x128xf32>
    %get3A_100 = arith.constant 0 : index
    %get3A_101 = arith.constant 0 : index
    %get3A_102 = vector.load %arg10[%get3A_100, %get3A_101] : memref<128x128xf32, #tpu.memory_space<vmem>>, vector<128x128xf32>
    %dot_general3A_103 = arith.constant dense<0.000000e+00> : vector<2000x128xf32>
    %dot_general3A_104 = tpu.matmul %max3A_99, %get3A_102, %dot_general3A_103 {dimension_numbers = #tpu.dot_dimension_numbers<[1], [0], [0], [1], [0, 0, 1, 1], [], []>, transpose_lhs_hint = false} : vector<2000x128xf32>, vector<128x128xf32>, vector<2000x128xf32> -> vector<2000x128xf32>
    %get3A_105 = arith.constant 0 : index
    %get3A_106 = arith.constant 0 : index
    %get3A_107 = vector.load %arg11[%get3A_105, %get3A_106] : memref<1x128xf32, #tpu.memory_space<vmem>>, vector<1x128xf32>
    %add3A_108 = vector.broadcast %get3A_107 : vector<1x128xf32> to vector<2000x128xf32>
    %add3A_109 = arith.addf %dot_general3A_104, %add3A_108 : vector<2000x128xf32>
    %reduce_sum3A = arith.constant dense<0.000000e+00> : vector<2000xf32>
    %reduce_sum3A_110 = vector.multi_reduction <add>, %add3A_109, %reduce_sum3A [1] : vector<2000x128xf32> to vector<2000xf32>
    %broadcast_in_dim3A_111 = vector.shape_cast %reduce_sum3A_110 : vector<2000xf32> to vector<2000x1xf32>
    %div3A_112 = arith.constant 1.280000e+02 : f32
    %div3A_113 = vector.broadcast %div3A_112 : f32 to vector<2000x1xf32>
    %div3A_114 = arith.divf %broadcast_in_dim3A_111, %div3A_113 : vector<2000x1xf32>
    %sub3A = vector.broadcast %div3A_114 : vector<2000x1xf32> to vector<2000x128xf32>
    %sub3A_115 = arith.subf %add3A_109, %sub3A : vector<2000x128xf32>
    %integer_pow3A = arith.mulf %sub3A_115, %sub3A_115 : vector<2000x128xf32>
    %reduce_sum3A_116 = arith.constant dense<0.000000e+00> : vector<2000xf32>
    %reduce_sum3A_117 = vector.multi_reduction <add>, %integer_pow3A, %reduce_sum3A_116 [1] : vector<2000x128xf32> to vector<2000xf32>
    %broadcast_in_dim3A_118 = vector.shape_cast %reduce_sum3A_117 : vector<2000xf32> to vector<2000x1xf32>
    %div3A_119 = arith.constant 1.280000e+02 : f32
    %div3A_120 = vector.broadcast %div3A_119 : f32 to vector<2000x1xf32>
    %div3A_121 = arith.divf %broadcast_in_dim3A_118, %div3A_120 : vector<2000x1xf32>
    %sub3A_122 = vector.broadcast %div3A_114 : vector<2000x1xf32> to vector<2000x128xf32>
    %sub3A_123 = arith.subf %add3A_109, %sub3A_122 : vector<2000x128xf32>
    %add3A_124 = arith.constant 9.99999974E-6 : f32
    %add3A_125 = vector.broadcast %add3A_124 : f32 to vector<2000x1xf32>
    %add3A_126 = arith.addf %div3A_121, %add3A_125 : vector<2000x1xf32>
    %rsqrt3A = math.rsqrt %add3A_126 : vector<2000x1xf32>
    %mul3A = vector.broadcast %rsqrt3A : vector<2000x1xf32> to vector<2000x128xf32>
    %mul3A_127 = arith.mulf %sub3A_123, %mul3A : vector<2000x128xf32>
    %get3A_128 = arith.constant 0 : index
    %get3A_129 = arith.constant 0 : index
    %get3A_130 = vector.load %arg12[%get3A_128, %get3A_129] : memref<1x128xf32, #tpu.memory_space<vmem>>, vector<1x128xf32>
    %mul3A_131 = vector.broadcast %get3A_130 : vector<1x128xf32> to vector<2000x128xf32>
    %mul3A_132 = arith.mulf %mul3A_127, %mul3A_131 : vector<2000x128xf32>
    %get3A_133 = arith.constant 0 : index
    %get3A_134 = arith.constant 0 : index
    %get3A_135 = vector.load %arg13[%get3A_133, %get3A_134] : memref<1x128xf32, #tpu.memory_space<vmem>>, vector<1x128xf32>
    %add3A_136 = vector.broadcast %get3A_135 : vector<1x128xf32> to vector<2000x128xf32>
    %add3A_137 = arith.addf %mul3A_132, %add3A_136 : vector<2000x128xf32>
    %add3A_138 = arith.addf %get3A_1, %add3A_137 : vector<2000x128xf32>
    %swap3A = arith.constant 0 : index
    %swap3A_139 = arith.constant 0 : index
    %swap3A_140 = vector.load %arg14[%swap3A, %swap3A_139] : memref<2000x128xf32, #tpu.memory_space<vmem>>, vector<2000x128xf32>
    tpu.vector_store %arg14[%swap3A, %swap3A_139], %add3A_138 {strides = array<i32>} : memref<2000x128xf32, #tpu.memory_space<vmem>>, vector<2000x128xf32>,
    return
  }
  func.func @transform_0(%arg0: i32) -> (i32, i32) {
    %c0_i32 = arith.constant 0 : i32
    %c0_i32_0 = arith.constant 0 : i32
    return %arg0, %c0_i32 : i32, i32
  }
  func.func @transform_1(%arg0: i32) -> (i32, i32, i32) {
    %c0_i32 = arith.constant 0 : i32
    %c0_i32_0 = arith.constant 0 : i32
    %c0_i32_1 = arith.constant 0 : i32
    return %c0_i32, %arg0, %c0_i32_0 : i32, i32, i32
  }
  func.func @transform_2(%arg0: i32) -> (i32, i32, i32) {
    %add3A = arith.constant 5 : i32
    %add3A_0 = arith.addi %arg0, %add3A : i32
    %c0_i32 = arith.constant 0 : i32
    %c0_i32_1 = arith.constant 0 : i32
    %c0_i32_2 = arith.constant 0 : i32
    return %c0_i32, %add3A_0, %c0_i32_1 : i32, i32, i32
  }
  func.func @transform_3(%arg0: i32) -> (i32, i32, i32) {
    %c0_i32 = arith.constant 0 : i32
    %c0_i32_0 = arith.constant 0 : i32
    %c0_i32_1 = arith.constant 0 : i32
    return %c0_i32, %arg0, %c0_i32_0 : i32, i32, i32
  }
  func.func @transform_4(%arg0: i32) -> (i32, i32, i32) {
    %add3A = arith.constant 5 : i32
    %add3A_0 = arith.addi %arg0, %add3A : i32
    %c0_i32 = arith.constant 0 : i32
    %c0_i32_1 = arith.constant 0 : i32
    %c0_i32_2 = arith.constant 0 : i32
    return %c0_i32, %add3A_0, %c0_i32_1 : i32, i32, i32
  }
  func.func @transform_5(%arg0: i32) -> (i32, i32) {
    %c0_i32 = arith.constant 0 : i32
    %c0_i32_0 = arith.constant 0 : i32
    %c0_i32_1 = arith.constant 0 : i32
    return %c0_i32, %c0_i32_0 : i32, i32
  }
  func.func @transform_6(%arg0: i32) -> (i32, i32) {
    %c0_i32 = arith.constant 0 : i32
    %c0_i32_0 = arith.constant 0 : i32
    %c0_i32_1 = arith.constant 0 : i32
    return %c0_i32, %c0_i32_0 : i32, i32
  }
  func.func @transform_7(%arg0: i32) -> (i32, i32) {
    %c0_i32 = arith.constant 0 : i32
    %c0_i32_0 = arith.constant 0 : i32
    %c0_i32_1 = arith.constant 0 : i32
    return %c0_i32, %c0_i32_0 : i32, i32
  }
  func.func @transform_8(%arg0: i32) -> (i32, i32) {
    %c0_i32 = arith.constant 0 : i32
    %c0_i32_0 = arith.constant 0 : i32
    %c0_i32_1 = arith.constant 0 : i32
    return %c0_i32, %c0_i32_0 : i32, i32
  }
  func.func @transform_9(%arg0: i32) -> (i32, i32) {
    %c0_i32 = arith.constant 0 : i32
    %c0_i32_0 = arith.constant 0 : i32
    %c0_i32_1 = arith.constant 0 : i32
    return %c0_i32, %c0_i32_0 : i32, i32
  }
  func.func @transform_10(%arg0: i32) -> (i32, i32) {
    %c0_i32 = arith.constant 0 : i32
    %c0_i32_0 = arith.constant 0 : i32
    %c0_i32_1 = arith.constant 0 : i32
    return %c0_i32, %c0_i32_0 : i32, i32
  }
  func.func @transform_11(%arg0: i32) -> (i32, i32) {
    %c0_i32 = arith.constant 0 : i32
    %c0_i32_0 = arith.constant 0 : i32
    %c0_i32_1 = arith.constant 0 : i32
    return %c0_i32, %c0_i32_0 : i32, i32
  }
  func.func @transform_12(%arg0: i32) -> (i32, i32) {
    %c0_i32 = arith.constant 0 : i32
    %c0_i32_0 = arith.constant 0 : i32
    %c0_i32_1 = arith.constant 0 : i32
    return %c0_i32, %c0_i32_0 : i32, i32
  }
  func.func @transform_13(%arg0: i32) -> (i32, i32) {
    %c0_i32 = arith.constant 0 : i32
    %c0_i32_0 = arith.constant 0 : i32
    return %arg0, %c0_i32 : i32, i32
  }
}

</mosaic_0001>

<sc_bundles>
// kernel: kernel.10.cloned.1.call-start
scs
__scs_entry_jumppad:
0x0: {  	(pc) =	sbr.rel $0x88, $3  }
0x1: {  	(tag) =	ssettag $0x0;
	lr =	simm.s32 $0x1  }
0x2: {  	[smem:$0x3F8D] =	sst lr;
	_ =	strace $0xD0000000  }
0x3: {  	_ = 	snop  }
0x4: {  	_ = 	snop  }
0x5: {  	_ = 	snop  }
0x6: {  	_ = 	snop  }
0x7: {  	_ = 	snop  }
__scs_overlays_trampoline_lowered:
0x8: {  	[smem:$0x3F9C] =	sst s0  }
0x9: {  	[smem:$0x3F9D] =	sst s1  }
0xa: {  	[smem:$0x3F9E] =	sst s2  }
0xb: {  	[smem:$0x3F9F] =	sst s3  }
0xc: {  	[smem:$0x3FA0] =	sst s4  }
0xd: {  	[smem:$0x3FA1] =	sst s5  }
0xe: {  	[smem:$0x3FA2] =	sst s6  }
0xf: {  	[smem:$0x3FA3] =	sst s7  }
0x10: {  	[smem:$0x3FA4] =	sst s8  }
0x11: {  	[smem:$0x3FA5] =	sst s9;
	s0 =	simm.s32 @!p0 $0x0  }
0x12: {  	s1 =	sld [smem:$0x3F8B];
	s0 =	simm.s32 @p0 $0x1  }
0x13: {  	[smem:$0x3FA6] =	sst s0;
	s0 =	simm.s32 @!p1 $0x0  }
0x14: {  	s2 =	sld [smem:$0x3F8A];
	s0 =	simm.s32 @p1 $0x1  }
0x15: {  	[smem:$0x3FA7] =	sst s0;
	s0 =	simm.s32 @!p2 $0x0  }
0x16: {  	s3 =	sld [smem:$0x3FDB];
	s0 =	simm.s32 @p2 $0x1  }
0x17: {  	s4 =	simm.s32 $0x1BF5;
	[smem:$0x3FA9] =	sst s0  }
0x18: {  	s0 =	sld [smem:$0x3F8C];
	_ =	swait.ge [sflag:s4], $0x0  }
0x19: {  	s7 =	sld [smem:$0x3F8D]  }
0x1a: {  	s8 =	sadd.s32 $0xFFFFE003, lr  }
0x1b: {  	s9 =	sadd.s32 $0xFFFFFEF7, lr;
	s5 =	simm.s32 $0xFFFFFFFF;
	p2 =	slt.u32 s8, $0xFFFFF086  }
0x1c: {  	p1 =	slt.u32 s9, $0xF7A;
	s5 =	simm.s32 @!p2 $0x0  }
0x1d: {  	s5 =	simm.s32 @p1 $0x1;
	p0 =	seq.s32 s7, s2  }
0x1e: {  	s7 =	smul.u32 @!p0 $0xF7A, s2;
	p2 =	seq.s32 @!p0 s5, $0x0  }
0x1f: {  	s9 =	smul.u32 $0xF7A, s1;
	s8 =	simm.s32 @!p0 $0x1BF5;
	p2 =	por !p2, p0  }
0x20: {  	[sflag:s8] =	ssyncset.s32 @!p0 $0xFFFFF086;
	s6 =	sadd.s32 @!p0 s3, s7;
	s7 =	simm.s32 @!p0 $0x108  }
0x21: {  	s3 =	sadd.s32 s3, s9;
	s6 =	sadd.s32 @!p0 $0x88, s6;
	s7 =	simm.s32 @p2 $0x1082  }
0x22: {  	[simem:s7], [sflag:s8] =	dma.local @!p0 [hbm:s6], $0xF7A  }
0x23: {  	s9 =	sor.u32 $0xD0000000, s2;
	s6 =	simm.s32 $0x108;
	_ =	swait.ge @!p0 [sflag:s8], $0x0  }
0x24: {  	s3 =	sadd.s32 $0x88, s3;
	s6 =	simm.s32 @!p1 $0x1082;
	[sflag:s4] =	ssyncset.s32 $0xFFFFF086  }
0x25: {  	[simem:s6], [sflag:s4] =	dma.local [hbm:s3], $0xF7A  }
0x26: {  	[smem:$0x3F8D] =	sst s1;
	(tag) =	ssettag s2;
	_ =	strace s9  }
0x27: {  	s1 =	sld [smem:$0x3F9D]  }
0x28: {  	s2 =	sld [smem:$0x3F9E]  }
0x29: {  	s4 =	sld [smem:$0x3FA0]  }
0x2a: {  	p0 =	seq.s32 s5, $0x0;
	s5 =	sld [smem:$0x3FA1]  }
0x2b: {  	s6 =	sld [smem:$0x3FA2]  }
0x2c: {  	s7 =	sld [smem:$0x3FA3]  }
0x2d: {  	s3 =	simm.s32 $0x108;
	s8 =	sld [smem:$0x3FA4]  }
0x2e: {  	s3 =	simm.s32 @!p0 $0x1082;
	s9 =	sld [smem:$0x3FA5]  }
0x2f: {  	lr =	sadd.s32 s0, s3;
	s0 =	sld [smem:$0x3F9C]  }
0x30: {  	s3 =	sld [smem:$0x3F9F]  }
0x31: {  	[smem:$0x3FA8] =	sst s10  }
0x32: {  	s10 =	sld [smem:$0x3FA6];
	_ =	sdelay $0x3  }
0x33: {  	p0 =	seq.s32 s10, $0x1;
	s10 =	sld [smem:$0x3FA8];
	_ =	sdelay $0x3  }
0x34: {  	[smem:$0x3FA8] =	sst s10  }
0x35: {  	s10 =	sld [smem:$0x3FA7];
	_ =	sdelay $0x3  }
0x36: {  	p1 =	seq.s32 s10, $0x1;
	s10 =	sld [smem:$0x3FA8];
	_ =	sdelay $0x3  }
0x37: {  	[smem:$0x3FA8] =	sst s10  }
0x38: {  	s10 =	sld [smem:$0x3FA9]  }
0x39: {  	_ = 	snop;
	(pc) =	sbr.ind lr, $3  }
0x3a: {  	_ = 	snop  }
0x3b: {  	_ = 	snop  }
0x3c: {  	p2 =	seq.s32 s10, $0x1;
	s10 =	sld [smem:$0x3FA8]  }
0x3d: {  	_ =	shalt  }
0x3e: {  	_ =	shalt  }
0x3f: {  	_ =	shalt  }
0x40: {  	_ =	shalt  }
0x41: {  	_ =	shalt  }
0x42: {  	_ =	shalt  }
0x43: {  	_ =	shalt  }
0x44: {  	_ =	shalt  }
0x45: {  	_ =	shalt  }
0x46: {  	_ =	shalt  }
0x47: {  	_ =	shalt  }
0x48: {  	_ =	shalt  }
0x49: {  	_ =	shalt  }
0x4a: {  	_ =	shalt  }
0x4b: {  	_ =	shalt  }
0x4c: {  	_ =	shalt  }
0x4d: {  	_ =	shalt  }
0x4e: {  	_ =	shalt  }
0x4f: {  	_ =	shalt  }
0x50: {  	_ =	shalt  }
0x51: {  	_ =	shalt  }
0x52: {  	_ =	shalt  }
0x53: {  	_ =	shalt  }
0x54: {  	_ =	shalt  }
0x55: {  	_ =	shalt  }
0x56: {  	_ =	shalt  }
0x57: {  	_ =	shalt  }
0x58: {  	_ =	shalt  }
0x59: {  	_ =	shalt  }
0x5a: {  	_ =	shalt  }
0x5b: {  	_ =	shalt  }
0x5c: {  	_ =	shalt  }
0x5d: {  	_ =	shalt  }
0x5e: {  	_ =	shalt  }
0x5f: {  	_ =	shalt  }
0x60: {  	_ =	shalt  }
0x61: {  	_ =	shalt  }
0x62: {  	_ =	shalt  }
0x63: {  	_ =	shalt  }
0x64: {  	_ =	shalt  }
0x65: {  	_ =	shalt  }
0x66: {  	_ =	shalt  }
0x67: {  	_ =	shalt  }
0x68: {  	_ =	shalt  }
0x69: {  	_ =	shalt  }
0x6a: {  	_ =	shalt  }
0x6b: {  	_ =	shalt  }
0x6c: {  	_ =	shalt  }
0x6d: {  	_ =	shalt  }
0x6e: {  	_ =	shalt  }
0x6f: {  	_ =	shalt  }
0x70: {  	_ =	shalt  }
0x71: {  	_ =	shalt  }
0x72: {  	_ =	shalt  }
0x73: {  	_ =	shalt  }
0x74: {  	_ =	shalt  }
0x75: {  	_ =	shalt  }
0x76: {  	_ =	shalt  }
0x77: {  	_ =	shalt  }
0x78: {  	_ =	shalt  }
0x79: {  	_ =	shalt  }
0x7a: {  	_ =	shalt  }
0x7b: {  	_ =	shalt  }
0x7c: {  	_ =	shalt  }
0x7d: {  	_ =	shalt  }
0x7e: {  	_ =	shalt  }
0x7f: {  	_ =	shalt  }
0x80: {  	_ =	shalt  }
0x81: {  	_ =	shalt  }
0x82: {  	_ =	shalt  }
0x83: {  	_ =	shalt  }
0x84: {  	_ =	shalt  }
0x85: {  	_ =	shalt  }
0x86: {  	_ =	shalt  }
0x87: {  	_ =	shalt  }
.Lfunc_end0:
.L_simem_size_0:
called_computation_lowered:
.L_overlay_start_0:
0x88: {  	s2 =	sld [smem:$0x3FD9]  }
0x89: {  	s3 =	sld [smem:$0x3FFE];
	_ =	sdelay $0x1  }
0x8a: {  	s1 =	srdreg.scid  }
0x8b: {  	s0 =	sand.u32 $0x1, s1  }
0x8c: {  	s15 =	sshll.u32 s0, $0xA;
	s2 =	sadd.s32 s3, s2  }
0x8d: {  	s2 =	sadd.s32 s2, s15  }
0x8e: {  	[smem:$0x3FB4] =	sst s2  }
0x8f: {  	_ = 	snop  }
0x90: {  	s4 =	sld [smem:$0x3FD0];
	_ =	sdelay $0x1  }
0x91: {  	s2 =	sld [smem:$0x3FC7]  }
0x92: {  	s6 =	simm.s32 $0xB;
	s5 =	simm.s32 $0x10;
	s16 =	sld [smem:$0x3FC6]  }
0x93: {  	[smem:s5], [sflag:s6] =	dma.local [hbm:s4], $0x1  }
0x94: {  	_ =	swait.eq [sflag:s6], $0x1  }
0x95: {  	[sflag:s6] =	ssyncset.done $0x0  }
0x96: {  	s17 =	sld [smem:$0x10];
	[sflag:s6] =	ssyncadd.s32 $0xFFFFFFFF  }
0x97: {  	s18 =	sld [smem:$0x11];
	(tm) =	ssettm $0x1  }
0x98: {  	s19 =	sld [smem:$0x3FFB];
	_ =	sdelay $0x3  }
0x99: {  	_ =	strace s19  }
0x9a: {  	s4 =	sld [smem:$0x3FFC];
	_ =	sdelay $0x3  }
0x9b: {  	_ =	strace s4  }
0x9c: {  	s4 =	sld [smem:$0x3FFD];
	_ =	sdelay $0x3  }
0x9d: {  	_ =	strace s4  }
0x9e: {  	_ =	strace $0x8FFFFFFF  }
0x9f: {  	s20 =	sld [smem:$0x3FDB];
	_ =	sdelay $0x1  }
0xa0: {  	s7 =	simm.s32 $_scs_section_size  }
0xa1: {  	s8 =	simm.s32 $_size__tile_overlayer_lowered;
	s9 =	simm.s32 $_tile_overlayer_lowered  }
0xa2: {  	s10 =	simm.s32 $0x1BFF;
	s21 =	sshll.u32 s9, $0x1;
	s7 =	sadd.s32 s7, s20  }
0xa3: {  	s22 =	simm.s32 $0x0;
	s8 =	sshll.u32 s8, $0x1;
	s9 =	sadd.s32 s21, s7  }
0xa4: {  	[timem:s22], [sflag:s10] =	dma.local [hbm:s9], s8  }
0xa5: {  	_ =	swait.ge [sflag:s10], s8  }
0xa6: {  	s8 =	ssub.s32 $0x0, s8;
	[sflag:s10] =	ssyncset.done $0x0  }
0xa7: {  	[sflag:s10] =	ssyncadd.s32 s8;
	_ =	sdelay $0x1  }
0xa8: {  	s23 =	simm.s32 $0x1B8B  }
0xa9: {  	_ =	swait.ge [sflag:s23], $0x1  }
0xaa: {  	[sflag:s23] =	ssyncset.done $0x0  }
0xab: {  	[sflag:s23] =	ssyncadd.s32 $0xFFFFFFFF  }
0xac: {  	s8 =	sld [smem:$0x0]  }
0xad: {  	s9 =	sand.u32 $0xFFFFFFFE, s1  }
0xae: {  	p0 =	sne.s32 s1, s9  }
0xaf: {  	s9 =	sshll.u32 @p0 s9, $0xE  }
0xb0: {  	s9 =	sadd.s32 @p0 $0x11B8D, s9;
	s10 =	sshll.u32 @p0 s8, $0x11  }
0xb1: {  	s9 =	sor.u32 @p0 s10, s9  }
0xb2: {  	[sflag:s9] =	ssyncadd.remote.s32 @p0 $0x1;
	_ =	sdelay $0x1  }
0xb3: {  	s9 =	simm.s32 @p0 $0x1B8D  }
0xb4: {  	_ =	swait.eq @p0 [sflag:s9], $0x1  }
0xb5: {  	[sflag:s9] =	ssyncadd.s32 @p0 $0xFFFFFFFF  }
0xb6: {  	s10 =	sshll.u32 @!p0 s1, $0xE  }
0xb7: {  	s10 =	sor.u32 @!p0 $0x4000, s10;
	s9 =	simm.s32 @!p0 $0x1B8D  }
0xb8: {  	s8 =	sshll.u32 @!p0 s8, $0x11;
	s10 =	sadd.s32 @!p0 $0x11B8D, s10;
	_ =	swait.eq @!p0 [sflag:s9], $0x1  }
0xb9: {  	s8 =	sor.u32 @!p0 s8, s10;
	[sflag:s9] =	ssyncadd.s32 @!p0 $0xFFFFFFFF  }
0xba: {  	s25 =	simm.s32 $0x1B8E;
	s24 =	sld [smem:$0x3FFE];
	[sflag:s8] =	ssyncadd.remote.s32 @!p0 $0x1  }
0xbb: {  	s26 =	simm.s32 $execute0_lowered;
	[smem:$0x3FD2] =	sst s25  }
0xbc: {  	s9 =	sshll.u32 s26, $0x1;
	_ =	strace $0x80000049;
	[dreg:$0x1] =	wrdreg $0xFFFFFFFF  }
0xbd: {  	s28 =	simm.s32 $_size_execute0_lowered;
	s7 =	sadd.s32 s7, s9;
	[dreg:$0x0] =	wrdreg $0x0  }
0xbe: {  	s9 =	sshll.u32 s28, $0x1;
	[dreg:$0x2] =	wrdreg s7  }
0xbf: {  	[dreg:$0x3] =	wrdreg s9  }
0xc0: {  	[dreg:$0x4] =	wrdreg $0xC0  }
0xc1: {  	_ =	task [dreg:s22], $0x5FFFF  }
0xc2: {  	[dreg:$0x1] =	wrdreg $0xFFFFFFFF  }
0xc3: {  	[dreg:$0x0] =	wrdreg $0x60  }
0xc4: {  	[dreg:$0x2] =	wrdreg s17  }
0xc5: {  	[dreg:$0x3] =	wrdreg s18  }
0xc6: {  	[dreg:$0x4] =	wrdreg s2  }
0xc7: {  	[dreg:$0x5] =	wrdreg s16  }
0xc8: {  	[dreg:$0x6] =	wrdreg s24  }
0xc9: {  	[dreg:$0x7] =	wrdreg $0x9  }
0xca: {  	_ =	task.clear_ibuf [dreg:s22], $0x8FFFF;
	_ =	strace $0x90000049  }
0xcb: {  	s29 =	simm.s32 $0x9;
	_ =	strace $0x8000004B  }
0xcc: {  	_ =	swait.ge [sflag:s29], $0x1  }
0xcd: {  	[sflag:s29] =	ssyncadd.s32 $0xFFFFFFFF  }
0xce: {  	_ =	strace $0x9000004B  }
0xcf: {  	_ =	sfence  }
0xd0: {  	s30 =	sld [smem:$0x0];
	_ =	sdelay $0x2  }
0xd1: {  	s31 =	sshll.u32 s1, $0xD;
	s1 =	sshrl.u32 s1, $0x2  }
0xd2: {  	s3 =	sand.u32 $0x4000, s31;
	s1 =	sadd.s32 s1, s30  }
0xd3: {  	s0 =	sor.u32 s3, s0;
	s1 =	sshll.u32 s1, $0x11  }
0xd4: {  	s0 =	sor.u32 s1, s0  }
0xd5: {  	s0 =	sadd.s32 $0x8F2B, s0  }
0xd6: {  	[sflag:s0] =	ssyncadd.remote.s32 $0x1  }
0xd7: {  	_ =	sfence.sel $0xFFFF  }
0xd8: {  	[dreg:$0x0] =	wrdreg $0xFFFFFFFF;
	(pc) =	sbr.abs _section_cstart, $3  }
0xd9: {  	[dreg:$0x1] =	wrdreg $0xFFFFFFFF  }
0xda: {  	_ =	task.clear_ibuf [dreg:s22], $0x2FFFF;
	_ =	strace $0x9FFFFFFF  }
0xdb: {  	(tm) =	ssettm $0x7FFFFFFF  }
tec
execute0_lowered:
.L_overlay_start_1:
0x0: {  	(tag) =	ssettag $0x1  }
0x1: {  	s1 =	rddreg [dreg:$0x0]  }
0x2: {  	s2 =	rddreg [dreg:$0x1]  }
0x3: {  	s9 =	rddreg [dreg:$0x2]  }
0x4: {  	s0 =	stileid.u32;
	s8 =	rddreg [dreg:$0x3]  }
0x5: {  	s3 =	srdreg.scid;
	s7 =	rddreg [dreg:$0x4]  }
0x6: {  	s4 =	simm.s32 $0x0;
	s13 =	simm.s32 $0x2A00;
	s14 =	simm.s32 $0xA0  }
0x7: {  	s15 =	simm.s32 $0x5200;
	s16 =	simm.s32 $0xF0;
	s17 =	simm.s32 $0x7A00  }
0x8: {  	s18 =	simm.s32 $0x140;
	s19 =	simm.s32 $0xA200;
	s5 =	smul.u32 $0x28A00, s0  }
0x9: {  	s20 =	simm.s32 $0x1;
	s6 =	sand.u32 $0x1, s3;
	s11 =	smul.u32 $0x28A0, s0  }
0xa: {  	s21 =	simm.s32 $0x0;
	s3 =	rddreg [dreg:$0x5];
	s10 =	smul.u32 $0x14500, s6  }
0xb: {  	[smem:$0x7FF] =	sst s4;
	s12 =	ssub.s32 $0x2, s6;
	s6 =	smul.u32 $0x1450, s6  }
0xc: {  	_ =	strace $0x8000004A;
	s5 =	sadd.s32 s5, s7;
	s31 =	sshrl.u32 s12, $0x1  }
0xd: {  	s7 =	ssub.s32 s12, s31;
	s10 =	sadd.s32 s10, s5;
	s11 =	sadd.s32 s6, s11  }
0xe: {  	s12 =	simm.s32 $0x200;
	s5 =	smax.u32 s7, $0x1;
	s6 =	sadd.s32 $0x4B6200, s10  }
0xf: {  	s11 =	sshrl.u32 s11, $0x3;
	s7 =	sadd.s32 $0x740200, s10;
	s10 =	simm.s32 $0x2  }
0x10: {  	s8 =	sadd.s32 s11, s8;
	s9 =	sadd.s32 s11, s9;
	s11 =	simm.s32 $0x50  }
.LBB2_1:
0x11: {  	s22 =	sadd.s32 $0x0, s9  }
0x12: {  	[tilespmem:s4], [sflag:$0x2] =	stream.linear.gather [hbm4b:s22+s4], $0x190, $0x38;
	[tilespmem:$0xCA00] =	vst v63  }
0x13: {  	_ =	swait.ge [sflag:s10], $0x190  }
0x14: {  	[sflag:s10] =	ssyncset.done $0x0  }
0x15: {  	[sflag:s10] =	ssyncadd.s32 $0xFFFFFE70  }
0x16: {  	[tilespmem:s12], [sflag:$0x1] =	stream.indirect.gather [hbm4b:s1+s11], $0x80, s4, s11, $0xb8;
	[tilespmem:$0xCA00] =	vst v63  }
0x17: {  	_ = 	snop  }
0x18: {  	[tilespmem:s13], [sflag:$0x1] =	stream.indirect.gather [hbm4b:s1+s11], $0x80, s11, s11, $0xb8;
	[tilespmem:$0xCA00] =	vst v63  }
0x19: {  	_ = 	snop  }
0x1a: {  	[tilespmem:s15], [sflag:$0x1] =	stream.indirect.gather [hbm4b:s1+s11], $0x80, s14, s11, $0xb8;
	[tilespmem:$0xCA00] =	vst v63  }
0x1b: {  	_ = 	snop  }
0x1c: {  	[tilespmem:s17], [sflag:$0x1] =	stream.indirect.gather [hbm4b:s1+s11], $0x80, s16, s11, $0xb8;
	[tilespmem:$0xCA00] =	vst v63  }
0x1d: {  	_ = 	snop  }
0x1e: {  	[tilespmem:s19], [sflag:$0x1] =	stream.indirect.gather [hbm4b:s1+s11], $0x80, s18, s11, $0xb8;
	[tilespmem:$0xCA00] =	vst v63  }
0x1f: {  	_ =	swait.ge [sflag:s20], $0x2800  }
0x20: {  	[sflag:s20] =	ssyncset.done $0x0  }
0x21: {  	[sflag:s20] =	ssyncadd.s32 $0xFFFFD800  }
0x22: {  	_ =	swait.ge [sflag:s20], $0x2800  }
0x23: {  	[sflag:s20] =	ssyncset.done $0x0  }
0x24: {  	[sflag:s20] =	ssyncadd.s32 $0xFFFFD800  }
0x25: {  	_ =	swait.ge [sflag:s20], $0x2800  }
0x26: {  	[sflag:s20] =	ssyncset.done $0x0  }
0x27: {  	[sflag:s20] =	ssyncadd.s32 $0xFFFFD800  }
0x28: {  	_ =	swait.ge [sflag:s20], $0x2800  }
0x29: {  	[sflag:s20] =	ssyncset.done $0x0  }
0x2a: {  	[sflag:s20] =	ssyncadd.s32 $0xFFFFD800  }
0x2b: {  	_ =	swait.ge [sflag:s20], $0x2800  }
0x2c: {  	[sflag:s20] =	ssyncset.done $0x0  }
0x2d: {  	[sflag:s20] =	ssyncadd.s32 $0xFFFFD800  }
0x2e: {  	[hbm4b:s6+s4] =	stream.linear.scatter [tilespmem:s12], [sflag:$0x2], $0xC800, $0x38;
	[tilespmem:$0xCA00] =	vst v63  }
0x2f: {  	_ =	swait.ge [sflag:s10], $0xC800  }
0x30: {  	[sflag:s10] =	ssyncset.done $0x0  }
0x31: {  	s31 =	sadd.s32 $0x0, s8;
	[sflag:s10] =	ssyncadd.s32 $0xFFFF3800  }
0x32: {  	[tilespmem:s4], [sflag:$0x2] =	stream.linear.gather [hbm4b:s31+s4], $0x190, $0x38;
	[tilespmem:$0xCA00] =	vst v63  }
0x33: {  	_ =	swait.ge [sflag:s10], $0x190  }
0x34: {  	[sflag:s10] =	ssyncset.done $0x0  }
0x35: {  	[sflag:s10] =	ssyncadd.s32 $0xFFFFFE70  }
0x36: {  	[tilespmem:s12], [sflag:$0x1] =	stream.indirect.gather [hbm4b:s2+s11], $0x80, s4, s11, $0xb8;
	[tilespmem:$0xCA00] =	vst v63  }
0x37: {  	_ = 	snop  }
0x38: {  	[tilespmem:s13], [sflag:$0x1] =	stream.indirect.gather [hbm4b:s2+s11], $0x80, s11, s11, $0xb8;
	[tilespmem:$0xCA00] =	vst v63  }
0x39: {  	_ = 	snop  }
0x3a: {  	[tilespmem:s15], [sflag:$0x1] =	stream.indirect.gather [hbm4b:s2+s11], $0x80, s14, s11, $0xb8;
	[tilespmem:$0xCA00] =	vst v63  }
0x3b: {  	_ = 	snop  }
0x3c: {  	[tilespmem:s17], [sflag:$0x1] =	stream.indirect.gather [hbm4b:s2+s11], $0x80, s16, s11, $0xb8;
	[tilespmem:$0xCA00] =	vst v63  }
0x3d: {  	_ = 	snop  }
0x3e: {  	[tilespmem:s19], [sflag:$0x1] =	stream.indirect.gather [hbm4b:s2+s11], $0x80, s18, s11, $0xb8;
	[tilespmem:$0xCA00] =	vst v63  }
0x3f: {  	_ =	swait.ge [sflag:s20], $0x2800  }
0x40: {  	[sflag:s20] =	ssyncset.done $0x0  }
0x41: {  	[sflag:s20] =	ssyncadd.s32 $0xFFFFD800  }
0x42: {  	_ =	swait.ge [sflag:s20], $0x2800  }
0x43: {  	[sflag:s20] =	ssyncset.done $0x0  }
0x44: {  	[sflag:s20] =	ssyncadd.s32 $0xFFFFD800  }
0x45: {  	_ =	swait.ge [sflag:s20], $0x2800  }
0x46: {  	[sflag:s20] =	ssyncset.done $0x0  }
0x47: {  	[sflag:s20] =	ssyncadd.s32 $0xFFFFD800  }
0x48: {  	_ =	swait.ge [sflag:s20], $0x2800  }
0x49: {  	[sflag:s20] =	ssyncset.done $0x0  }
0x4a: {  	[sflag:s20] =	ssyncadd.s32 $0xFFFFD800  }
0x4b: {  	_ =	swait.ge [sflag:s20], $0x2800  }
0x4c: {  	[sflag:s20] =	ssyncset.done $0x0  }
0x4d: {  	[sflag:s20] =	ssyncadd.s32 $0xFFFFD800  }
0x4e: {  	[hbm4b:s7+s4] =	stream.linear.scatter [tilespmem:s12], [sflag:$0x2], $0xC800, $0x38;
	[tilespmem:$0xCA00] =	vst v63  }
0x4f: {  	s23 =	simm.s32 $0x32;
	s28 =	simm.s32 $0x64;
	_ =	swait.ge [sflag:s10], $0xC800  }
0x50: {  	s24 =	sadd.s32 $0x1900, s6;
	s22 =	sadd.s32 $0x1900, s7;
	[sflag:s10] =	ssyncset.done $0x0  }
.LBB2_2:
0x51: {  	s29 =	sadd.s32 s23, s9  }
0x52: {  	[sflag:s10] =	ssyncadd.s32 $0xFFFF3800;
	s26 =	smov.u32 s28;
	s25 =	sadd.s32 $0x32, s28  }
0x53: {  	[tilespmem:s4], [sflag:$0x2] =	stream.linear.gather [hbm4b:s29+s4], $0x190, $0x38;
	[tilespmem:$0xCA00] =	vst v63  }
0x54: {  	p0 =	sne.s32 s28, $0x258;
	_ =	swait.ge [sflag:s10], $0x190  }
0x55: {  	[sflag:s10] =	ssyncset.done $0x0  }
0x56: {  	[sflag:s10] =	ssyncadd.s32 $0xFFFFFE70  }
0x57: {  	[tilespmem:s12], [sflag:$0x1] =	stream.indirect.gather [hbm4b:s1+s11], $0x80, s4, s11, $0xb8;
	[tilespmem:$0xCA00] =	vst v63  }
0x58: {  	_ = 	snop  }
0x59: {  	[tilespmem:s13], [sflag:$0x1] =	stream.indirect.gather [hbm4b:s1+s11], $0x80, s11, s11, $0xb8;
	[tilespmem:$0xCA00] =	vst v63  }
0x5a: {  	_ = 	snop  }
0x5b: {  	[tilespmem:s15], [sflag:$0x1] =	stream.indirect.gather [hbm4b:s1+s11], $0x80, s14, s11, $0xb8;
	[tilespmem:$0xCA00] =	vst v63  }
0x5c: {  	_ = 	snop  }
0x5d: {  	[tilespmem:s17], [sflag:$0x1] =	stream.indirect.gather [hbm4b:s1+s11], $0x80, s16, s11, $0xb8;
	[tilespmem:$0xCA00] =	vst v63  }
0x5e: {  	_ = 	snop  }
0x5f: {  	[tilespmem:s19], [sflag:$0x1] =	stream.indirect.gather [hbm4b:s1+s11], $0x80, s18, s11, $0xb8;
	[tilespmem:$0xCA00] =	vst v63  }
0x60: {  	_ =	swait.ge [sflag:s20], $0x2800  }
0x61: {  	[sflag:s20] =	ssyncset.done $0x0  }
0x62: {  	[sflag:s20] =	ssyncadd.s32 $0xFFFFD800  }
0x63: {  	_ =	swait.ge [sflag:s20], $0x2800  }
0x64: {  	[sflag:s20] =	ssyncset.done $0x0  }
0x65: {  	[sflag:s20] =	ssyncadd.s32 $0xFFFFD800  }
0x66: {  	_ =	swait.ge [sflag:s20], $0x2800  }
0x67: {  	[sflag:s20] =	ssyncset.done $0x0  }
0x68: {  	[sflag:s20] =	ssyncadd.s32 $0xFFFFD800  }
0x69: {  	_ =	swait.ge [sflag:s20], $0x2800  }
0x6a: {  	[sflag:s20] =	ssyncset.done $0x0  }
0x6b: {  	[sflag:s20] =	ssyncadd.s32 $0xFFFFD800  }
0x6c: {  	_ =	swait.ge [sflag:s20], $0x2800  }
0x6d: {  	[sflag:s20] =	ssyncset.done $0x0  }
0x6e: {  	[sflag:s20] =	ssyncadd.s32 $0xFFFFD800  }
0x6f: {  	[hbm4b:s24+s4] =	stream.linear.scatter [tilespmem:s12], [sflag:$0x2], $0xC800, $0x38;
	[tilespmem:$0xCA00] =	vst v63  }
0x70: {  	_ =	swait.ge [sflag:s10], $0xC800  }
0x71: {  	[sflag:s10] =	ssyncset.done $0x0  }
0x72: {  	s28 =	sadd.s32 s23, s8;
	s23 =	smov.u32 s26;
	[sflag:s10] =	ssyncadd.s32 $0xFFFF3800  }
0x73: {  	[tilespmem:s4], [sflag:$0x2] =	stream.linear.gather [hbm4b:s28+s4], $0x190, $0x38;
	[tilespmem:$0xCA00] =	vst v63  }
0x74: {  	_ =	swait.ge [sflag:s10], $0x190  }
0x75: {  	[sflag:s10] =	ssyncset.done $0x0  }
0x76: {  	[sflag:s10] =	ssyncadd.s32 $0xFFFFFE70  }
0x77: {  	[tilespmem:s12], [sflag:$0x1] =	stream.indirect.gather [hbm4b:s2+s11], $0x80, s4, s11, $0xb8;
	[tilespmem:$0xCA00] =	vst v63  }
0x78: {  	_ = 	snop  }
0x79: {  	[tilespmem:s13], [sflag:$0x1] =	stream.indirect.gather [hbm4b:s2+s11], $0x80, s11, s11, $0xb8;
	[tilespmem:$0xCA00] =	vst v63  }
0x7a: {  	_ = 	snop  }
0x7b: {  	[tilespmem:s15], [sflag:$0x1] =	stream.indirect.gather [hbm4b:s2+s11], $0x80, s14, s11, $0xb8;
	[tilespmem:$0xCA00] =	vst v63  }
0x7c: {  	_ = 	snop  }
0x7d: {  	[tilespmem:s17], [sflag:$0x1] =	stream.indirect.gather [hbm4b:s2+s11], $0x80, s16, s11, $0xb8;
	[tilespmem:$0xCA00] =	vst v63  }
0x7e: {  	_ = 	snop  }
0x7f: {  	[tilespmem:s19], [sflag:$0x1] =	stream.indirect.gather [hbm4b:s2+s11], $0x80, s18, s11, $0xb8;
	[tilespmem:$0xCA00] =	vst v63  }
0x80: {  	_ =	swait.ge [sflag:s20], $0x2800  }
0x81: {  	[sflag:s20] =	ssyncset.done $0x0  }
0x82: {  	[sflag:s20] =	ssyncadd.s32 $0xFFFFD800  }
0x83: {  	_ =	swait.ge [sflag:s20], $0x2800  }
0x84: {  	[sflag:s20] =	ssyncset.done $0x0  }
0x85: {  	[sflag:s20] =	ssyncadd.s32 $0xFFFFD800  }
0x86: {  	_ =	swait.ge [sflag:s20], $0x2800  }
0x87: {  	[sflag:s20] =	ssyncset.done $0x0  }
0x88: {  	[sflag:s20] =	ssyncadd.s32 $0xFFFFD800  }
0x89: {  	_ =	swait.ge [sflag:s20], $0x2800  }
0x8a: {  	[sflag:s20] =	ssyncset.done $0x0  }
0x8b: {  	[sflag:s20] =	ssyncadd.s32 $0xFFFFD800  }
0x8c: {  	_ =	swait.ge [sflag:s20], $0x2800  }
.Ltmp0:
0x8d: {  	[sflag:s20] =	ssyncset.done $0x0;
	(pc) =	sbr.rel @p0 .LBB2_2-.Ltmp0, $4  }
0x8e: {  	[sflag:s20] =	ssyncadd.s32 $0xFFFFD800  }
0x8f: {  	[hbm4b:s22+s4] =	stream.linear.scatter [tilespmem:s12], [sflag:$0x2], $0xC800, $0x38;
	[tilespmem:$0xCA00] =	vst v63  }
0x90: {  	s24 =	sadd.s32 $0x1900, s24;
	_ =	swait.ge [sflag:s10], $0xC800  }
0x91: {  	s28 =	smov.u32 s25;
	s22 =	sadd.s32 $0x1900, s22;
	[sflag:s10] =	ssyncset.done $0x0  }
0x92: {  	s25 =	sadd.s32 s23, s9;
	[sflag:s10] =	ssyncadd.s32 $0xFFFF3800  }
0x93: {  	[tilespmem:s4], [sflag:$0x2] =	stream.linear.gather [hbm4b:s25+s4], $0x190, $0x38;
	[tilespmem:$0xCA00] =	vst v63  }
0x94: {  	_ =	swait.ge [sflag:s10], $0x190  }
0x95: {  	[sflag:s10] =	ssyncset.done $0x0  }
0x96: {  	[sflag:s10] =	ssyncadd.s32 $0xFFFFFE70  }
0x97: {  	[tilespmem:s12], [sflag:$0x1] =	stream.indirect.gather [hbm4b:s1+s11], $0x80, s4, s11, $0xb8;
	[tilespmem:$0xCA00] =	vst v63  }
0x98: {  	_ = 	snop  }
0x99: {  	[tilespmem:s13], [sflag:$0x1] =	stream.indirect.gather [hbm4b:s1+s11], $0x80, s11, s11, $0xb8;
	[tilespmem:$0xCA00] =	vst v63  }
0x9a: {  	_ = 	snop  }
0x9b: {  	[tilespmem:s15], [sflag:$0x1] =	stream.indirect.gather [hbm4b:s1+s11], $0x80, s14, s11, $0xb8;
	[tilespmem:$0xCA00] =	vst v63  }
0x9c: {  	_ = 	snop  }
0x9d: {  	[tilespmem:s17], [sflag:$0x1] =	stream.indirect.gather [hbm4b:s1+s11], $0x80, s16, s11, $0xb8;
	[tilespmem:$0xCA00] =	vst v63  }
0x9e: {  	_ = 	snop  }
0x9f: {  	[tilespmem:s19], [sflag:$0x1] =	stream.indirect.gather [hbm4b:s1+s11], $0x80, s18, s11, $0xb8;
	[tilespmem:$0xCA00] =	vst v63  }
0xa0: {  	_ =	swait.ge [sflag:s20], $0x2800  }
0xa1: {  	[sflag:s20] =	ssyncset.done $0x0  }
0xa2: {  	[sflag:s20] =	ssyncadd.s32 $0xFFFFD800  }
0xa3: {  	_ =	swait.ge [sflag:s20], $0x2800  }
0xa4: {  	[sflag:s20] =	ssyncset.done $0x0  }
0xa5: {  	[sflag:s20] =	ssyncadd.s32 $0xFFFFD800  }
0xa6: {  	_ =	swait.ge [sflag:s20], $0x2800  }
0xa7: {  	[sflag:s20] =	ssyncset.done $0x0  }
0xa8: {  	[sflag:s20] =	ssyncadd.s32 $0xFFFFD800  }
0xa9: {  	_ =	swait.ge [sflag:s20], $0x2800  }
0xaa: {  	[sflag:s20] =	ssyncset.done $0x0  }
0xab: {  	[sflag:s20] =	ssyncadd.s32 $0xFFFFD800  }
0xac: {  	_ =	swait.ge [sflag:s20], $0x2800  }
0xad: {  	[sflag:s20] =	ssyncset.done $0x0  }
0xae: {  	[sflag:s20] =	ssyncadd.s32 $0xFFFFD800  }
0xaf: {  	[hbm4b:s24+s4] =	stream.linear.scatter [tilespmem:s12], [sflag:$0x2], $0xC800, $0x38;
	[tilespmem:$0xCA00] =	vst v63  }
0xb0: {  	_ =	swait.ge [sflag:s10], $0xC800  }
0xb1: {  	[sflag:s10] =	ssyncset.done $0x0  }
0xb2: {  	s31 =	sadd.s32 s23, s8;
	[sflag:s10] =	ssyncadd.s32 $0xFFFF3800  }
0xb3: {  	[tilespmem:s4], [sflag:$0x2] =	stream.linear.gather [hbm4b:s31+s4], $0x190, $0x38;
	[tilespmem:$0xCA00] =	vst v63  }
0xb4: {  	_ =	swait.ge [sflag:s10], $0x190  }
0xb5: {  	[sflag:s10] =	ssyncset.done $0x0  }
0xb6: {  	[sflag:s10] =	ssyncadd.s32 $0xFFFFFE70  }
0xb7: {  	[tilespmem:s12], [sflag:$0x1] =	stream.indirect.gather [hbm4b:s2+s11], $0x80, s4, s11, $0xb8;
	[tilespmem:$0xCA00] =	vst v63  }
0xb8: {  	_ = 	snop  }
0xb9: {  	[tilespmem:s13], [sflag:$0x1] =	stream.indirect.gather [hbm4b:s2+s11], $0x80, s11, s11, $0xb8;
	[tilespmem:$0xCA00] =	vst v63  }
0xba: {  	_ = 	snop  }
0xbb: {  	[tilespmem:s15], [sflag:$0x1] =	stream.indirect.gather [hbm4b:s2+s11], $0x80, s14, s11, $0xb8;
	[tilespmem:$0xCA00] =	vst v63  }
0xbc: {  	_ = 	snop  }
0xbd: {  	[tilespmem:s17], [sflag:$0x1] =	stream.indirect.gather [hbm4b:s2+s11], $0x80, s16, s11, $0xb8;
	[tilespmem:$0xCA00] =	vst v63  }
0xbe: {  	_ = 	snop  }
0xbf: {  	[tilespmem:s19], [sflag:$0x1] =	stream.indirect.gather [hbm4b:s2+s11], $0x80, s18, s11, $0xb8;
	[tilespmem:$0xCA00] =	vst v63  }
0xc0: {  	_ =	swait.ge [sflag:s20], $0x2800  }
0xc1: {  	[sflag:s20] =	ssyncset.done $0x0  }
0xc2: {  	[sflag:s20] =	ssyncadd.s32 $0xFFFFD800  }
0xc3: {  	_ =	swait.ge [sflag:s20], $0x2800  }
0xc4: {  	[sflag:s20] =	ssyncset.done $0x0  }
0xc5: {  	[sflag:s20] =	ssyncadd.s32 $0xFFFFD800  }
0xc6: {  	_ =	swait.ge [sflag:s20], $0x2800  }
0xc7: {  	[sflag:s20] =	ssyncset.done $0x0  }
0xc8: {  	[sflag:s20] =	ssyncadd.s32 $0xFFFFD800  }
0xc9: {  	_ =	swait.ge [sflag:s20], $0x2800  }
0xca: {  	[sflag:s20] =	ssyncset.done $0x0  }
0xcb: {  	[sflag:s20] =	ssyncadd.s32 $0xFFFFD800  }
0xcc: {  	s21 =	sadd.s32 $0x1, s21;
	_ =	swait.ge [sflag:s20], $0x2800  }
0xcd: {  	p0 =	sne.s32 s21, s5;
	[sflag:s20] =	ssyncset.done $0x0  }
.Ltmp1:
0xce: {  	[sflag:s20] =	ssyncadd.s32 $0xFFFFD800;
	(pc) =	sbr.rel @p0 .LBB2_1-.Ltmp1, $4  }
0xcf: {  	[hbm4b:s22+s4] =	stream.linear.scatter [tilespmem:s12], [sflag:$0x2], $0xC800, $0x38;
	[tilespmem:$0xCA00] =	vst v63  }
0xd0: {  	_ =	swait.ge [sflag:s10], $0xC800  }
0xd1: {  	[sflag:s10] =	ssyncset.done $0x0  }
0xd2: {  	[sflag:s10] =	ssyncadd.s32 $0xFFFF3800  }
0xd3: {  	_ =	sfence.sel $0x180000  }
0xd4: {  	[bflag:$0x0] =	sbarrier.arrive $0xFFFF  }
0xd5: {  	p0 =	sne.s32 s0, $0x0;
	_ =	strace $0x9000004A  }
0xd6: {  	s0 =	sadd.s32 @!p0 $0x100000, s3;
	[bflag:$0x2] =	sbarrier.arrive $0xFFFF  }
0xd7: {  	[sflag:s0] =	ssyncadd.tile.s32 @!p0 $0x1;
	_ =	shalt  }
.Lfunc_end2:
_tile_overlayer_lowered:
.L_overlay_start_2:
0xd8: {  	(tag) =	ssettag $0x2  }
0xd9: {  	s0 =	rddreg [dreg:$0x0];
	s2 =	stileid.u32  }
0xda: {  	s1 =	rddreg [dreg:$0x1];
	p0 =	sne.s32 s2, $0x0  }
0xdb: {  	s3 =	rddreg [dreg:$0x2];
	[bflag:$0x3] =	sbarrier.arrive $0xFFFF;
	s2 =	simm.s32 @!p0 $0x1C02  }
0xdc: {  	[timem:s3], [sflag:s2] =	dma.local @!p0 [hbm:s0], s1  }
0xdd: {  	s0 =	simm.s32 @!p0 $0x2  }
0xde: {  	_ =	swait.ge @!p0 [sflag:s0], s1  }
0xdf: {  	s1 =	ssub.s32 @!p0 $0x0, s1;
	[sflag:s0] =	ssyncset.done @!p0 $0x0  }
0xe0: {  	[sflag:s0] =	ssyncadd.s32 @!p0 s1  }
0xe1: {  	[bflag:$0x3] =	sbarrier.arrive $0xFFFF  }
0xe2: {  	_ =	shalt  }

// kernel: kernel.13.cloned.1.call-start
scs
__scs_entry_jumppad:
0x0: {  	(pc) =	sbr.rel $0x88, $3  }
0x1: {  	(tag) =	ssettag $0x0;
	lr =	simm.s32 $0x1  }
0x2: {  	[smem:$0x3F8D] =	sst lr;
	_ =	strace $0xD0000000  }
0x3: {  	_ = 	snop  }
0x4: {  	_ = 	snop  }
0x5: {  	_ = 	snop  }
0x6: {  	_ = 	snop  }
0x7: {  	_ = 	snop  }
__scs_overlays_trampoline_lowered:
0x8: {  	[smem:$0x3F9C] =	sst s0  }
0x9: {  	[smem:$0x3F9D] =	sst s1  }
0xa: {  	[smem:$0x3F9E] =	sst s2  }
0xb: {  	[smem:$0x3F9F] =	sst s3  }
0xc: {  	[smem:$0x3FA0] =	sst s4  }
0xd: {  	[smem:$0x3FA1] =	sst s5  }
0xe: {  	[smem:$0x3FA2] =	sst s6  }
0xf: {  	[smem:$0x3FA3] =	sst s7  }
0x10: {  	[smem:$0x3FA4] =	sst s8  }
0x11: {  	[smem:$0x3FA5] =	sst s9;
	s0 =	simm.s32 @!p0 $0x0  }
0x12: {  	s1 =	sld [smem:$0x3F8B];
	s0 =	simm.s32 @p0 $0x1  }
0x13: {  	[smem:$0x3FA6] =	sst s0;
	s0 =	simm.s32 @!p1 $0x0  }
0x14: {  	s2 =	sld [smem:$0x3F8A];
	s0 =	simm.s32 @p1 $0x1  }
0x15: {  	[smem:$0x3FA7] =	sst s0;
	s0 =	simm.s32 @!p2 $0x0  }
0x16: {  	s3 =	sld [smem:$0x3FDB];
	s0 =	simm.s32 @p2 $0x1  }
0x17: {  	s4 =	simm.s32 $0x1BF5;
	[smem:$0x3FA9] =	sst s0  }
0x18: {  	s0 =	sld [smem:$0x3F8C];
	_ =	swait.ge [sflag:s4], $0x0  }
0x19: {  	s7 =	sld [smem:$0x3F8D]  }
0x1a: {  	s8 =	sadd.s32 $0xFFFFE003, lr  }
0x1b: {  	s9 =	sadd.s32 $0xFFFFFEF7, lr;
	s5 =	simm.s32 $0xFFFFFFFF;
	p2 =	slt.u32 s8, $0xFFFFF086  }
0x1c: {  	p1 =	slt.u32 s9, $0xF7A;
	s5 =	simm.s32 @!p2 $0x0  }
0x1d: {  	s5 =	simm.s32 @p1 $0x1;
	p0 =	seq.s32 s7, s2  }
0x1e: {  	s7 =	smul.u32 @!p0 $0xF7A, s2;
	p2 =	seq.s32 @!p0 s5, $0x0  }
0x1f: {  	s9 =	smul.u32 $0xF7A, s1;
	s8 =	simm.s32 @!p0 $0x1BF5;
	p2 =	por !p2, p0  }
0x20: {  	[sflag:s8] =	ssyncset.s32 @!p0 $0xFFFFF086;
	s6 =	sadd.s32 @!p0 s3, s7;
	s7 =	simm.s32 @!p0 $0x108  }
0x21: {  	s3 =	sadd.s32 s3, s9;
	s6 =	sadd.s32 @!p0 $0x88, s6;
	s7 =	simm.s32 @p2 $0x1082  }
0x22: {  	[simem:s7], [sflag:s8] =	dma.local @!p0 [hbm:s6], $0xF7A  }
0x23: {  	s9 =	sor.u32 $0xD0000000, s2;
	s6 =	simm.s32 $0x108;
	_ =	swait.ge @!p0 [sflag:s8], $0x0  }
0x24: {  	s3 =	sadd.s32 $0x88, s3;
	s6 =	simm.s32 @!p1 $0x1082;
	[sflag:s4] =	ssyncset.s32 $0xFFFFF086  }
0x25: {  	[simem:s6], [sflag:s4] =	dma.local [hbm:s3], $0xF7A  }
0x26: {  	[smem:$0x3F8D] =	sst s1;
	(tag) =	ssettag s2;
	_ =	strace s9  }
0x27: {  	s1 =	sld [smem:$0x3F9D]  }
0x28: {  	s2 =	sld [smem:$0x3F9E]  }
0x29: {  	s4 =	sld [smem:$0x3FA0]  }
0x2a: {  	p0 =	seq.s32 s5, $0x0;
	s5 =	sld [smem:$0x3FA1]  }
0x2b: {  	s6 =	sld [smem:$0x3FA2]  }
0x2c: {  	s7 =	sld [smem:$0x3FA3]  }
0x2d: {  	s3 =	simm.s32 $0x108;
	s8 =	sld [smem:$0x3FA4]  }
0x2e: {  	s3 =	simm.s32 @!p0 $0x1082;
	s9 =	sld [smem:$0x3FA5]  }
0x2f: {  	lr =	sadd.s32 s0, s3;
	s0 =	sld [smem:$0x3F9C]  }
0x30: {  	s3 =	sld [smem:$0x3F9F]  }
0x31: {  	[smem:$0x3FA8] =	sst s10  }
0x32: {  	s10 =	sld [smem:$0x3FA6];
	_ =	sdelay $0x3  }
0x33: {  	p0 =	seq.s32 s10, $0x1;
	s10 =	sld [smem:$0x3FA8];
	_ =	sdelay $0x3  }
0x34: {  	[smem:$0x3FA8] =	sst s10  }
0x35: {  	s10 =	sld [smem:$0x3FA7];
	_ =	sdelay $0x3  }
0x36: {  	p1 =	seq.s32 s10, $0x1;
	s10 =	sld [smem:$0x3FA8];
	_ =	sdelay $0x3  }
0x37: {  	[smem:$0x3FA8] =	sst s10  }
0x38: {  	s10 =	sld [smem:$0x3FA9]  }
0x39: {  	_ = 	snop;
	(pc) =	sbr.ind lr, $3  }
0x3a: {  	_ = 	snop  }
0x3b: {  	_ = 	snop  }
0x3c: {  	p2 =	seq.s32 s10, $0x1;
	s10 =	sld [smem:$0x3FA8]  }
0x3d: {  	_ =	shalt  }
0x3e: {  	_ =	shalt  }
0x3f: {  	_ =	shalt  }
0x40: {  	_ =	shalt  }
0x41: {  	_ =	shalt  }
0x42: {  	_ =	shalt  }
0x43: {  	_ =	shalt  }
0x44: {  	_ =	shalt  }
0x45: {  	_ =	shalt  }
0x46: {  	_ =	shalt  }
0x47: {  	_ =	shalt  }
0x48: {  	_ =	shalt  }
0x49: {  	_ =	shalt  }
0x4a: {  	_ =	shalt  }
0x4b: {  	_ =	shalt  }
0x4c: {  	_ =	shalt  }
0x4d: {  	_ =	shalt  }
0x4e: {  	_ =	shalt  }
0x4f: {  	_ =	shalt  }
0x50: {  	_ =	shalt  }
0x51: {  	_ =	shalt  }
0x52: {  	_ =	shalt  }
0x53: {  	_ =	shalt  }
0x54: {  	_ =	shalt  }
0x55: {  	_ =	shalt  }
0x56: {  	_ =	shalt  }
0x57: {  	_ =	shalt  }
0x58: {  	_ =	shalt  }
0x59: {  	_ =	shalt  }
0x5a: {  	_ =	shalt  }
0x5b: {  	_ =	shalt  }
0x5c: {  	_ =	shalt  }
0x5d: {  	_ =	shalt  }
0x5e: {  	_ =	shalt  }
0x5f: {  	_ =	shalt  }
0x60: {  	_ =	shalt  }
0x61: {  	_ =	shalt  }
0x62: {  	_ =	shalt  }
0x63: {  	_ =	shalt  }
0x64: {  	_ =	shalt  }
0x65: {  	_ =	shalt  }
0x66: {  	_ =	shalt  }
0x67: {  	_ =	shalt  }
0x68: {  	_ =	shalt  }
0x69: {  	_ =	shalt  }
0x6a: {  	_ =	shalt  }
0x6b: {  	_ =	shalt  }
0x6c: {  	_ =	shalt  }
0x6d: {  	_ =	shalt  }
0x6e: {  	_ =	shalt  }
0x6f: {  	_ =	shalt  }
0x70: {  	_ =	shalt  }
0x71: {  	_ =	shalt  }
0x72: {  	_ =	shalt  }
0x73: {  	_ =	shalt  }
0x74: {  	_ =	shalt  }
0x75: {  	_ =	shalt  }
0x76: {  	_ =	shalt  }
0x77: {  	_ =	shalt  }
0x78: {  	_ =	shalt  }
0x79: {  	_ =	shalt  }
0x7a: {  	_ =	shalt  }
0x7b: {  	_ =	shalt  }
0x7c: {  	_ =	shalt  }
0x7d: {  	_ =	shalt  }
0x7e: {  	_ =	shalt  }
0x7f: {  	_ =	shalt  }
0x80: {  	_ =	shalt  }
0x81: {  	_ =	shalt  }
0x82: {  	_ =	shalt  }
0x83: {  	_ =	shalt  }
0x84: {  	_ =	shalt  }
0x85: {  	_ =	shalt  }
0x86: {  	_ =	shalt  }
0x87: {  	_ =	shalt  }
.Lfunc_end0:
.L_simem_size_0:
called_computation.1_lowered:
.L_overlay_start_0:
0x88: {  	s2 =	sld [smem:$0x3FD9]  }
0x89: {  	s3 =	sld [smem:$0x3FFE];
	_ =	sdelay $0x1  }
0x8a: {  	s1 =	srdreg.scid  }
0x8b: {  	s0 =	sand.u32 $0x1, s1  }
0x8c: {  	s14 =	sshll.u32 s0, $0xA;
	s2 =	sadd.s32 s3, s2  }
0x8d: {  	s2 =	sadd.s32 s2, s14  }
0x8e: {  	[smem:$0x3FB4] =	sst s2  }
0x8f: {  	_ = 	snop  }
0x90: {  	s2 =	sld [smem:$0x3FD0];
	_ =	sdelay $0x1  }
0x91: {  	s15 =	sld [smem:$0x3FC7]  }
0x92: {  	s5 =	simm.s32 $0xB;
	s6 =	simm.s32 $0x10;
	s4 =	sld [smem:$0x3FC6]  }
0x93: {  	[smem:s6], [sflag:s5] =	dma.local [hbm:s2], $0x1  }
0x94: {  	_ =	swait.eq [sflag:s5], $0x1  }
0x95: {  	[sflag:s5] =	ssyncset.done $0x0  }
0x96: {  	s16 =	sld [smem:$0x10];
	[sflag:s5] =	ssyncadd.s32 $0xFFFFFFFF  }
0x97: {  	s17 =	sld [smem:$0x11];
	(tm) =	ssettm $0x1  }
0x98: {  	s18 =	sld [smem:$0x3FFB];
	_ =	sdelay $0x3  }
0x99: {  	_ =	strace s18  }
0x9a: {  	s6 =	sld [smem:$0x3FFC];
	_ =	sdelay $0x3  }
0x9b: {  	_ =	strace s6  }
0x9c: {  	s6 =	sld [smem:$0x3FFD];
	_ =	sdelay $0x3  }
0x9d: {  	_ =	strace s6  }
0x9e: {  	_ =	strace $0x8FFFFFFF  }
0x9f: {  	s19 =	sld [smem:$0x3FDB];
	_ =	sdelay $0x1  }
0xa0: {  	s7 =	simm.s32 $_scs_section_size  }
0xa1: {  	s8 =	simm.s32 $_size__tile_overlayer_lowered;
	s9 =	simm.s32 $_tile_overlayer_lowered  }
0xa2: {  	s22 =	simm.s32 $0x1BFF;
	s21 =	sshll.u32 s9, $0x1;
	s6 =	sadd.s32 s7, s19  }
0xa3: {  	s10 =	simm.s32 $0x0;
	s20 =	sshll.u32 s8, $0x1;
	s8 =	sadd.s32 s21, s6  }
0xa4: {  	[timem:s10], [sflag:s22] =	dma.local [hbm:s8], s20  }
0xa5: {  	_ =	swait.ge [sflag:s22], s20  }
0xa6: {  	s7 =	ssub.s32 $0x0, s20;
	[sflag:s22] =	ssyncset.done $0x0  }
0xa7: {  	[sflag:s22] =	ssyncadd.s32 s7;
	_ =	sdelay $0x1  }
0xa8: {  	s23 =	simm.s32 $0x1B8B  }
0xa9: {  	_ =	swait.ge [sflag:s23], $0x1  }
0xaa: {  	[sflag:s23] =	ssyncset.done $0x0  }
0xab: {  	s25 =	simm.s32 $0x1B8E;
	s24 =	sld [smem:$0x3FFE];
	[sflag:s23] =	ssyncadd.s32 $0xFFFFFFFF  }
0xac: {  	s26 =	simm.s32 $execute0_lowered;
	[smem:$0x3FD2] =	sst s25  }
0xad: {  	s8 =	sshll.u32 s26, $0x1;
	_ =	strace $0x80000046;
	[dreg:$0x1] =	wrdreg $0xFFFFFFFF  }
0xae: {  	s28 =	simm.s32 $_size_execute0_lowered;
	s6 =	sadd.s32 s6, s8;
	[dreg:$0x0] =	wrdreg $0x0  }
0xaf: {  	s8 =	sshll.u32 s28, $0x1;
	[dreg:$0x2] =	wrdreg s6  }
0xb0: {  	[dreg:$0x3] =	wrdreg s8  }
0xb1: {  	[dreg:$0x4] =	wrdreg $0xC0  }
0xb2: {  	_ =	task [dreg:s10], $0x5FFFF  }
0xb3: {  	[dreg:$0x1] =	wrdreg $0xFFFFFFFF  }
0xb4: {  	[dreg:$0x0] =	wrdreg $0x60  }
0xb5: {  	[dreg:$0x2] =	wrdreg s16  }
0xb6: {  	[dreg:$0x3] =	wrdreg s17  }
0xb7: {  	[dreg:$0x4] =	wrdreg s15  }
0xb8: {  	[dreg:$0x5] =	wrdreg s4  }
0xb9: {  	[dreg:$0x6] =	wrdreg s24  }
0xba: {  	[dreg:$0x7] =	wrdreg $0xA  }
0xbb: {  	_ =	task.clear_ibuf [dreg:s10], $0x8FFFF;
	_ =	strace $0x90000046  }
0xbc: {  	s29 =	simm.s32 $0xA;
	_ =	strace $0x80000048  }
0xbd: {  	_ =	swait.ge [sflag:s29], $0x1  }
0xbe: {  	[sflag:s29] =	ssyncadd.s32 $0xFFFFFFFF  }
0xbf: {  	_ =	strace $0x90000048  }
0xc0: {  	_ =	sfence  }
0xc1: {  	s30 =	sld [smem:$0x0];
	_ =	sdelay $0x2  }
0xc2: {  	s31 =	sshll.u32 s1, $0xD;
	s1 =	sshrl.u32 s1, $0x2  }
0xc3: {  	s3 =	sand.u32 $0x4000, s31;
	s1 =	sadd.s32 s1, s30  }
0xc4: {  	s0 =	sor.u32 s3, s0;
	s1 =	sshll.u32 s1, $0x11  }
0xc5: {  	s0 =	sor.u32 s1, s0  }
0xc6: {  	s0 =	sadd.s32 $0x8F2B, s0  }
0xc7: {  	[sflag:s0] =	ssyncadd.remote.s32 $0x1  }
0xc8: {  	_ =	sfence.sel $0xFFFF  }
0xc9: {  	[dreg:$0x0] =	wrdreg $0xFFFFFFFF;
	(pc) =	sbr.abs _section_cstart, $3  }
0xca: {  	[dreg:$0x1] =	wrdreg $0xFFFFFFFF  }
0xcb: {  	_ =	task.clear_ibuf [dreg:s10], $0x2FFFF;
	_ =	strace $0x9FFFFFFF  }
0xcc: {  	(tm) =	ssettm $0x7FFFFFFF  }
0xcd: {  	_ =	shalt  }
tec
execute0_lowered:
.L_overlay_start_1:
0x0: {  	(tag) =	ssettag $0x1  }
0x1: {  	s1 =	rddreg [dreg:$0x0]  }
0x2: {  	s2 =	rddreg [dreg:$0x1]  }
0x3: {  	s9 =	rddreg [dreg:$0x2]  }
0x4: {  	s8 =	rddreg [dreg:$0x3]  }
0x5: {  	s5 =	rddreg [dreg:$0x4]  }
0x6: {  	s0 =	rddreg [dreg:$0x5]  }
0x7: {  	s3 =	stileid.u32;
	s7 =	srdreg.scid  }
0x8: {  	s4 =	simm.s32 $0x0;
	s13 =	simm.s32 $0x2A00;
	s14 =	simm.s32 $0xA0  }
0x9: {  	s15 =	simm.s32 $0x5200;
	s16 =	simm.s32 $0xF0;
	s17 =	simm.s32 $0x7A00  }
0xa: {  	s18 =	simm.s32 $0x140;
	s19 =	simm.s32 $0xA200;
	s6 =	smul.u32 $0x25800, s3  }
0xb: {  	s20 =	simm.s32 $0x1;
	s7 =	sand.u32 $0x1, s7;
	s10 =	smul.u32 $0x2580, s3  }
0xc: {  	s21 =	simm.s32 $0x0;
	[smem:$0x7FF] =	sst s4;
	s11 =	smul.u32 $0x12C0, s7  }
0xd: {  	_ =	strace $0x80000047;
	s12 =	ssub.s32 $0x2, s7;
	s7 =	smul.u32 $0x12C00, s7  }
0xe: {  	s5 =	sadd.s32 s6, s5;
	s31 =	sshrl.u32 s12, $0x1;
	s10 =	sadd.s32 s11, s10  }
0xf: {  	s6 =	ssub.s32 s12, s31;
	s7 =	sadd.s32 s7, s5;
	s11 =	simm.s32 $0x50  }
0x10: {  	s12 =	simm.s32 $0x200;
	s10 =	sadd.s32 $0x28A00, s10;
	s5 =	smax.u32 s6, $0x1  }
0x11: {  	s6 =	sadd.s32 $0x6200, s7;
	s7 =	sadd.s32 $0x25E200, s7;
	s10 =	sshrl.u32 s10, $0x3  }
0x12: {  	s8 =	sadd.s32 s10, s8;
	s9 =	sadd.s32 s10, s9;
	s10 =	simm.s32 $0x2  }
.LBB2_1:
0x13: {  	s22 =	sadd.s32 $0x0, s9  }
0x14: {  	[tilespmem:s4], [sflag:$0x2] =	stream.linear.gather [hbm4b:s22+s4], $0x190, $0x38;
	[tilespmem:$0xCA00] =	vst v63  }
0x15: {  	_ =	swait.ge [sflag:s10], $0x190  }
0x16: {  	[sflag:s10] =	ssyncset.done $0x0  }
0x17: {  	[sflag:s10] =	ssyncadd.s32 $0xFFFFFE70  }
0x18: {  	[tilespmem:s12], [sflag:$0x1] =	stream.indirect.gather [hbm4b:s1+s11], $0x80, s4, s11, $0xb8;
	[tilespmem:$0xCA00] =	vst v63  }
0x19: {  	_ = 	snop  }
0x1a: {  	[tilespmem:s13], [sflag:$0x1] =	stream.indirect.gather [hbm4b:s1+s11], $0x80, s11, s11, $0xb8;
	[tilespmem:$0xCA00] =	vst v63  }
0x1b: {  	_ = 	snop  }
0x1c: {  	[tilespmem:s15], [sflag:$0x1] =	stream.indirect.gather [hbm4b:s1+s11], $0x80, s14, s11, $0xb8;
	[tilespmem:$0xCA00] =	vst v63  }
0x1d: {  	_ = 	snop  }
0x1e: {  	[tilespmem:s17], [sflag:$0x1] =	stream.indirect.gather [hbm4b:s1+s11], $0x80, s16, s11, $0xb8;
	[tilespmem:$0xCA00] =	vst v63  }
0x1f: {  	_ = 	snop  }
0x20: {  	[tilespmem:s19], [sflag:$0x1] =	stream.indirect.gather [hbm4b:s1+s11], $0x80, s18, s11, $0xb8;
	[tilespmem:$0xCA00] =	vst v63  }
0x21: {  	_ =	swait.ge [sflag:s20], $0x2800  }
0x22: {  	[sflag:s20] =	ssyncset.done $0x0  }
0x23: {  	[sflag:s20] =	ssyncadd.s32 $0xFFFFD800  }
0x24: {  	_ =	swait.ge [sflag:s20], $0x2800  }
0x25: {  	[sflag:s20] =	ssyncset.done $0x0  }
0x26: {  	[sflag:s20] =	ssyncadd.s32 $0xFFFFD800  }
0x27: {  	_ =	swait.ge [sflag:s20], $0x2800  }
0x28: {  	[sflag:s20] =	ssyncset.done $0x0  }
0x29: {  	[sflag:s20] =	ssyncadd.s32 $0xFFFFD800  }
0x2a: {  	_ =	swait.ge [sflag:s20], $0x2800  }
0x2b: {  	[sflag:s20] =	ssyncset.done $0x0  }
0x2c: {  	[sflag:s20] =	ssyncadd.s32 $0xFFFFD800  }
0x2d: {  	_ =	swait.ge [sflag:s20], $0x2800  }
0x2e: {  	[sflag:s20] =	ssyncset.done $0x0  }
0x2f: {  	[sflag:s20] =	ssyncadd.s32 $0xFFFFD800  }
0x30: {  	[hbm4b:s6+s4] =	stream.linear.scatter [tilespmem:s12], [sflag:$0x2], $0xC800, $0x38;
	[tilespmem:$0xCA00] =	vst v63  }
0x31: {  	_ =	swait.ge [sflag:s10], $0xC800  }
0x32: {  	[sflag:s10] =	ssyncset.done $0x0  }
0x33: {  	s31 =	sadd.s32 $0x0, s8;
	[sflag:s10] =	ssyncadd.s32 $0xFFFF3800  }
0x34: {  	[tilespmem:s4], [sflag:$0x2] =	stream.linear.gather [hbm4b:s31+s4], $0x190, $0x38;
	[tilespmem:$0xCA00] =	vst v63  }
0x35: {  	_ =	swait.ge [sflag:s10], $0x190  }
0x36: {  	[sflag:s10] =	ssyncset.done $0x0  }
0x37: {  	[sflag:s10] =	ssyncadd.s32 $0xFFFFFE70  }
0x38: {  	[tilespmem:s12], [sflag:$0x1] =	stream.indirect.gather [hbm4b:s2+s11], $0x80, s4, s11, $0xb8;
	[tilespmem:$0xCA00] =	vst v63  }
0x39: {  	_ = 	snop  }
0x3a: {  	[tilespmem:s13], [sflag:$0x1] =	stream.indirect.gather [hbm4b:s2+s11], $0x80, s11, s11, $0xb8;
	[tilespmem:$0xCA00] =	vst v63  }
0x3b: {  	_ = 	snop  }
0x3c: {  	[tilespmem:s15], [sflag:$0x1] =	stream.indirect.gather [hbm4b:s2+s11], $0x80, s14, s11, $0xb8;
	[tilespmem:$0xCA00] =	vst v63  }
0x3d: {  	_ = 	snop  }
0x3e: {  	[tilespmem:s17], [sflag:$0x1] =	stream.indirect.gather [hbm4b:s2+s11], $0x80, s16, s11, $0xb8;
	[tilespmem:$0xCA00] =	vst v63  }
0x3f: {  	_ = 	snop  }
0x40: {  	[tilespmem:s19], [sflag:$0x1] =	stream.indirect.gather [hbm4b:s2+s11], $0x80, s18, s11, $0xb8;
	[tilespmem:$0xCA00] =	vst v63  }
0x41: {  	_ =	swait.ge [sflag:s20], $0x2800  }
0x42: {  	[sflag:s20] =	ssyncset.done $0x0  }
0x43: {  	[sflag:s20] =	ssyncadd.s32 $0xFFFFD800  }
0x44: {  	_ =	swait.ge [sflag:s20], $0x2800  }
0x45: {  	[sflag:s20] =	ssyncset.done $0x0  }
0x46: {  	[sflag:s20] =	ssyncadd.s32 $0xFFFFD800  }
0x47: {  	_ =	swait.ge [sflag:s20], $0x2800  }
0x48: {  	[sflag:s20] =	ssyncset.done $0x0  }
0x49: {  	[sflag:s20] =	ssyncadd.s32 $0xFFFFD800  }
0x4a: {  	_ =	swait.ge [sflag:s20], $0x2800  }
0x4b: {  	[sflag:s20] =	ssyncset.done $0x0  }
0x4c: {  	[sflag:s20] =	ssyncadd.s32 $0xFFFFD800  }
0x4d: {  	_ =	swait.ge [sflag:s20], $0x2800  }
0x4e: {  	[sflag:s20] =	ssyncset.done $0x0  }
0x4f: {  	[sflag:s20] =	ssyncadd.s32 $0xFFFFD800  }
0x50: {  	[hbm4b:s7+s4] =	stream.linear.scatter [tilespmem:s12], [sflag:$0x2], $0xC800, $0x38;
	[tilespmem:$0xCA00] =	vst v63  }
0x51: {  	s23 =	simm.s32 $0x32;
	s28 =	simm.s32 $0x64;
	_ =	swait.ge [sflag:s10], $0xC800  }
0x52: {  	s24 =	sadd.s32 $0x1900, s6;
	s22 =	sadd.s32 $0x1900, s7;
	[sflag:s10] =	ssyncset.done $0x0  }
.LBB2_2:
0x53: {  	s29 =	sadd.s32 s23, s9  }
0x54: {  	[sflag:s10] =	ssyncadd.s32 $0xFFFF3800;
	s26 =	smov.u32 s28;
	s25 =	sadd.s32 $0x32, s28  }
0x55: {  	[tilespmem:s4], [sflag:$0x2] =	stream.linear.gather [hbm4b:s29+s4], $0x190, $0x38;
	[tilespmem:$0xCA00] =	vst v63  }
0x56: {  	p0 =	sne.s32 s28, $0x226;
	_ =	swait.ge [sflag:s10], $0x190  }
0x57: {  	[sflag:s10] =	ssyncset.done $0x0  }
0x58: {  	[sflag:s10] =	ssyncadd.s32 $0xFFFFFE70  }
0x59: {  	[tilespmem:s12], [sflag:$0x1] =	stream.indirect.gather [hbm4b:s1+s11], $0x80, s4, s11, $0xb8;
	[tilespmem:$0xCA00] =	vst v63  }
0x5a: {  	_ = 	snop  }
0x5b: {  	[tilespmem:s13], [sflag:$0x1] =	stream.indirect.gather [hbm4b:s1+s11], $0x80, s11, s11, $0xb8;
	[tilespmem:$0xCA00] =	vst v63  }
0x5c: {  	_ = 	snop  }
0x5d: {  	[tilespmem:s15], [sflag:$0x1] =	stream.indirect.gather [hbm4b:s1+s11], $0x80, s14, s11, $0xb8;
	[tilespmem:$0xCA00] =	vst v63  }
0x5e: {  	_ = 	snop  }
0x5f: {  	[tilespmem:s17], [sflag:$0x1] =	stream.indirect.gather [hbm4b:s1+s11], $0x80, s16, s11, $0xb8;
	[tilespmem:$0xCA00] =	vst v63  }
0x60: {  	_ = 	snop  }
0x61: {  	[tilespmem:s19], [sflag:$0x1] =	stream.indirect.gather [hbm4b:s1+s11], $0x80, s18, s11, $0xb8;
	[tilespmem:$0xCA00] =	vst v63  }
0x62: {  	_ =	swait.ge [sflag:s20], $0x2800  }
0x63: {  	[sflag:s20] =	ssyncset.done $0x0  }
0x64: {  	[sflag:s20] =	ssyncadd.s32 $0xFFFFD800  }
0x65: {  	_ =	swait.ge [sflag:s20], $0x2800  }
0x66: {  	[sflag:s20] =	ssyncset.done $0x0  }
0x67: {  	[sflag:s20] =	ssyncadd.s32 $0xFFFFD800  }
0x68: {  	_ =	swait.ge [sflag:s20], $0x2800  }
0x69: {  	[sflag:s20] =	ssyncset.done $0x0  }
0x6a: {  	[sflag:s20] =	ssyncadd.s32 $0xFFFFD800  }
0x6b: {  	_ =	swait.ge [sflag:s20], $0x2800  }
0x6c: {  	[sflag:s20] =	ssyncset.done $0x0  }
0x6d: {  	[sflag:s20] =	ssyncadd.s32 $0xFFFFD800  }
0x6e: {  	_ =	swait.ge [sflag:s20], $0x2800  }
0x6f: {  	[sflag:s20] =	ssyncset.done $0x0  }
0x70: {  	[sflag:s20] =	ssyncadd.s32 $0xFFFFD800  }
0x71: {  	[hbm4b:s24+s4] =	stream.linear.scatter [tilespmem:s12], [sflag:$0x2], $0xC800, $0x38;
	[tilespmem:$0xCA00] =	vst v63  }
0x72: {  	_ =	swait.ge [sflag:s10], $0xC800  }
0x73: {  	[sflag:s10] =	ssyncset.done $0x0  }
0x74: {  	s28 =	sadd.s32 s23, s8;
	s23 =	smov.u32 s26;
	[sflag:s10] =	ssyncadd.s32 $0xFFFF3800  }
0x75: {  	[tilespmem:s4], [sflag:$0x2] =	stream.linear.gather [hbm4b:s28+s4], $0x190, $0x38;
	[tilespmem:$0xCA00] =	vst v63  }
0x76: {  	_ =	swait.ge [sflag:s10], $0x190  }
0x77: {  	[sflag:s10] =	ssyncset.done $0x0  }
0x78: {  	[sflag:s10] =	ssyncadd.s32 $0xFFFFFE70  }
0x79: {  	[tilespmem:s12], [sflag:$0x1] =	stream.indirect.gather [hbm4b:s2+s11], $0x80, s4, s11, $0xb8;
	[tilespmem:$0xCA00] =	vst v63  }
0x7a: {  	_ = 	snop  }
0x7b: {  	[tilespmem:s13], [sflag:$0x1] =	stream.indirect.gather [hbm4b:s2+s11], $0x80, s11, s11, $0xb8;
	[tilespmem:$0xCA00] =	vst v63  }
0x7c: {  	_ = 	snop  }
0x7d: {  	[tilespmem:s15], [sflag:$0x1] =	stream.indirect.gather [hbm4b:s2+s11], $0x80, s14, s11, $0xb8;
	[tilespmem:$0xCA00] =	vst v63  }
0x7e: {  	_ = 	snop  }
0x7f: {  	[tilespmem:s17], [sflag:$0x1] =	stream.indirect.gather [hbm4b:s2+s11], $0x80, s16, s11, $0xb8;
	[tilespmem:$0xCA00] =	vst v63  }
0x80: {  	_ = 	snop  }
0x81: {  	[tilespmem:s19], [sflag:$0x1] =	stream.indirect.gather [hbm4b:s2+s11], $0x80, s18, s11, $0xb8;
	[tilespmem:$0xCA00] =	vst v63  }
0x82: {  	_ =	swait.ge [sflag:s20], $0x2800  }
0x83: {  	[sflag:s20] =	ssyncset.done $0x0  }
0x84: {  	[sflag:s20] =	ssyncadd.s32 $0xFFFFD800  }
0x85: {  	_ =	swait.ge [sflag:s20], $0x2800  }
0x86: {  	[sflag:s20] =	ssyncset.done $0x0  }
0x87: {  	[sflag:s20] =	ssyncadd.s32 $0xFFFFD800  }
0x88: {  	_ =	swait.ge [sflag:s20], $0x2800  }
0x89: {  	[sflag:s20] =	ssyncset.done $0x0  }
0x8a: {  	[sflag:s20] =	ssyncadd.s32 $0xFFFFD800  }
0x8b: {  	_ =	swait.ge [sflag:s20], $0x2800  }
0x8c: {  	[sflag:s20] =	ssyncset.done $0x0  }
0x8d: {  	[sflag:s20] =	ssyncadd.s32 $0xFFFFD800  }
0x8e: {  	_ =	swait.ge [sflag:s20], $0x2800  }
.Ltmp0:
0x8f: {  	[sflag:s20] =	ssyncset.done $0x0;
	(pc) =	sbr.rel @p0 .LBB2_2-.Ltmp0, $4  }
0x90: {  	[sflag:s20] =	ssyncadd.s32 $0xFFFFD800  }
0x91: {  	[hbm4b:s22+s4] =	stream.linear.scatter [tilespmem:s12], [sflag:$0x2], $0xC800, $0x38;
	[tilespmem:$0xCA00] =	vst v63  }
0x92: {  	s24 =	sadd.s32 $0x1900, s24;
	_ =	swait.ge [sflag:s10], $0xC800  }
0x93: {  	s28 =	smov.u32 s25;
	s22 =	sadd.s32 $0x1900, s22;
	[sflag:s10] =	ssyncset.done $0x0  }
0x94: {  	s25 =	sadd.s32 s23, s9;
	[sflag:s10] =	ssyncadd.s32 $0xFFFF3800  }
0x95: {  	[tilespmem:s4], [sflag:$0x2] =	stream.linear.gather [hbm4b:s25+s4], $0x190, $0x38;
	[tilespmem:$0xCA00] =	vst v63  }
0x96: {  	_ =	swait.ge [sflag:s10], $0x190  }
0x97: {  	[sflag:s10] =	ssyncset.done $0x0  }
0x98: {  	[sflag:s10] =	ssyncadd.s32 $0xFFFFFE70  }
0x99: {  	[tilespmem:s12], [sflag:$0x1] =	stream.indirect.gather [hbm4b:s1+s11], $0x80, s4, s11, $0xb8;
	[tilespmem:$0xCA00] =	vst v63  }
0x9a: {  	_ = 	snop  }
0x9b: {  	[tilespmem:s13], [sflag:$0x1] =	stream.indirect.gather [hbm4b:s1+s11], $0x80, s11, s11, $0xb8;
	[tilespmem:$0xCA00] =	vst v63  }
0x9c: {  	_ = 	snop  }
0x9d: {  	[tilespmem:s15], [sflag:$0x1] =	stream.indirect.gather [hbm4b:s1+s11], $0x80, s14, s11, $0xb8;
	[tilespmem:$0xCA00] =	vst v63  }
0x9e: {  	_ = 	snop  }
0x9f: {  	[tilespmem:s17], [sflag:$0x1] =	stream.indirect.gather [hbm4b:s1+s11], $0x80, s16, s11, $0xb8;
	[tilespmem:$0xCA00] =	vst v63  }
0xa0: {  	_ = 	snop  }
0xa1: {  	[tilespmem:s19], [sflag:$0x1] =	stream.indirect.gather [hbm4b:s1+s11], $0x80, s18, s11, $0xb8;
	[tilespmem:$0xCA00] =	vst v63  }
0xa2: {  	_ =	swait.ge [sflag:s20], $0x2800  }
0xa3: {  	[sflag:s20] =	ssyncset.done $0x0  }
0xa4: {  	[sflag:s20] =	ssyncadd.s32 $0xFFFFD800  }
0xa5: {  	_ =	swait.ge [sflag:s20], $0x2800  }
0xa6: {  	[sflag:s20] =	ssyncset.done $0x0  }
0xa7: {  	[sflag:s20] =	ssyncadd.s32 $0xFFFFD800  }
0xa8: {  	_ =	swait.ge [sflag:s20], $0x2800  }
0xa9: {  	[sflag:s20] =	ssyncset.done $0x0  }
0xaa: {  	[sflag:s20] =	ssyncadd.s32 $0xFFFFD800  }
0xab: {  	_ =	swait.ge [sflag:s20], $0x2800  }
0xac: {  	[sflag:s20] =	ssyncset.done $0x0  }
0xad: {  	[sflag:s20] =	ssyncadd.s32 $0xFFFFD800  }
0xae: {  	_ =	swait.ge [sflag:s20], $0x2800  }
0xaf: {  	[sflag:s20] =	ssyncset.done $0x0  }
0xb0: {  	[sflag:s20] =	ssyncadd.s32 $0xFFFFD800  }
0xb1: {  	[hbm4b:s24+s4] =	stream.linear.scatter [tilespmem:s12], [sflag:$0x2], $0xC800, $0x38;
	[tilespmem:$0xCA00] =	vst v63  }
0xb2: {  	_ =	swait.ge [sflag:s10], $0xC800  }
0xb3: {  	[sflag:s10] =	ssyncset.done $0x0  }
0xb4: {  	s31 =	sadd.s32 s23, s8;
	[sflag:s10] =	ssyncadd.s32 $0xFFFF3800  }
0xb5: {  	[tilespmem:s4], [sflag:$0x2] =	stream.linear.gather [hbm4b:s31+s4], $0x190, $0x38;
	[tilespmem:$0xCA00] =	vst v63  }
0xb6: {  	_ =	swait.ge [sflag:s10], $0x190  }
0xb7: {  	[sflag:s10] =	ssyncset.done $0x0  }
0xb8: {  	[sflag:s10] =	ssyncadd.s32 $0xFFFFFE70  }
0xb9: {  	[tilespmem:s12], [sflag:$0x1] =	stream.indirect.gather [hbm4b:s2+s11], $0x80, s4, s11, $0xb8;
	[tilespmem:$0xCA00] =	vst v63  }
0xba: {  	_ = 	snop  }
0xbb: {  	[tilespmem:s13], [sflag:$0x1] =	stream.indirect.gather [hbm4b:s2+s11], $0x80, s11, s11, $0xb8;
	[tilespmem:$0xCA00] =	vst v63  }
0xbc: {  	_ = 	snop  }
0xbd: {  	[tilespmem:s15], [sflag:$0x1] =	stream.indirect.gather [hbm4b:s2+s11], $0x80, s14, s11, $0xb8;
	[tilespmem:$0xCA00] =	vst v63  }
0xbe: {  	_ = 	snop  }
0xbf: {  	[tilespmem:s17], [sflag:$0x1] =	stream.indirect.gather [hbm4b:s2+s11], $0x80, s16, s11, $0xb8;
	[tilespmem:$0xCA00] =	vst v63  }
0xc0: {  	_ = 	snop  }
0xc1: {  	[tilespmem:s19], [sflag:$0x1] =	stream.indirect.gather [hbm4b:s2+s11], $0x80, s18, s11, $0xb8;
	[tilespmem:$0xCA00] =	vst v63  }
0xc2: {  	_ =	swait.ge [sflag:s20], $0x2800  }
0xc3: {  	[sflag:s20] =	ssyncset.done $0x0  }
0xc4: {  	[sflag:s20] =	ssyncadd.s32 $0xFFFFD800  }
0xc5: {  	_ =	swait.ge [sflag:s20], $0x2800  }
0xc6: {  	[sflag:s20] =	ssyncset.done $0x0  }
0xc7: {  	[sflag:s20] =	ssyncadd.s32 $0xFFFFD800  }
0xc8: {  	_ =	swait.ge [sflag:s20], $0x2800  }
0xc9: {  	[sflag:s20] =	ssyncset.done $0x0  }
0xca: {  	[sflag:s20] =	ssyncadd.s32 $0xFFFFD800  }
0xcb: {  	_ =	swait.ge [sflag:s20], $0x2800  }
0xcc: {  	[sflag:s20] =	ssyncset.done $0x0  }
0xcd: {  	[sflag:s20] =	ssyncadd.s32 $0xFFFFD800  }
0xce: {  	s21 =	sadd.s32 $0x1, s21;
	_ =	swait.ge [sflag:s20], $0x2800  }
0xcf: {  	p0 =	sne.s32 s21, s5;
	[sflag:s20] =	ssyncset.done $0x0  }
.Ltmp1:
0xd0: {  	[sflag:s20] =	ssyncadd.s32 $0xFFFFD800;
	(pc) =	sbr.rel @p0 .LBB2_1-.Ltmp1, $4  }
0xd1: {  	[hbm4b:s22+s4] =	stream.linear.scatter [tilespmem:s12], [sflag:$0x2], $0xC800, $0x38;
	[tilespmem:$0xCA00] =	vst v63  }
0xd2: {  	_ =	swait.ge [sflag:s10], $0xC800  }
0xd3: {  	[sflag:s10] =	ssyncset.done $0x0  }
0xd4: {  	[sflag:s10] =	ssyncadd.s32 $0xFFFF3800  }
0xd5: {  	_ =	sfence.sel $0x180000  }
0xd6: {  	[bflag:$0x0] =	sbarrier.arrive $0xFFFF  }
0xd7: {  	p0 =	sne.s32 s3, $0x0;
	_ =	strace $0x90000047  }
0xd8: {  	s0 =	sadd.s32 @!p0 $0x100000, s0;
	[bflag:$0x2] =	sbarrier.arrive $0xFFFF  }
0xd9: {  	[sflag:s0] =	ssyncadd.tile.s32 @!p0 $0x1;
	_ =	shalt  }
.Lfunc_end2:
_tile_overlayer_lowered:
.L_overlay_start_2:
0xda: {  	(tag) =	ssettag $0x2  }
0xdb: {  	s0 =	rddreg [dreg:$0x0];
	s2 =	stileid.u32  }
0xdc: {  	s1 =	rddreg [dreg:$0x1];
	p0 =	sne.s32 s2, $0x0  }
0xdd: {  	s3 =	rddreg [dreg:$0x2];
	[bflag:$0x3] =	sbarrier.arrive $0xFFFF;
	s2 =	simm.s32 @!p0 $0x1C02  }
0xde: {  	[timem:s3], [sflag:s2] =	dma.local @!p0 [hbm:s0], s1  }
0xdf: {  	s0 =	simm.s32 @!p0 $0x2  }
0xe0: {  	_ =	swait.ge @!p0 [sflag:s0], s1  }
0xe1: {  	s1 =	ssub.s32 @!p0 $0x0, s1;
	[sflag:s0] =	ssyncset.done @!p0 $0x0  }
0xe2: {  	[sflag:s0] =	ssyncadd.s32 @!p0 s1  }
0xe3: {  	[bflag:$0x3] =	sbarrier.arrive $0xFFFF  }
0xe4: {  	_ =	shalt  }

// kernel: kernel.16.cloned.1.call-start
scs
__scs_entry_jumppad:
0x0: {  	(pc) =	sbr.rel $0x88, $3  }
0x1: {  	(tag) =	ssettag $0x0;
	lr =	simm.s32 $0x1  }
0x2: {  	[smem:$0x3F8D] =	sst lr;
	_ =	strace $0xD0000000  }
0x3: {  	_ = 	snop  }
0x4: {  	_ = 	snop  }
0x5: {  	_ = 	snop  }
0x6: {  	_ = 	snop  }
0x7: {  	_ = 	snop  }
__scs_overlays_trampoline_lowered:
0x8: {  	[smem:$0x3F9C] =	sst s0  }
0x9: {  	[smem:$0x3F9D] =	sst s1  }
0xa: {  	[smem:$0x3F9E] =	sst s2  }
0xb: {  	[smem:$0x3F9F] =	sst s3  }
0xc: {  	[smem:$0x3FA0] =	sst s4  }
0xd: {  	[smem:$0x3FA1] =	sst s5  }
0xe: {  	[smem:$0x3FA2] =	sst s6  }
0xf: {  	[smem:$0x3FA3] =	sst s7  }
0x10: {  	[smem:$0x3FA4] =	sst s8  }
0x11: {  	[smem:$0x3FA5] =	sst s9;
	s0 =	simm.s32 @!p0 $0x0  }
0x12: {  	s1 =	sld [smem:$0x3F8B];
	s0 =	simm.s32 @p0 $0x1  }
0x13: {  	[smem:$0x3FA6] =	sst s0;
	s0 =	simm.s32 @!p1 $0x0  }
0x14: {  	s2 =	sld [smem:$0x3F8A];
	s0 =	simm.s32 @p1 $0x1  }
0x15: {  	[smem:$0x3FA7] =	sst s0;
	s0 =	simm.s32 @!p2 $0x0  }
0x16: {  	s3 =	sld [smem:$0x3FDB];
	s0 =	simm.s32 @p2 $0x1  }
0x17: {  	s4 =	simm.s32 $0x1BF5;
	[smem:$0x3FA9] =	sst s0  }
0x18: {  	s0 =	sld [smem:$0x3F8C];
	_ =	swait.ge [sflag:s4], $0x0  }
0x19: {  	s7 =	sld [smem:$0x3F8D]  }
0x1a: {  	s8 =	sadd.s32 $0xFFFFE003, lr  }
0x1b: {  	s9 =	sadd.s32 $0xFFFFFEF7, lr;
	s5 =	simm.s32 $0xFFFFFFFF;
	p2 =	slt.u32 s8, $0xFFFFF086  }
0x1c: {  	p1 =	slt.u32 s9, $0xF7A;
	s5 =	simm.s32 @!p2 $0x0  }
0x1d: {  	s5 =	simm.s32 @p1 $0x1;
	p0 =	seq.s32 s7, s2  }
0x1e: {  	s7 =	smul.u32 @!p0 $0xF7A, s2;
	p2 =	seq.s32 @!p0 s5, $0x0  }
0x1f: {  	s9 =	smul.u32 $0xF7A, s1;
	s8 =	simm.s32 @!p0 $0x1BF5;
	p2 =	por !p2, p0  }
0x20: {  	[sflag:s8] =	ssyncset.s32 @!p0 $0xFFFFF086;
	s6 =	sadd.s32 @!p0 s3, s7;
	s7 =	simm.s32 @!p0 $0x108  }
0x21: {  	s3 =	sadd.s32 s3, s9;
	s6 =	sadd.s32 @!p0 $0x88, s6;
	s7 =	simm.s32 @p2 $0x1082  }
0x22: {  	[simem:s7], [sflag:s8] =	dma.local @!p0 [hbm:s6], $0xF7A  }
0x23: {  	s9 =	sor.u32 $0xD0000000, s2;
	s6 =	simm.s32 $0x108;
	_ =	swait.ge @!p0 [sflag:s8], $0x0  }
0x24: {  	s3 =	sadd.s32 $0x88, s3;
	s6 =	simm.s32 @!p1 $0x1082;
	[sflag:s4] =	ssyncset.s32 $0xFFFFF086  }
0x25: {  	[simem:s6], [sflag:s4] =	dma.local [hbm:s3], $0xF7A  }
0x26: {  	[smem:$0x3F8D] =	sst s1;
	(tag) =	ssettag s2;
	_ =	strace s9  }
0x27: {  	s1 =	sld [smem:$0x3F9D]  }
0x28: {  	s2 =	sld [smem:$0x3F9E]  }
0x29: {  	s4 =	sld [smem:$0x3FA0]  }
0x2a: {  	p0 =	seq.s32 s5, $0x0;
	s5 =	sld [smem:$0x3FA1]  }
0x2b: {  	s6 =	sld [smem:$0x3FA2]  }
0x2c: {  	s7 =	sld [smem:$0x3FA3]  }
0x2d: {  	s3 =	simm.s32 $0x108;
	s8 =	sld [smem:$0x3FA4]  }
0x2e: {  	s3 =	simm.s32 @!p0 $0x1082;
	s9 =	sld [smem:$0x3FA5]  }
0x2f: {  	lr =	sadd.s32 s0, s3;
	s0 =	sld [smem:$0x3F9C]  }
0x30: {  	s3 =	sld [smem:$0x3F9F]  }
0x31: {  	[smem:$0x3FA8] =	sst s10  }
0x32: {  	s10 =	sld [smem:$0x3FA6];
	_ =	sdelay $0x3  }
0x33: {  	p0 =	seq.s32 s10, $0x1;
	s10 =	sld [smem:$0x3FA8];
	_ =	sdelay $0x3  }
0x34: {  	[smem:$0x3FA8] =	sst s10  }
0x35: {  	s10 =	sld [smem:$0x3FA7];
	_ =	sdelay $0x3  }
0x36: {  	p1 =	seq.s32 s10, $0x1;
	s10 =	sld [smem:$0x3FA8];
	_ =	sdelay $0x3  }
0x37: {  	[smem:$0x3FA8] =	sst s10  }
0x38: {  	s10 =	sld [smem:$0x3FA9]  }
0x39: {  	_ = 	snop;
	(pc) =	sbr.ind lr, $3  }
0x3a: {  	_ = 	snop  }
0x3b: {  	_ = 	snop  }
0x3c: {  	p2 =	seq.s32 s10, $0x1;
	s10 =	sld [smem:$0x3FA8]  }
0x3d: {  	_ =	shalt  }
0x3e: {  	_ =	shalt  }
0x3f: {  	_ =	shalt  }
0x40: {  	_ =	shalt  }
0x41: {  	_ =	shalt  }
0x42: {  	_ =	shalt  }
0x43: {  	_ =	shalt  }
0x44: {  	_ =	shalt  }
0x45: {  	_ =	shalt  }
0x46: {  	_ =	shalt  }
0x47: {  	_ =	shalt  }
0x48: {  	_ =	shalt  }
0x49: {  	_ =	shalt  }
0x4a: {  	_ =	shalt  }
0x4b: {  	_ =	shalt  }
0x4c: {  	_ =	shalt  }
0x4d: {  	_ =	shalt  }
0x4e: {  	_ =	shalt  }
0x4f: {  	_ =	shalt  }
0x50: {  	_ =	shalt  }
0x51: {  	_ =	shalt  }
0x52: {  	_ =	shalt  }
0x53: {  	_ =	shalt  }
0x54: {  	_ =	shalt  }
0x55: {  	_ =	shalt  }
0x56: {  	_ =	shalt  }
0x57: {  	_ =	shalt  }
0x58: {  	_ =	shalt  }
0x59: {  	_ =	shalt  }
0x5a: {  	_ =	shalt  }
0x5b: {  	_ =	shalt  }
0x5c: {  	_ =	shalt  }
0x5d: {  	_ =	shalt  }
0x5e: {  	_ =	shalt  }
0x5f: {  	_ =	shalt  }
0x60: {  	_ =	shalt  }
0x61: {  	_ =	shalt  }
0x62: {  	_ =	shalt  }
0x63: {  	_ =	shalt  }
0x64: {  	_ =	shalt  }
0x65: {  	_ =	shalt  }
0x66: {  	_ =	shalt  }
0x67: {  	_ =	shalt  }
0x68: {  	_ =	shalt  }
0x69: {  	_ =	shalt  }
0x6a: {  	_ =	shalt  }
0x6b: {  	_ =	shalt  }
0x6c: {  	_ =	shalt  }
0x6d: {  	_ =	shalt  }
0x6e: {  	_ =	shalt  }
0x6f: {  	_ =	shalt  }
0x70: {  	_ =	shalt  }
0x71: {  	_ =	shalt  }
0x72: {  	_ =	shalt  }
0x73: {  	_ =	shalt  }
0x74: {  	_ =	shalt  }
0x75: {  	_ =	shalt  }
0x76: {  	_ =	shalt  }
0x77: {  	_ =	shalt  }
0x78: {  	_ =	shalt  }
0x79: {  	_ =	shalt  }
0x7a: {  	_ =	shalt  }
0x7b: {  	_ =	shalt  }
0x7c: {  	_ =	shalt  }
0x7d: {  	_ =	shalt  }
0x7e: {  	_ =	shalt  }
0x7f: {  	_ =	shalt  }
0x80: {  	_ =	shalt  }
0x81: {  	_ =	shalt  }
0x82: {  	_ =	shalt  }
0x83: {  	_ =	shalt  }
0x84: {  	_ =	shalt  }
0x85: {  	_ =	shalt  }
0x86: {  	_ =	shalt  }
0x87: {  	_ =	shalt  }
.Lfunc_end0:
.L_simem_size_0:
called_computation.2_lowered:
.L_overlay_start_0:
0x88: {  	s2 =	sld [smem:$0x3FD9]  }
0x89: {  	s3 =	sld [smem:$0x3FFE];
	_ =	sdelay $0x1  }
0x8a: {  	s1 =	srdreg.scid  }
0x8b: {  	s0 =	sand.u32 $0x1, s1  }
0x8c: {  	s15 =	sshll.u32 s0, $0xA;
	s2 =	sadd.s32 s3, s2  }
0x8d: {  	s2 =	sadd.s32 s2, s15  }
0x8e: {  	[smem:$0x3FB4] =	sst s2  }
0x8f: {  	_ = 	snop  }
0x90: {  	s2 =	sld [smem:$0x3FD0];
	_ =	sdelay $0x2  }
0x91: {  	s16 =	simm.s32 $0xB;
	s4 =	simm.s32 $0x10  }
0x92: {  	[smem:s4], [sflag:s16] =	dma.local [hbm:s2], $0x1  }
0x93: {  	_ =	swait.eq [sflag:s16], $0x1  }
0x94: {  	[sflag:s16] =	ssyncset.done $0x0  }
0x95: {  	[sflag:s16] =	ssyncadd.s32 $0xFFFFFFFF  }
0x96: {  	s17 =	sld [smem:$0x10];
	(tm) =	ssettm $0x1  }
0x97: {  	s18 =	sld [smem:$0x3FFB];
	_ =	sdelay $0x3  }
0x98: {  	_ =	strace s18  }
0x99: {  	s2 =	sld [smem:$0x3FFC];
	_ =	sdelay $0x3  }
0x9a: {  	_ =	strace s2  }
0x9b: {  	s2 =	sld [smem:$0x3FFD];
	_ =	sdelay $0x3  }
0x9c: {  	_ =	strace s2  }
0x9d: {  	_ =	strace $0x8FFFFFFF  }
0x9e: {  	s19 =	sld [smem:$0x3FDB];
	_ =	sdelay $0x1  }
0x9f: {  	s20 =	simm.s32 $_scs_section_size  }
0xa0: {  	s5 =	simm.s32 $_size__tile_overlayer_lowered;
	s6 =	simm.s32 $_tile_overlayer_lowered  }
0xa1: {  	s7 =	simm.s32 $0x1BFF;
	s21 =	sshll.u32 s6, $0x1;
	s4 =	sadd.s32 s20, s19  }
0xa2: {  	s22 =	simm.s32 $0x0;
	s5 =	sshll.u32 s5, $0x1;
	s6 =	sadd.s32 s21, s4  }
0xa3: {  	[timem:s22], [sflag:s7] =	dma.local [hbm:s6], s5  }
0xa4: {  	_ =	swait.ge [sflag:s7], s5  }
0xa5: {  	s5 =	ssub.s32 $0x0, s5;
	[sflag:s7] =	ssyncset.done $0x0  }
0xa6: {  	[sflag:s7] =	ssyncadd.s32 s5;
	_ =	sdelay $0x1  }
0xa7: {  	s23 =	simm.s32 $0x1B8B  }
0xa8: {  	_ =	swait.ge [sflag:s23], $0x1  }
0xa9: {  	[sflag:s23] =	ssyncset.done $0x0  }
0xaa: {  	[sflag:s23] =	ssyncadd.s32 $0xFFFFFFFF  }
0xab: {  	s5 =	sld [smem:$0x0]  }
0xac: {  	s6 =	sand.u32 $0xFFFFFFFE, s1  }
0xad: {  	p0 =	sne.s32 s1, s6  }
0xae: {  	s6 =	sshll.u32 @p0 s6, $0xE  }
0xaf: {  	s6 =	sadd.s32 @p0 $0x11B8D, s6;
	s7 =	sshll.u32 @p0 s5, $0x11  }
0xb0: {  	s6 =	sor.u32 @p0 s7, s6  }
0xb1: {  	[sflag:s6] =	ssyncadd.remote.s32 @p0 $0x1;
	_ =	sdelay $0x1  }
0xb2: {  	s6 =	simm.s32 @p0 $0x1B8D  }
0xb3: {  	_ =	swait.eq @p0 [sflag:s6], $0x1  }
0xb4: {  	[sflag:s6] =	ssyncadd.s32 @p0 $0xFFFFFFFF  }
0xb5: {  	s7 =	sshll.u32 @!p0 s1, $0xE  }
0xb6: {  	s7 =	sor.u32 @!p0 $0x4000, s7;
	s6 =	simm.s32 @!p0 $0x1B8D  }
0xb7: {  	s5 =	sshll.u32 @!p0 s5, $0x11;
	s7 =	sadd.s32 @!p0 $0x11B8D, s7;
	_ =	swait.eq @!p0 [sflag:s6], $0x1  }
0xb8: {  	s5 =	sor.u32 @!p0 s5, s7;
	[sflag:s6] =	ssyncadd.s32 @!p0 $0xFFFFFFFF  }
0xb9: {  	s25 =	simm.s32 $0x1B8E;
	s24 =	sld [smem:$0x3FFE];
	[sflag:s5] =	ssyncadd.remote.s32 @!p0 $0x1  }
0xba: {  	s26 =	simm.s32 $execute0_lowered;
	[smem:$0x3FD2] =	sst s25  }
0xbb: {  	s6 =	sshll.u32 s26, $0x1;
	_ =	strace $0x8000004F;
	[dreg:$0x1] =	wrdreg $0xFFFFFFFF  }
0xbc: {  	s28 =	simm.s32 $_size_execute0_lowered;
	s4 =	sadd.s32 s4, s6;
	[dreg:$0x0] =	wrdreg $0x0  }
0xbd: {  	s6 =	sshll.u32 s28, $0x1;
	[dreg:$0x2] =	wrdreg s4  }
0xbe: {  	[dreg:$0x3] =	wrdreg s6  }
0xbf: {  	[dreg:$0x4] =	wrdreg $0xC0  }
0xc0: {  	_ =	task [dreg:s22], $0x5FFFF  }
0xc1: {  	[dreg:$0x1] =	wrdreg $0xFFFFFFFF  }
0xc2: {  	[dreg:$0x0] =	wrdreg $0x60  }
0xc3: {  	[dreg:$0x2] =	wrdreg s24  }
0xc4: {  	[dreg:$0x3] =	wrdreg s17  }
0xc5: {  	[dreg:$0x4] =	wrdreg $0xBD400  }
0xc6: {  	[dreg:$0x5] =	wrdreg $0x9  }
0xc7: {  	_ =	task.clear_ibuf [dreg:s22], $0x6FFFF;
	_ =	strace $0x9000004F  }
0xc8: {  	s29 =	simm.s32 $0x9;
	_ =	strace $0x80000051  }
0xc9: {  	_ =	swait.ge [sflag:s29], $0x1  }
0xca: {  	[sflag:s29] =	ssyncadd.s32 $0xFFFFFFFF  }
0xcb: {  	_ =	strace $0x90000051  }
0xcc: {  	_ =	sfence  }
0xcd: {  	s30 =	sld [smem:$0x0];
	_ =	sdelay $0x2  }
0xce: {  	s31 =	sshll.u32 s1, $0xD;
	s1 =	sshrl.u32 s1, $0x2  }
0xcf: {  	s4 =	sand.u32 $0x4000, s31;
	s1 =	sadd.s32 s1, s30  }
0xd0: {  	s0 =	sor.u32 s4, s0;
	s1 =	sshll.u32 s1, $0x11  }
0xd1: {  	s0 =	sor.u32 s1, s0  }
0xd2: {  	s0 =	sadd.s32 $0x8F2B, s0  }
0xd3: {  	[sflag:s0] =	ssyncadd.remote.s32 $0x1  }
0xd4: {  	_ =	sfence.sel $0xFFFF  }
0xd5: {  	[dreg:$0x0] =	wrdreg $0xFFFFFFFF;
	(pc) =	sbr.abs _section_cstart, $3  }
0xd6: {  	[dreg:$0x1] =	wrdreg $0xFFFFFFFF  }
0xd7: {  	_ =	task.clear_ibuf [dreg:s22], $0x2FFFF;
	_ =	strace $0x9FFFFFFF  }
0xd8: {  	(tm) =	ssettm $0x7FFFFFFF  }
0xd9: {  	_ =	shalt  }
tec
execute0_lowered:
.L_overlay_start_1:
0x0: {  	(tag) =	ssettag $0x1  }
0x1: {  	s4 =	rddreg [dreg:$0x0]  }
0x2: {  	s6 =	rddreg [dreg:$0x1]  }
0x3: {  	s1 =	rddreg [dreg:$0x2]  }
0x4: {  	s0 =	rddreg [dreg:$0x3];
	s3 =	simm.s32 $0x0  }
0x5: {  	s5 =	srdreg.scid;
	s2 =	stileid.u32;
	s15 =	simm.s32 $0x80  }
0x6: {  	s16 =	simm.s32 $0x1;
	s17 =	simm.s32 $0x0;
	[smem:$0x7FF] =	sst s3  }
0x7: {  	s5 =	sand.u32 $0x1, s5;
	s9 =	smul.u32 $0x9C40, s2;
	s10 =	sadd.s32 $0xEE6E00, s4  }
0x8: {  	s7 =	sshll.u32 s2, $0x1;
	s13 =	sadd.s32 $0xEAC200, s4;
	s26 =	smul.u32 $0xA2, s2  }
0x9: {  	p0 =	slt.u32 s2, $0x4;
	_ =	strace $0x80000050;
	s25 =	smul.u32 $0x9C400, s5  }
0xa: {  	s8 =	ssub.s32 $0x2, s5;
	s7 =	sor.u32 s5, s7;
	s28 =	smul.u32 $0x51, s5  }
0xb: {  	s5 =	simm.s32 $0x52;
	s11 =	sshrl.u32 s8, $0x1;
	s12 =	smul.u32 $0x51, s7  }
0xc: {  	s4 =	sadd.s32 s9, s1;
	s14 =	smin.u32 s7, $0x8;
	s5 =	simm.s32 @!p0 $0x51  }
0xd: {  	s8 =	ssub.s32 s8, s11;
	s9 =	sadd.s32 s9, s25;
	s29 =	sadd.s32 s28, s26  }
0xe: {  	s12 =	sadd.s32 s14, s12;
	s9 =	sshrl.u32 s9, $0x3;
	s7 =	smax.u32 s8, $0x1  }
0xf: {  	s6 =	sadd.s32 s6, s9;
	s30 =	sshll.u32 s12, $0x4;
	s9 =	sadd.s32 s14, s29  }
0x10: {  	s12 =	sshll.u32 s12, $0x9;
	s14 =	simm.s32 $0x100;
	s31 =	sshll.u32 s9, $0x9  }
0x11: {  	s8 =	sadd.s32 s13, s30;
	s9 =	sshll.u32 s9, $0x4;
	s11 =	sadd.s32 s31, s10  }
0x12: {  	s13 =	sadd.s32 s9, s13;
	s9 =	sadd.s32 s10, s12;
	s12 =	simm.s32 $0x2100  }
0x13: {  	v0 =	vimm.f32 $0.0e+00;
	s10 =	sadd.s32 $0x200, s11;
	s11 =	sadd.s32 $0x10, s13;
	s13 =	simm.s32 $0x2  }
.LBB2_1:
0x14: {  	s18 =	simm.s32 $0x80;
	s19 =	simm.s32 $0x0  }
.LBB2_2:
0x15: {  	p0 =	sne.s32 s18, $0x27080;
	[tilespmem:s19+$0x2100] =	vst v0;
	s20 =	smov.u32 s18;
	s18 =	sadd.s32 $0x80, s18  }
.Ltmp0:
0x16: {  	[tilespmem:s19+$0x2110] =	vst v0;
	(pc) =	sbr.rel @p0 .LBB2_2-.Ltmp0, $2  }
0x17: {  	_ =	sdelay $0x2  }
0x18: {  	s19 =	sshra.s32 s20, $0x2  }
0x19: {  	[tilespmem:s19+$0x2100] =	vst v0  }
0x1a: {  	[tilespmem:s19+$0x2110] =	vst v0  }
0x1b: {  	[spmem:s4] =	stream.linear.scatter [tilespmem:s12], [sflag:$0x2], $0x9C40, $0x38;
	[tilespmem:$0x15980] =	vst v63  }
0x1c: {  	_ =	swait.ge [sflag:s13], $0x9C40  }
0x1d: {  	[sflag:s13] =	ssyncset.done $0x0  }
0x1e: {  	[sflag:s13] =	ssyncadd.s32 $0xFFFF63C0  }
0x1f: {  	[bflag:$0x0] =	sbarrier.arrive $0xFFFF  }
0x20: {  	[tilespmem:s3], [sflag:$0x2] =	stream.linear.gather [hbm4b:s8+s3], $0x80, $0x38;
	[tilespmem:$0x15980] =	vst v63  }
0x21: {  	_ =	swait.ge [sflag:s13], $0x80  }
0x22: {  	[sflag:s13] =	ssyncset.done $0x0  }
0x23: {  	p1 =	sne.s32 s5, $0x2;
	[sflag:s13] =	ssyncadd.s32 $0xFFFFFF80  }
0x24: {  	[tilespmem:s14], [sflag:$0x2] =	stream.linear.gather [hbm4b:s9+s3], $0x1000, $0x38;
	[tilespmem:$0x15980] =	vst v63  }
.Ltmp1:
0x25: {  	_ = 	snop;
	(pc) =	sbr.rel @!p1 .LBB2_4-.Ltmp1, $4  }
0x26: {  	s18 =	simm.s32 $0x1;
	_ =	swait.ge [sflag:s13], $0x1000  }
0x27: {  	s19 =	simm.s32 $0x2;
	s22 =	sand.u32 $0x1, s18;
	[sflag:s13] =	ssyncset.done $0x0  }
0x28: {  	p0 =	por $0x0, $0x0;
	s23 =	sshll.u32 s22, $0xC;
	[sflag:s13] =	ssyncadd.s32 $0xFFFFF000  }
0x29: {  	[spmem:s1] =	stream.indirect.scatter.add.f32 [tilespmem:s14], [sflag:$0x1], $0x20, s3, s15, $0xb8;
	[tilespmem:$0x15980] =	vst v63  }
0x2a: {  	s18 =	sshll.u32 s22, $0x7  }
0x2b: {  	[tilespmem:s18], [sflag:$0x2] =	stream.linear.gather [hbm4b:s11+s3], $0x80, $0x38;
	[tilespmem:$0x15980] =	vst v63  }
0x2c: {  	_ =	swait.ge [sflag:s13], $0x80  }
0x2d: {  	[sflag:s13] =	ssyncset.done $0x0  }
0x2e: {  	s21 =	sor.u32 $0x100, s23;
	[sflag:s13] =	ssyncadd.s32 $0xFFFFFF80  }
0x2f: {  	[tilespmem:s21], [sflag:$0x2] =	stream.linear.gather [hbm4b:s10+s3], $0x1000, $0x38;
	[tilespmem:$0x15980] =	vst v63  }
0x30: {  	p1 =	sne.s32 s5, $0x3;
	_ =	swait.ge [sflag:s13], $0x1000  }
.Ltmp2:
0x31: {  	[sflag:s13] =	ssyncset.done $0x0;
	(pc) =	sbr.rel @!p1 .LBB2_7-.Ltmp2, $4  }
0x32: {  	[sflag:s13] =	ssyncadd.s32 $0xFFFFF000  }
0x33: {  	s22 =	sand.u32 $0x1, s19;
	s24 =	simm.s32 $0x3;
	_ =	swait.ge [sflag:s16], $0x1000  }
0x34: {  	s19 =	sadd.s32 $0x200, s10;
	s20 =	sadd.s32 $0x10, s11;
	[sflag:s16] =	ssyncset.done $0x0  }
0x35: {  	p0 =	por $0x1, $0x1;
	s23 =	sshll.u32 s22, $0xC;
	[sflag:s16] =	ssyncadd.s32 $0xFFFFF000  }
.LBB2_6:
0x36: {  	[spmem:s1] =	stream.indirect.scatter.add.f32 [tilespmem:s21], [sflag:$0x1], $0x20, s18, s15, $0xb8;
	[tilespmem:$0x15980] =	vst v63  }
0x37: {  	s18 =	sshll.u32 s22, $0x7;
	s22 =	sand.u32 $0x1, s24;
	s24 =	sadd.s32 $0x1, s24  }
0x38: {  	[tilespmem:s18], [sflag:$0x2] =	stream.linear.gather [hbm4b:s20+s3], $0x80, $0x38;
	[tilespmem:$0x15980] =	vst v63  }
0x39: {  	s25 =	sshll.u32 s22, $0xC;
	p1 =	sne.s32 s5, s24;
	_ =	swait.ge [sflag:s13], $0x80  }
0x3a: {  	[sflag:s13] =	ssyncset.done $0x0  }
0x3b: {  	s21 =	sor.u32 $0x100, s23;
	s23 =	smov.u32 s25;
	[sflag:s13] =	ssyncadd.s32 $0xFFFFFF80  }
0x3c: {  	[tilespmem:s21], [sflag:$0x2] =	stream.linear.gather [hbm4b:s19+s3], $0x1000, $0x38;
	[tilespmem:$0x15980] =	vst v63  }
0x3d: {  	_ =	swait.ge [sflag:s13], $0x1000  }
.Ltmp3:
0x3e: {  	[sflag:s13] =	ssyncset.done $0x0;
	(pc) =	sbr.rel @p1 .LBB2_6-.Ltmp3, $4  }
0x3f: {  	[sflag:s13] =	ssyncadd.s32 $0xFFFFF000  }
0x40: {  	_ =	swait.ge [sflag:s16], $0x1000  }
0x41: {  	[sflag:s16] =	ssyncset.done $0x0  }
0x42: {  	s20 =	sadd.s32 $0x10, s20;
	s19 =	sadd.s32 $0x200, s19;
	[sflag:s16] =	ssyncadd.s32 $0xFFFFF000  }
.LBB2_7:
0x43: {  	[spmem:s1] =	stream.indirect.scatter.add.f32 @p0 [tilespmem:s21], [sflag:$0x1], $0x20, s18, s15, $0xb8;
	[tilespmem:$0x15980] =	vst v63  }
0x44: {  	s30 =	sshll.u32 s22, $0x7  }
0x45: {  	[tilespmem:s30], [sflag:$0x2] =	stream.linear.gather [hbm4b:s20+s3], $0x80, $0x38;
	[tilespmem:$0x15980] =	vst v63  }
0x46: {  	_ =	swait.ge [sflag:s13], $0x80  }
0x47: {  	[sflag:s13] =	ssyncset.done $0x0  }
0x48: {  	s31 =	sor.u32 $0x100, s23;
	[sflag:s13] =	ssyncadd.s32 $0xFFFFFF80  }
0x49: {  	[tilespmem:s31], [sflag:$0x2] =	stream.linear.gather [hbm4b:s19+s3], $0x1000, $0x38;
	[tilespmem:$0x15980] =	vst v63  }
0x4a: {  	_ =	swait.ge [sflag:s13], $0x1000  }
0x4b: {  	[sflag:s13] =	ssyncset.done $0x0  }
0x4c: {  	[sflag:s13] =	ssyncadd.s32 $0xFFFFF000  }
0x4d: {  	_ =	swait.ge [sflag:s16], $0x1000  }
0x4e: {  	[sflag:s16] =	ssyncset.done $0x0  }
0x4f: {  	[sflag:s16] =	ssyncadd.s32 $0xFFFFF000  }
0x50: {  	[spmem:s1] =	stream.indirect.scatter.add.f32 [tilespmem:s31], [sflag:$0x1], $0x20, s30, s15, $0xb8;
	[tilespmem:$0x15980] =	vst v63  }
0x51: {  	_ =	swait.ge [sflag:s16], $0x1000  }
0x52: {  	[sflag:s16] =	ssyncset.done $0x0  }
0x53: {  	[sflag:s16] =	ssyncadd.s32 $0xFFFFF000  }
0x54: {  	[bflag:$0x0] =	sbarrier.arrive $0xFFFF  }
0x55: {  	[tilespmem:s12], [sflag:$0x2] =	stream.linear.gather [spmem:s4], $0x9C40, $0x38;
	[tilespmem:$0x15980] =	vst v63  }
0x56: {  	_ =	swait.ge [sflag:s13], $0x9C40  }
0x57: {  	s17 =	sadd.s32 $0x1, s17;
	[sflag:s13] =	ssyncset.done $0x0  }
0x58: {  	p0 =	sne.s32 s17, s7;
	[sflag:s13] =	ssyncadd.s32 $0xFFFF63C0  }
0x59: {  	[hbm4b:s6+s3] =	stream.linear.scatter [tilespmem:s12], [sflag:$0x2], $0x9C40, $0x38;
	[tilespmem:$0x15980] =	vst v63  }
.Ltmp4:
0x5a: {  	_ = 	snop;
	(pc) =	sbr.rel @p0 .LBB2_1-.Ltmp4, $4  }
.Ltmp5:
0x5b: {  	_ = 	snop;
	(pc) =	sbr.rel @!p0 .LBB2_8-.Ltmp5, $4  }
0x5c: {  	_ =	swait.ge [sflag:s13], $0x9C40  }
0x5d: {  	[sflag:s13] =	ssyncset.done $0x0  }
0x5e: {  	[sflag:s13] =	ssyncadd.s32 $0xFFFF63C0  }
0x5f: {  	_ = 	snop  }
.LBB2_4:
.Ltmp6:
0x60: {  	(pc) =	sbr.rel .LBB2_7-.Ltmp6, $2  }
0x61: {  	_ =	sdelay $0x2  }
0x62: {  	s20 =	smov.u32 s11;
	s19 =	smov.u32 s10  }
.LBB2_8:
0x63: {  	_ =	sfence.sel $0x180000  }
0x64: {  	[bflag:$0x0] =	sbarrier.arrive $0xFFFF  }
0x65: {  	p0 =	sne.s32 s2, $0x0;
	_ =	strace $0x90000050  }
0x66: {  	s0 =	sadd.s32 @!p0 $0x100000, s0;
	[bflag:$0x2] =	sbarrier.arrive $0xFFFF  }
0x67: {  	[sflag:s0] =	ssyncadd.tile.s32 @!p0 $0x1;
	_ =	shalt  }
.Lfunc_end2:
_tile_overlayer_lowered:
.L_overlay_start_2:
0x68: {  	(tag) =	ssettag $0x2  }
0x69: {  	s0 =	rddreg [dreg:$0x0];
	s2 =	stileid.u32  }
0x6a: {  	s1 =	rddreg [dreg:$0x1];
	p0 =	sne.s32 s2, $0x0  }
0x6b: {  	s3 =	rddreg [dreg:$0x2];
	[bflag:$0x3] =	sbarrier.arrive $0xFFFF;
	s2 =	simm.s32 @!p0 $0x1C02  }
0x6c: {  	[timem:s3], [sflag:s2] =	dma.local @!p0 [hbm:s0], s1  }
0x6d: {  	s0 =	simm.s32 @!p0 $0x2  }
0x6e: {  	_ =	swait.ge @!p0 [sflag:s0], s1  }
0x6f: {  	s1 =	ssub.s32 @!p0 $0x0, s1;
	[sflag:s0] =	ssyncset.done @!p0 $0x0  }
0x70: {  	[sflag:s0] =	ssyncadd.s32 @!p0 s1  }
0x71: {  	[bflag:$0x3] =	sbarrier.arrive $0xFFFF  }
0x72: {  	_ =	shalt  }

// kernel: kernel.19.cloned.1.call-start
scs
__scs_entry_jumppad:
0x0: {  	(pc) =	sbr.rel $0x88, $3  }
0x1: {  	(tag) =	ssettag $0x0;
	lr =	simm.s32 $0x1  }
0x2: {  	[smem:$0x3F8D] =	sst lr;
	_ =	strace $0xD0000000  }
0x3: {  	_ = 	snop  }
0x4: {  	_ = 	snop  }
0x5: {  	_ = 	snop  }
0x6: {  	_ = 	snop  }
0x7: {  	_ = 	snop  }
__scs_overlays_trampoline_lowered:
0x8: {  	[smem:$0x3F9C] =	sst s0  }
0x9: {  	[smem:$0x3F9D] =	sst s1  }
0xa: {  	[smem:$0x3F9E] =	sst s2  }
0xb: {  	[smem:$0x3F9F] =	sst s3  }
0xc: {  	[smem:$0x3FA0] =	sst s4  }
0xd: {  	[smem:$0x3FA1] =	sst s5  }
0xe: {  	[smem:$0x3FA2] =	sst s6  }
0xf: {  	[smem:$0x3FA3] =	sst s7  }
0x10: {  	[smem:$0x3FA4] =	sst s8  }
0x11: {  	[smem:$0x3FA5] =	sst s9;
	s0 =	simm.s32 @!p0 $0x0  }
0x12: {  	s1 =	sld [smem:$0x3F8B];
	s0 =	simm.s32 @p0 $0x1  }
0x13: {  	[smem:$0x3FA6] =	sst s0;
	s0 =	simm.s32 @!p1 $0x0  }
0x14: {  	s2 =	sld [smem:$0x3F8A];
	s0 =	simm.s32 @p1 $0x1  }
0x15: {  	[smem:$0x3FA7] =	sst s0;
	s0 =	simm.s32 @!p2 $0x0  }
0x16: {  	s3 =	sld [smem:$0x3FDB];
	s0 =	simm.s32 @p2 $0x1  }
0x17: {  	s4 =	simm.s32 $0x1BF5;
	[smem:$0x3FA9] =	sst s0  }
0x18: {  	s0 =	sld [smem:$0x3F8C];
	_ =	swait.ge [sflag:s4], $0x0  }
0x19: {  	s7 =	sld [smem:$0x3F8D]  }
0x1a: {  	s8 =	sadd.s32 $0xFFFFE003, lr  }
0x1b: {  	s9 =	sadd.s32 $0xFFFFFEF7, lr;
	s5 =	simm.s32 $0xFFFFFFFF;
	p2 =	slt.u32 s8, $0xFFFFF086  }
0x1c: {  	p1 =	slt.u32 s9, $0xF7A;
	s5 =	simm.s32 @!p2 $0x0  }
0x1d: {  	s5 =	simm.s32 @p1 $0x1;
	p0 =	seq.s32 s7, s2  }
0x1e: {  	s7 =	smul.u32 @!p0 $0xF7A, s2;
	p2 =	seq.s32 @!p0 s5, $0x0  }
0x1f: {  	s9 =	smul.u32 $0xF7A, s1;
	s8 =	simm.s32 @!p0 $0x1BF5;
	p2 =	por !p2, p0  }
0x20: {  	[sflag:s8] =	ssyncset.s32 @!p0 $0xFFFFF086;
	s6 =	sadd.s32 @!p0 s3, s7;
	s7 =	simm.s32 @!p0 $0x108  }
0x21: {  	s3 =	sadd.s32 s3, s9;
	s6 =	sadd.s32 @!p0 $0x88, s6;
	s7 =	simm.s32 @p2 $0x1082  }
0x22: {  	[simem:s7], [sflag:s8] =	dma.local @!p0 [hbm:s6], $0xF7A  }
0x23: {  	s9 =	sor.u32 $0xD0000000, s2;
	s6 =	simm.s32 $0x108;
	_ =	swait.ge @!p0 [sflag:s8], $0x0  }
0x24: {  	s3 =	sadd.s32 $0x88, s3;
	s6 =	simm.s32 @!p1 $0x1082;
	[sflag:s4] =	ssyncset.s32 $0xFFFFF086  }
0x25: {  	[simem:s6], [sflag:s4] =	dma.local [hbm:s3], $0xF7A  }
0x26: {  	[smem:$0x3F8D] =	sst s1;
	(tag) =	ssettag s2;
	_ =	strace s9  }
0x27: {  	s1 =	sld [smem:$0x3F9D]  }
0x28: {  	s2 =	sld [smem:$0x3F9E]  }
0x29: {  	s4 =	sld [smem:$0x3FA0]  }
0x2a: {  	p0 =	seq.s32 s5, $0x0;
	s5 =	sld [smem:$0x3FA1]  }
0x2b: {  	s6 =	sld [smem:$0x3FA2]  }
0x2c: {  	s7 =	sld [smem:$0x3FA3]  }
0x2d: {  	s3 =	simm.s32 $0x108;
	s8 =	sld [smem:$0x3FA4]  }
0x2e: {  	s3 =	simm.s32 @!p0 $0x1082;
	s9 =	sld [smem:$0x3FA5]  }
0x2f: {  	lr =	sadd.s32 s0, s3;
	s0 =	sld [smem:$0x3F9C]  }
0x30: {  	s3 =	sld [smem:$0x3F9F]  }
0x31: {  	[smem:$0x3FA8] =	sst s10  }
0x32: {  	s10 =	sld [smem:$0x3FA6];
	_ =	sdelay $0x3  }
0x33: {  	p0 =	seq.s32 s10, $0x1;
	s10 =	sld [smem:$0x3FA8];
	_ =	sdelay $0x3  }
0x34: {  	[smem:$0x3FA8] =	sst s10  }
0x35: {  	s10 =	sld [smem:$0x3FA7];
	_ =	sdelay $0x3  }
0x36: {  	p1 =	seq.s32 s10, $0x1;
	s10 =	sld [smem:$0x3FA8];
	_ =	sdelay $0x3  }
0x37: {  	[smem:$0x3FA8] =	sst s10  }
0x38: {  	s10 =	sld [smem:$0x3FA9]  }
0x39: {  	_ = 	snop;
	(pc) =	sbr.ind lr, $3  }
0x3a: {  	_ = 	snop  }
0x3b: {  	_ = 	snop  }
0x3c: {  	p2 =	seq.s32 s10, $0x1;
	s10 =	sld [smem:$0x3FA8]  }
0x3d: {  	_ =	shalt  }
0x3e: {  	_ =	shalt  }
0x3f: {  	_ =	shalt  }
0x40: {  	_ =	shalt  }
0x41: {  	_ =	shalt  }
0x42: {  	_ =	shalt  }
0x43: {  	_ =	shalt  }
0x44: {  	_ =	shalt  }
0x45: {  	_ =	shalt  }
0x46: {  	_ =	shalt  }
0x47: {  	_ =	shalt  }
0x48: {  	_ =	shalt  }
0x49: {  	_ =	shalt  }
0x4a: {  	_ =	shalt  }
0x4b: {  	_ =	shalt  }
0x4c: {  	_ =	shalt  }
0x4d: {  	_ =	shalt  }
0x4e: {  	_ =	shalt  }
0x4f: {  	_ =	shalt  }
0x50: {  	_ =	shalt  }
0x51: {  	_ =	shalt  }
0x52: {  	_ =	shalt  }
0x53: {  	_ =	shalt  }
0x54: {  	_ =	shalt  }
0x55: {  	_ =	shalt  }
0x56: {  	_ =	shalt  }
0x57: {  	_ =	shalt  }
0x58: {  	_ =	shalt  }
0x59: {  	_ =	shalt  }
0x5a: {  	_ =	shalt  }
0x5b: {  	_ =	shalt  }
0x5c: {  	_ =	shalt  }
0x5d: {  	_ =	shalt  }
0x5e: {  	_ =	shalt  }
0x5f: {  	_ =	shalt  }
0x60: {  	_ =	shalt  }
0x61: {  	_ =	shalt  }
0x62: {  	_ =	shalt  }
0x63: {  	_ =	shalt  }
0x64: {  	_ =	shalt  }
0x65: {  	_ =	shalt  }
0x66: {  	_ =	shalt  }
0x67: {  	_ =	shalt  }
0x68: {  	_ =	shalt  }
0x69: {  	_ =	shalt  }
0x6a: {  	_ =	shalt  }
0x6b: {  	_ =	shalt  }
0x6c: {  	_ =	shalt  }
0x6d: {  	_ =	shalt  }
0x6e: {  	_ =	shalt  }
0x6f: {  	_ =	shalt  }
0x70: {  	_ =	shalt  }
0x71: {  	_ =	shalt  }
0x72: {  	_ =	shalt  }
0x73: {  	_ =	shalt  }
0x74: {  	_ =	shalt  }
0x75: {  	_ =	shalt  }
0x76: {  	_ =	shalt  }
0x77: {  	_ =	shalt  }
0x78: {  	_ =	shalt  }
0x79: {  	_ =	shalt  }
0x7a: {  	_ =	shalt  }
0x7b: {  	_ =	shalt  }
0x7c: {  	_ =	shalt  }
0x7d: {  	_ =	shalt  }
0x7e: {  	_ =	shalt  }
0x7f: {  	_ =	shalt  }
0x80: {  	_ =	shalt  }
0x81: {  	_ =	shalt  }
0x82: {  	_ =	shalt  }
0x83: {  	_ =	shalt  }
0x84: {  	_ =	shalt  }
0x85: {  	_ =	shalt  }
0x86: {  	_ =	shalt  }
0x87: {  	_ =	shalt  }
.Lfunc_end0:
.L_simem_size_0:
called_computation.3_lowered:
.L_overlay_start_0:
0x88: {  	s2 =	sld [smem:$0x3FD9]  }
0x89: {  	s3 =	sld [smem:$0x3FFE];
	_ =	sdelay $0x1  }
0x8a: {  	s1 =	srdreg.scid  }
0x8b: {  	s0 =	sand.u32 $0x1, s1  }
0x8c: {  	s17 =	sshll.u32 s0, $0xA;
	s2 =	sadd.s32 s3, s2  }
0x8d: {  	s2 =	sadd.s32 s2, s17  }
0x8e: {  	[smem:$0x3FB4] =	sst s2  }
0x8f: {  	_ = 	snop  }
0x90: {  	(tm) =	ssettm $0x1  }
0x91: {  	s18 =	sld [smem:$0x3FFB];
	_ =	sdelay $0x3  }
0x92: {  	_ =	strace s18  }
0x93: {  	s2 =	sld [smem:$0x3FFC];
	_ =	sdelay $0x3  }
0x94: {  	_ =	strace s2  }
0x95: {  	s2 =	sld [smem:$0x3FFD];
	_ =	sdelay $0x3  }
0x96: {  	_ =	strace s2  }
0x97: {  	_ =	strace $0x8FFFFFFF  }
0x98: {  	s19 =	sld [smem:$0x3FDB];
	_ =	sdelay $0x1  }
0x99: {  	s20 =	simm.s32 $_scs_section_size  }
0x9a: {  	s4 =	simm.s32 $_size__tile_overlayer_lowered;
	s5 =	simm.s32 $_tile_overlayer_lowered  }
0x9b: {  	s6 =	simm.s32 $0x1BFF;
	s21 =	sshll.u32 s5, $0x1;
	s3 =	sadd.s32 s20, s19  }
0x9c: {  	s22 =	simm.s32 $0x0;
	s4 =	sshll.u32 s4, $0x1;
	s5 =	sadd.s32 s21, s3  }
0x9d: {  	[timem:s22], [sflag:s6] =	dma.local [hbm:s5], s4  }
0x9e: {  	_ =	swait.ge [sflag:s6], s4  }
0x9f: {  	s4 =	ssub.s32 $0x0, s4;
	[sflag:s6] =	ssyncset.done $0x0  }
0xa0: {  	[sflag:s6] =	ssyncadd.s32 s4;
	_ =	sdelay $0x1  }
0xa1: {  	s23 =	simm.s32 $0x1B8B  }
0xa2: {  	_ =	swait.ge [sflag:s23], $0x1  }
0xa3: {  	[sflag:s23] =	ssyncset.done $0x0  }
0xa4: {  	[sflag:s23] =	ssyncadd.s32 $0xFFFFFFFF  }
0xa5: {  	s4 =	sld [smem:$0x0]  }
0xa6: {  	s5 =	sand.u32 $0xFFFFFFFE, s1  }
0xa7: {  	p0 =	sne.s32 s1, s5  }
0xa8: {  	s5 =	sshll.u32 @p0 s5, $0xE  }
0xa9: {  	s5 =	sadd.s32 @p0 $0x11B8D, s5;
	s6 =	sshll.u32 @p0 s4, $0x11  }
0xaa: {  	s5 =	sor.u32 @p0 s6, s5  }
0xab: {  	[sflag:s5] =	ssyncadd.remote.s32 @p0 $0x1;
	_ =	sdelay $0x1  }
0xac: {  	s5 =	simm.s32 @p0 $0x1B8D  }
0xad: {  	_ =	swait.eq @p0 [sflag:s5], $0x1  }
0xae: {  	[sflag:s5] =	ssyncadd.s32 @p0 $0xFFFFFFFF  }
0xaf: {  	s6 =	sshll.u32 @!p0 s1, $0xE  }
0xb0: {  	s6 =	sor.u32 @!p0 $0x4000, s6;
	s5 =	simm.s32 @!p0 $0x1B8D  }
0xb1: {  	s4 =	sshll.u32 @!p0 s4, $0x11;
	s6 =	sadd.s32 @!p0 $0x11B8D, s6;
	_ =	swait.eq @!p0 [sflag:s5], $0x1  }
0xb2: {  	s4 =	sor.u32 @!p0 s4, s6;
	[sflag:s5] =	ssyncadd.s32 @!p0 $0xFFFFFFFF  }
0xb3: {  	s25 =	simm.s32 $0x1B8E;
	s24 =	sld [smem:$0x3FFE];
	[sflag:s4] =	ssyncadd.remote.s32 @!p0 $0x1  }
0xb4: {  	s26 =	simm.s32 $execute0_lowered;
	[smem:$0x3FD2] =	sst s25  }
0xb5: {  	s5 =	sshll.u32 s26, $0x1;
	_ =	strace $0x8000004C;
	[dreg:$0x1] =	wrdreg $0xFFFFFFFF  }
0xb6: {  	s28 =	simm.s32 $_size_execute0_lowered;
	s3 =	sadd.s32 s3, s5;
	[dreg:$0x0] =	wrdreg $0x0  }
0xb7: {  	s5 =	sshll.u32 s28, $0x1;
	[dreg:$0x2] =	wrdreg s3  }
0xb8: {  	[dreg:$0x3] =	wrdreg s5  }
0xb9: {  	[dreg:$0x4] =	wrdreg $0xC0  }
0xba: {  	_ =	task [dreg:s22], $0x5FFFF  }
0xbb: {  	[dreg:$0x1] =	wrdreg $0xFFFFFFFF  }
0xbc: {  	[dreg:$0x0] =	wrdreg $0x60  }
0xbd: {  	[dreg:$0x2] =	wrdreg s24  }
0xbe: {  	[dreg:$0x3] =	wrdreg $0xBD400  }
0xbf: {  	[dreg:$0x4] =	wrdreg $0xA  }
0xc0: {  	_ =	task.clear_ibuf [dreg:s22], $0x5FFFF;
	_ =	strace $0x9000004C  }
0xc1: {  	s29 =	simm.s32 $0xA;
	_ =	strace $0x8000004E  }
0xc2: {  	_ =	swait.ge [sflag:s29], $0x1  }
0xc3: {  	[sflag:s29] =	ssyncadd.s32 $0xFFFFFFFF  }
0xc4: {  	_ =	strace $0x9000004E  }
0xc5: {  	_ =	sfence  }
0xc6: {  	s30 =	sld [smem:$0x0];
	_ =	sdelay $0x2  }
0xc7: {  	s31 =	sshll.u32 s1, $0xD;
	s1 =	sshrl.u32 s1, $0x2  }
0xc8: {  	s4 =	sand.u32 $0x4000, s31;
	s1 =	sadd.s32 s1, s30  }
0xc9: {  	s0 =	sor.u32 s4, s0;
	s1 =	sshll.u32 s1, $0x11  }
0xca: {  	s0 =	sor.u32 s1, s0  }
0xcb: {  	s0 =	sadd.s32 $0x8F2B, s0  }
0xcc: {  	[sflag:s0] =	ssyncadd.remote.s32 $0x1  }
0xcd: {  	_ =	sfence.sel $0xFFFF  }
0xce: {  	[dreg:$0x0] =	wrdreg $0xFFFFFFFF;
	(pc) =	sbr.abs _section_cstart, $3  }
0xcf: {  	[dreg:$0x1] =	wrdreg $0xFFFFFFFF  }
0xd0: {  	_ =	task.clear_ibuf [dreg:s22], $0x2FFFF;
	_ =	strace $0x9FFFFFFF  }
0xd1: {  	(tm) =	ssettm $0x7FFFFFFF  }
tec
execute0_lowered:
.L_overlay_start_1:
0x0: {  	(tag) =	ssettag $0x1  }
0x1: {  	s4 =	rddreg [dreg:$0x0];
	s1 =	stileid.u32  }
0x2: {  	s2 =	rddreg [dreg:$0x1];
	s28 =	smul.u32 $0x9C40, s1  }
0x3: {  	s5 =	srdreg.scid;
	s14 =	smul.u32 $0x960, s1  }
0x4: {  	s0 =	rddreg [dreg:$0x2];
	s7 =	sand.u32 $0x1, s5;
	s15 =	smul.u32 $0x12C00, s1  }
0x5: {  	s3 =	simm.s32 $0x0;
	s16 =	simm.s32 $0x0;
	s6 =	smul.u32 $0x9C400, s7  }
0x6: {  	[smem:$0x7FF] =	sst s3;
	s8 =	sshll.u32 s1, $0x1;
	s29 =	smul.u32 $0x4B0, s7  }
0x7: {  	s9 =	sadd.s32 $0x6200, s4;
	s8 =	sor.u32 s7, s8;
	s30 =	smul.u32 $0x9600, s7  }
0x8: {  	s10 =	sadd.s32 $0xEAC200, s4;
	s11 =	ssub.s32 $0x2, s7;
	s12 =	smul.u32 $0x4B0, s8  }
0x9: {  	_ =	strace $0x8000004D;
	s13 =	sshrl.u32 s11, $0x1;
	s8 =	smul.u32 $0x9600, s8  }
0xa: {  	s31 =	sadd.s32 s15, s9;
	s15 =	simm.s32 $0x1;
	s6 =	sadd.s32 s28, s6  }
0xb: {  	s11 =	ssub.s32 s11, s13;
	s13 =	simm.s32 $0x100;
	s6 =	sshrl.u32 s6, $0x3  }
0xc: {  	s12 =	sadd.s32 s12, s10;
	s10 =	sadd.s32 s14, s10;
	s8 =	sadd.s32 s9, s8  }
0xd: {  	s14 =	simm.s32 $0x80;
	s6 =	sadd.s32 s6, s4;
	s4 =	sadd.s32 s28, s2  }
0xe: {  	s7 =	sadd.s32 $0xA280, s12;
	s10 =	sadd.s32 s29, s10;
	s12 =	simm.s32 $0x2  }
0xf: {  	s5 =	sadd.s32 $0xEBFC00, s6;
	s6 =	smax.u32 s11, $0x1;
	s11 =	sadd.s32 s30, s31  }
0x10: {  	v0 =	vimm.f32 $0.0e+00;
	s9 =	sadd.s32 $0xA290, s10;
	s10 =	sadd.s32 $0x200, s11;
	s11 =	simm.s32 $0x2100  }
.LBB2_1:
0x11: {  	s17 =	simm.s32 $0x80;
	s18 =	simm.s32 $0x0  }
.LBB2_2:
0x12: {  	p0 =	sne.s32 s17, $0x27080;
	[tilespmem:s18+$0x2100] =	vst v0;
	s19 =	smov.u32 s17;
	s17 =	sadd.s32 $0x80, s17  }
.Ltmp0:
0x13: {  	[tilespmem:s18+$0x2110] =	vst v0;
	(pc) =	sbr.rel @p0 .LBB2_2-.Ltmp0, $2  }
0x14: {  	_ =	sdelay $0x2  }
0x15: {  	s18 =	sshra.s32 s19, $0x2  }
0x16: {  	[tilespmem:s18+$0x2100] =	vst v0  }
0x17: {  	[tilespmem:s18+$0x2110] =	vst v0  }
0x18: {  	[spmem:s4] =	stream.linear.scatter [tilespmem:s11], [sflag:$0x2], $0x9C40, $0x38;
	[tilespmem:$0x15980] =	vst v63  }
0x19: {  	_ =	swait.ge [sflag:s12], $0x9C40  }
0x1a: {  	[sflag:s12] =	ssyncset.done $0x0  }
0x1b: {  	[sflag:s12] =	ssyncadd.s32 $0xFFFF63C0  }
0x1c: {  	[bflag:$0x0] =	sbarrier.arrive $0xFFFF  }
0x1d: {  	[tilespmem:s3], [sflag:$0x2] =	stream.linear.gather [hbm4b:s7+s3], $0x80, $0x38;
	[tilespmem:$0x15980] =	vst v63  }
0x1e: {  	_ =	swait.ge [sflag:s12], $0x80  }
0x1f: {  	[sflag:s12] =	ssyncset.done $0x0  }
0x20: {  	[sflag:s12] =	ssyncadd.s32 $0xFFFFFF80  }
0x21: {  	[tilespmem:s13], [sflag:$0x2] =	stream.linear.gather [hbm4b:s8+s3], $0x1000, $0x38;
	[tilespmem:$0x15980] =	vst v63  }
0x22: {  	_ =	swait.ge [sflag:s12], $0x1000  }
0x23: {  	s17 =	simm.s32 $0x1;
	[sflag:s12] =	ssyncset.done $0x0  }
0x24: {  	s30 =	sand.u32 $0x1, s17;
	[sflag:s12] =	ssyncadd.s32 $0xFFFFF000  }
0x25: {  	[spmem:s2] =	stream.indirect.scatter.add.f32 [tilespmem:s13], [sflag:$0x1], $0x20, s3, s14, $0xb8;
	[tilespmem:$0x15980] =	vst v63  }
0x26: {  	s17 =	sshll.u32 s30, $0x7  }
0x27: {  	[tilespmem:s17], [sflag:$0x2] =	stream.linear.gather [hbm4b:s9+s3], $0x80, $0x38;
	[tilespmem:$0x15980] =	vst v63  }
0x28: {  	_ =	swait.ge [sflag:s12], $0x80  }
0x29: {  	s18 =	sshll.u32 s30, $0xC;
	[sflag:s12] =	ssyncset.done $0x0  }
0x2a: {  	s22 =	sor.u32 $0x100, s18;
	[sflag:s12] =	ssyncadd.s32 $0xFFFFFF80  }
0x2b: {  	[tilespmem:s22], [sflag:$0x2] =	stream.linear.gather [hbm4b:s10+s3], $0x1000, $0x38;
	[tilespmem:$0x15980] =	vst v63  }
0x2c: {  	_ =	swait.ge [sflag:s12], $0x1000  }
0x2d: {  	[sflag:s12] =	ssyncset.done $0x0  }
0x2e: {  	[sflag:s12] =	ssyncadd.s32 $0xFFFFF000  }
0x2f: {  	s31 =	simm.s32 $0x2;
	s23 =	simm.s32 $0x3;
	_ =	swait.ge [sflag:s15], $0x1000  }
0x30: {  	s21 =	sadd.s32 $0x10, s9;
	s19 =	sand.u32 $0x1, s31;
	[sflag:s15] =	ssyncset.done $0x0  }
0x31: {  	s20 =	sadd.s32 $0x200, s10;
	s18 =	sshll.u32 s19, $0xC;
	[sflag:s15] =	ssyncadd.s32 $0xFFFFF000  }
.LBB2_4:
0x32: {  	[spmem:s2] =	stream.indirect.scatter.add.f32 [tilespmem:s22], [sflag:$0x1], $0x20, s17, s14, $0xb8;
	[tilespmem:$0x15980] =	vst v63  }
0x33: {  	s22 =	smov.u32 s23  }
0x34: {  	s24 =	sadd.s32 $0x1, s23;
	s17 =	sshll.u32 s19, $0x7;
	s19 =	sand.u32 $0x1, s22  }
0x35: {  	[tilespmem:s17], [sflag:$0x2] =	stream.linear.gather [hbm4b:s21+s3], $0x80, $0x38;
	[tilespmem:$0x15980] =	vst v63  }
0x36: {  	p0 =	sne.s32 s23, $0x4A;
	s25 =	sshll.u32 s19, $0xC;
	_ =	swait.ge [sflag:s12], $0x80  }
0x37: {  	[sflag:s12] =	ssyncset.done $0x0  }
0x38: {  	s22 =	sor.u32 $0x100, s18;
	s18 =	smov.u32 s25;
	[sflag:s12] =	ssyncadd.s32 $0xFFFFFF80  }
0x39: {  	[tilespmem:s22], [sflag:$0x2] =	stream.linear.gather [hbm4b:s20+s3], $0x1000, $0x38;
	[tilespmem:$0x15980] =	vst v63  }
0x3a: {  	_ =	swait.ge [sflag:s12], $0x1000  }
.Ltmp1:
0x3b: {  	[sflag:s12] =	ssyncset.done $0x0;
	(pc) =	sbr.rel @p0 .LBB2_4-.Ltmp1, $4  }
0x3c: {  	[sflag:s12] =	ssyncadd.s32 $0xFFFFF000  }
0x3d: {  	_ =	swait.ge [sflag:s15], $0x1000  }
0x3e: {  	s23 =	smov.u32 s24;
	[sflag:s15] =	ssyncset.done $0x0  }
0x3f: {  	s21 =	sadd.s32 $0x10, s21;
	s20 =	sadd.s32 $0x200, s20;
	[sflag:s15] =	ssyncadd.s32 $0xFFFFF000  }
0x40: {  	[spmem:s2] =	stream.indirect.scatter.add.f32 [tilespmem:s22], [sflag:$0x1], $0x20, s17, s14, $0xb8;
	[tilespmem:$0x15980] =	vst v63  }
0x41: {  	s31 =	sshll.u32 s19, $0x7  }
0x42: {  	[tilespmem:s31], [sflag:$0x2] =	stream.linear.gather [hbm4b:s21+s3], $0x80, $0x38;
	[tilespmem:$0x15980] =	vst v63  }
0x43: {  	_ =	swait.ge [sflag:s12], $0x80  }
0x44: {  	[sflag:s12] =	ssyncset.done $0x0  }
0x45: {  	s18 =	sor.u32 $0x100, s18;
	[sflag:s12] =	ssyncadd.s32 $0xFFFFFF80  }
0x46: {  	[tilespmem:s18], [sflag:$0x2] =	stream.linear.gather [hbm4b:s20+s3], $0x1000, $0x38;
	[tilespmem:$0x15980] =	vst v63  }
0x47: {  	_ =	swait.ge [sflag:s12], $0x1000  }
0x48: {  	[sflag:s12] =	ssyncset.done $0x0  }
0x49: {  	[sflag:s12] =	ssyncadd.s32 $0xFFFFF000  }
0x4a: {  	_ =	swait.ge [sflag:s15], $0x1000  }
0x4b: {  	[sflag:s15] =	ssyncset.done $0x0  }
0x4c: {  	[sflag:s15] =	ssyncadd.s32 $0xFFFFF000  }
0x4d: {  	[spmem:s2] =	stream.indirect.scatter.add.f32 [tilespmem:s18], [sflag:$0x1], $0x20, s31, s14, $0xb8;
	[tilespmem:$0x15980] =	vst v63  }
0x4e: {  	_ =	swait.ge [sflag:s15], $0x1000  }
0x4f: {  	[sflag:s15] =	ssyncset.done $0x0  }
0x50: {  	[sflag:s15] =	ssyncadd.s32 $0xFFFFF000  }
0x51: {  	[bflag:$0x0] =	sbarrier.arrive $0xFFFF  }
0x52: {  	[tilespmem:s11], [sflag:$0x2] =	stream.linear.gather [spmem:s4], $0x9C40, $0x38;
	[tilespmem:$0x15980] =	vst v63  }
0x53: {  	s16 =	sadd.s32 $0x1, s16;
	_ =	swait.ge [sflag:s12], $0x9C40  }
0x54: {  	p0 =	sne.s32 s16, s6;
	[sflag:s12] =	ssyncset.done $0x0  }
.Ltmp2:
0x55: {  	[sflag:s12] =	ssyncadd.s32 $0xFFFF63C0;
	(pc) =	sbr.rel @p0 .LBB2_1-.Ltmp2, $4  }
0x56: {  	[hbm4b:s5+s3] =	stream.linear.scatter [tilespmem:s11], [sflag:$0x2], $0x9C40, $0x38;
	[tilespmem:$0x15980] =	vst v63  }
0x57: {  	_ =	swait.ge [sflag:s12], $0x9C40  }
0x58: {  	[sflag:s12] =	ssyncset.done $0x0  }
0x59: {  	[sflag:s12] =	ssyncadd.s32 $0xFFFF63C0  }
0x5a: {  	_ =	sfence.sel $0x180000  }
0x5b: {  	[bflag:$0x0] =	sbarrier.arrive $0xFFFF  }
0x5c: {  	p0 =	sne.s32 s1, $0x0;
	_ =	strace $0x9000004D  }
0x5d: {  	s0 =	sadd.s32 @!p0 $0x100000, s0;
	[bflag:$0x2] =	sbarrier.arrive $0xFFFF  }
0x5e: {  	[sflag:s0] =	ssyncadd.tile.s32 @!p0 $0x1;
	_ =	shalt  }
.Lfunc_end2:
_tile_overlayer_lowered:
.L_overlay_start_2:
0x5f: {  	(tag) =	ssettag $0x2  }
0x60: {  	s0 =	rddreg [dreg:$0x0];
	s2 =	stileid.u32  }
0x61: {  	s1 =	rddreg [dreg:$0x1];
	p0 =	sne.s32 s2, $0x0  }
0x62: {  	s3 =	rddreg [dreg:$0x2];
	[bflag:$0x3] =	sbarrier.arrive $0xFFFF;
	s2 =	simm.s32 @!p0 $0x1C02  }
0x63: {  	[timem:s3], [sflag:s2] =	dma.local @!p0 [hbm:s0], s1  }
0x64: {  	s0 =	simm.s32 @!p0 $0x2  }
0x65: {  	_ =	swait.ge @!p0 [sflag:s0], s1  }
0x66: {  	s1 =	ssub.s32 @!p0 $0x0, s1;
	[sflag:s0] =	ssyncset.done @!p0 $0x0  }
0x67: {  	[sflag:s0] =	ssyncadd.s32 @!p0 s1  }
0x68: {  	[bflag:$0x3] =	sbarrier.arrive $0xFFFF  }
0x69: {  	_ =	shalt  }

</sc_bundles>
